<compile_context>
chip_gen: v7x
topology: tpu7x:2x2x1
jax: 0.10.2.dev20260603
libtpu: 0.0.44.dev20260713+nightly
codegen_flags: <defaults>
</compile_context>

<pallas_src>
import numpy as np
import jax
import jax.numpy as jnp
from jax import lax
from jax.experimental import pallas as pl
from jax.experimental.pallas import tpu as pltpu
from jax.experimental.pallas import tpu_sc as plsc

HIDDEN = 768
BATCH = 4
SEQ = 8192
EPS = 1e-5
SCALE = float(np.sqrt(np.float64(HIDDEN)))

NC, NS, LANES = 2, 16, 16
NW = NC * NS
POS_PER_W = SEQ // NW
CH = 8
G = BATCH * CH
NCHUNK = POS_PER_W // CH
NBUF = 3
NSLICE = HIDDEN // LANES


def _build_pe():
    position = np.arange(SEQ, dtype=np.float64)[:, None]
    denom = np.power(1000.0, np.arange(0, HIDDEN, 2, dtype=np.float64) / HIDDEN)
    odd = np.cos(position / denom)
    even = np.sin(position / denom)
    return np.stack([odd, even], axis=-1).reshape(SEQ, HIDDEN).astype(np.float32)


_PE = _build_pe()


def _butterfly8(vs):
    idx = lax.iota(jnp.int32, LANES)
    for sh in (1, 2, 4, 8):
        perm = jnp.bitwise_xor(idx, jnp.full((LANES,), sh, jnp.int32))
        vs = [v + v[perm] for v in vs]
    return vs


def _rsqrt_vec(v):
    i = lax.bitcast_convert_type(v, jnp.int32)
    i = jnp.full((LANES,), 0x5F3759DF, jnp.int32) - lax.shift_right_logical(
        i, jnp.full((LANES,), 1, jnp.int32))
    y = lax.bitcast_convert_type(i, jnp.float32)
    half = v * 0.5
    for _ in range(3):
        y = y * (1.5 - half * y * y)
    return y


def _sc_body(ids_hbm, table_hbm, pe_hbm, gamma_hbm, beta_hbm, out_hbm,
             idx_v, pe_v, rows_v, mstd_v, gb_v, gsem, psem, osem):
    cid = lax.axis_index("c")
    sid = lax.axis_index("s")
    wid = sid * NC + cid
    pos0 = wid * POS_PER_W

    pltpu.sync_copy(ids_hbm.at[wid], idx_v)
    pltpu.sync_copy(gamma_hbm, gb_v.at[0])
    pltpu.sync_copy(beta_hbm, gb_v.at[1])

    def issue(c, buf):
        pltpu.async_copy(table_hbm.at[idx_v.at[c]], rows_v.at[buf],
                         gsem.at[buf])
        pltpu.async_copy(pe_hbm.at[pl.ds(pos0 + c * CH, CH), :],
                         pe_v.at[buf], psem.at[buf])

    def drain_out(buf):
        for b in range(BATCH):
            pltpu.make_async_copy(
                rows_v.at[buf, pl.ds(b * CH, CH), :],
                out_hbm.at[b, pl.ds(pos0, CH), :], osem.at[buf]).wait()

    issue(0, 0)

    def step(c, carry):
        buf = lax.rem(c, NBUF)
        nxt = lax.rem(c + 1, NBUF)

        @pl.when(c + 1 < NCHUNK)
        def _prefetch():
            @pl.when(c >= NBUF - 1)
            def _drain():
                drain_out(nxt)
            issue(c + 1, nxt)

        pltpu.make_async_copy(table_hbm.at[idx_v.at[c]], rows_v.at[buf],
                              gsem.at[buf]).wait()
        pltpu.make_async_copy(pe_hbm.at[pl.ds(pos0, CH), :], pe_v.at[buf],
                              psem.at[buf]).wait()

        rvb = rows_v.at[buf]
        pvb = pe_v.at[buf]

        @plsc.parallel_loop(0, CH, step=1, unroll=2)
        def pos_body(t):
            zero = jnp.zeros((LANES,), jnp.float32)
            init = (zero,) * (2 * BATCH)

            @plsc.parallel_loop(0, NSLICE, step=1, unroll=4, carry=init)
            def stats_body(k, sums):
                sl = pl.ds(k * LANES, LANES)
                pv = pvb[t, sl]
                out = list(sums)
                for b in range(BATCH):
                    x = rvb[b * CH + t, sl] * SCALE + pv
                    out[2 * b] = out[2 * b] + x
                    out[2 * b + 1] = out[2 * b + 1] + x * x
                return tuple(out)

            sums = _butterfly8(list(stats_body))
            ms, istds = [], []
            for b in range(BATCH):
                m = sums[2 * b] * (1.0 / HIDDEN)
                var = sums[2 * b + 1] * (1.0 / HIDDEN) - m * m
                ms.append(m)
                istds.append(_rsqrt_vec(var + EPS))

            @plsc.parallel_loop(0, NSLICE, step=1, unroll=4)
            def norm_body(k):
                sl = pl.ds(k * LANES, LANES)
                pv = pvb[t, sl]
                gv = gb_v[0, sl]
                bv = gb_v[1, sl]
                for b in range(BATCH):
                    x = rvb[b * CH + t, sl] * SCALE + pv
                    rvb[b * CH + t, sl] = (x - ms[b]) * istds[b] * gv + bv

        pos = pos0 + c * CH
        for b in range(BATCH):
            pltpu.async_copy(rows_v.at[buf, pl.ds(b * CH, CH), :],
                             out_hbm.at[b, pl.ds(pos, CH), :], osem.at[buf])
        return carry

    lax.fori_loop(0, NCHUNK, step, 0)

    for s in range(NBUF):
        drain_out(s)


_sc_kernel = pl.kernel(
    _sc_body,
    out_type=jax.ShapeDtypeStruct((BATCH, SEQ, HIDDEN), jnp.float32),
    mesh=plsc.VectorSubcoreMesh(
        core_axis_name="c", subcore_axis_name="s",
        num_cores=NC, num_subcores=NS),
    scratch_types=[
        pltpu.VMEM((NCHUNK, G), jnp.int32),
        pltpu.VMEM((NBUF, CH, HIDDEN), jnp.float32),
        pltpu.VMEM((NBUF, G, HIDDEN), jnp.float32),
        pltpu.VMEM((2, G, LANES), jnp.float32),
        pltpu.VMEM((2, HIDDEN), jnp.float32),
        pltpu.SemaphoreType.DMA((NBUF,)),
        pltpu.SemaphoreType.DMA((NBUF,)),
        pltpu.SemaphoreType.DMA((NBUF,)),
    ],
)


def kernel(input_ids, table, gamma, beta):
    pe = jnp.asarray(_PE)
    ids_r = (input_ids.reshape(BATCH, NW, NCHUNK, CH)
             .transpose(1, 2, 0, 3)
             .reshape(NW, NCHUNK, G))
    return _sc_kernel(ids_r, table, pe, gamma, beta)

# --- scband reference (transcript-rebuilt; emitter-appended) ---
"""Pipeline reference for scband-embeddings-28432683499822 (READ-ONLY COPY).

The authoritative reference and input builder live on the scoring server;
editing this copy changes nothing except your own understanding.
"""

import jax, jax.numpy as jnp
import numpy as np

VOCAB = 100000
HIDDEN = 768
MAXPOS = 8192
EPS = 1e-5


def _positional_encoding(max_pos, hidden):
    position = jnp.arange(0, max_pos, dtype=jnp.float32)[:, None]
    denominator = jnp.power(1000.0, jnp.arange(0, hidden, 2, dtype=jnp.float32) / hidden)
    odd_pe = jnp.cos(position / denominator)
    even_pe = jnp.sin(position / denominator)
    pe = jnp.stack([odd_pe, even_pe], axis=-1).reshape(max_pos, hidden)
    return pe[None, :, :]


def setup_inputs(seed: int = 0) -> dict:
    key = jax.random.key(seed)
    k1, k2 = jax.random.split(key)
    input_ids = jax.random.randint(k1, (4, 8192), 0, VOCAB, dtype=jnp.int32)
    table = jax.random.normal(k2, (VOCAB, HIDDEN), dtype=jnp.float32) * 0.02
    gamma = jnp.ones((HIDDEN,), dtype=jnp.float32)
    beta = jnp.zeros((HIDDEN,), dtype=jnp.float32)
    return {"input_ids": input_ids, "table": table, "gamma": gamma, "beta": beta}


def reference(input_ids, table, gamma, beta):
    # InputEmbeddings: lookup * sqrt(hidden_size)
    tok = jnp.take(table, input_ids, axis=0) * jnp.sqrt(jnp.float32(HIDDEN))
    # PositionalEncoding buffer (constant, non-learned)
    pe = _positional_encoding(MAXPOS, HIDDEN)[:, : input_ids.shape[1], :]
    emb = tok + pe
    # LayerNorm over last dim
    mean = jnp.mean(emb, axis=-1, keepdims=True)
    var = jnp.var(emb, axis=-1, keepdims=True)
    out = (emb - mean) / jnp.sqrt(var + EPS) * gamma + beta
    # Dropout is identity in eval mode
    return out

if __name__ == "__main__":
    import jax
    _d = setup_inputs()
    print(jax.jit(kernel)(*tuple(_d.values())))

</pallas_src>

<mosaic_0001>
#map = affine_map<(d0, d1) -> (0, 0, 0)>
#map1 = affine_map<(d0, d1) -> (0, 0)>
#map2 = affine_map<(d0, d1) -> (0)>
module attributes {stable_mosaic.version = 14 : i64} {
  func.func @_sc_body(%arg0: i32, %arg1: i32, %arg2: memref<32x32x32xi32, #tpu.memory_space<hbm>>, %arg3: memref<100000x768xf32, #tpu.memory_space<hbm>>, %arg4: memref<8192x768xf32, #tpu.memory_space<hbm>>, %arg5: memref<768xf32, #tpu.memory_space<hbm>>, %arg6: memref<768xf32, #tpu.memory_space<hbm>>, %arg7: memref<4x8192x768xf32, #tpu.memory_space<hbm>>, %arg8: memref<32x32xi32, #tpu.memory_space<vmem>>, %arg9: memref<3x8x768xf32, #tpu.memory_space<vmem>>, %arg10: memref<3x32x768xf32, #tpu.memory_space<vmem>>, %arg11: memref<2x32x16xf32, #tpu.memory_space<vmem>>, %arg12: memref<2x768xf32, #tpu.memory_space<vmem>>, %arg13: memref<3x!tpu.dma_semaphore, #tpu.memory_space<semaphore_mem>>, %arg14: memref<3x!tpu.dma_semaphore, #tpu.memory_space<semaphore_mem>>, %arg15: memref<3x!tpu.dma_semaphore, #tpu.memory_space<semaphore_mem>>) attributes {dimension_semantics = [#tpu.dimension_semantics<core_parallel>, #tpu.dimension_semantics<subcore_parallel>], iteration_bounds = array<i64: 2, 16>, scalar_prefetch = 0 : i64, scratch_operands = 8 : i64, tpu.core_type = #tpu.core_type<sc_vector_subcore>, window_params = [{transform_indices = #map}, {transform_indices = #map1}, {transform_indices = #map1}, {transform_indices = #map2}, {transform_indices = #map2}, {transform_indices = #map}]} {
    %mul3A = arith.constant 2 : i32
    %mul3A_0 = arith.muli %arg1, %mul3A : i32
    %add3A = arith.addi %mul3A_0, %arg0 : i32
    %mul3A_1 = arith.constant 256 : i32
    %mul3A_2 = arith.muli %add3A, %mul3A_1 : i32
    "tpu.region"() ({
      %run_scoped3A_268 = tpu.sem_alloc : memref<!tpu.dma_semaphore, #tpu.memory_space<semaphore_mem>>
      %dma_start3A_269 = arith.constant 0 : i32
      %dma_start3A_270 = arith.constant 0 : i32
      %dma_start3A_271 = tpu.memref_slice %arg2[%add3A, %dma_start3A_269, %dma_start3A_270] : memref<32x32x32xi32, #tpu.memory_space<hbm>> -> memref<1x32x32xi32, #tpu.memory_space<hbm>>
      %dma_start3A_272 = tpu.memref_squeeze %dma_start3A_271 : memref<1x32x32xi32, #tpu.memory_space<hbm>> -> memref<32x32xi32, #tpu.memory_space<hbm>>
      %dma_start3A_273 = arith.constant 0 : i32
      %dma_start3A_274 = arith.constant 0 : i32
      %dma_start3A_275 = tpu.memref_slice %arg2[%add3A, %dma_start3A_273, %dma_start3A_274] : memref<32x32x32xi32, #tpu.memory_space<hbm>> -> memref<1x32x32xi32, #tpu.memory_space<hbm>>
      %dma_start3A_276 = tpu.memref_squeeze %dma_start3A_275 : memref<1x32x32xi32, #tpu.memory_space<hbm>> -> memref<32x32xi32, #tpu.memory_space<hbm>>
      tpu.enqueue_dma source(%dma_start3A_276 : memref<32x32xi32, #tpu.memory_space<hbm>>) target(%arg8 : memref<32x32xi32, #tpu.memory_space<vmem>>) target_semaphore(%run_scoped3A_268 : memref<!tpu.dma_semaphore, #tpu.memory_space<semaphore_mem>>)
      %dma_wait3A_277 = arith.constant 0 : i32
      %dma_wait3A_278 = arith.constant 0 : i32
      %dma_wait3A_279 = tpu.memref_slice %arg2[%add3A, %dma_wait3A_277, %dma_wait3A_278] : memref<32x32x32xi32, #tpu.memory_space<hbm>> -> memref<1x32x32xi32, #tpu.memory_space<hbm>>
      %dma_wait3A_280 = tpu.memref_squeeze %dma_wait3A_279 : memref<1x32x32xi32, #tpu.memory_space<hbm>> -> memref<32x32xi32, #tpu.memory_space<hbm>>
      %dma_wait3A_281 = arith.constant 0 : i32
      %dma_wait3A_282 = arith.constant 0 : i32
      %dma_wait3A_283 = tpu.memref_slice %arg2[%add3A, %dma_wait3A_281, %dma_wait3A_282] : memref<32x32x32xi32, #tpu.memory_space<hbm>> -> memref<1x32x32xi32, #tpu.memory_space<hbm>>
      %dma_wait3A_284 = tpu.memref_squeeze %dma_wait3A_283 : memref<1x32x32xi32, #tpu.memory_space<hbm>> -> memref<32x32xi32, #tpu.memory_space<hbm>>
      tpu.wait_dma2 semaphore(%run_scoped3A_268 : memref<!tpu.dma_semaphore, #tpu.memory_space<semaphore_mem>>) src(%dma_wait3A_284 : memref<32x32xi32, #tpu.memory_space<hbm>>) dst(%arg8 : memref<32x32xi32, #tpu.memory_space<vmem>>)
      tpu.yield
    }) : () -> ()
    %run_scoped3A = arith.constant 0 : i32
    "tpu.region"() ({
      %run_scoped3A_268 = tpu.sem_alloc : memref<!tpu.dma_semaphore, #tpu.memory_space<semaphore_mem>>
      %dma_start3A_269 = arith.constant 0 : i32
      %dma_start3A_270 = tpu.memref_slice %arg12[%run_scoped3A, %dma_start3A_269] : memref<2x768xf32, #tpu.memory_space<vmem>> -> memref<1x768xf32, #tpu.memory_space<vmem>>
      %dma_start3A_271 = tpu.memref_squeeze %dma_start3A_270 : memref<1x768xf32, #tpu.memory_space<vmem>> -> memref<768xf32, #tpu.memory_space<vmem>>
      %dma_start3A_272 = arith.constant 0 : i32
      %dma_start3A_273 = tpu.memref_slice %arg12[%run_scoped3A, %dma_start3A_272] : memref<2x768xf32, #tpu.memory_space<vmem>> -> memref<1x768xf32, #tpu.memory_space<vmem>>
      %dma_start3A_274 = tpu.memref_squeeze %dma_start3A_273 : memref<1x768xf32, #tpu.memory_space<vmem>> -> memref<768xf32, #tpu.memory_space<vmem>>
      tpu.enqueue_dma source(%arg5 : memref<768xf32, #tpu.memory_space<hbm>>) target(%dma_start3A_274 : memref<768xf32, #tpu.memory_space<vmem>>) target_semaphore(%run_scoped3A_268 : memref<!tpu.dma_semaphore, #tpu.memory_space<semaphore_mem>>)
      %dma_wait3A_275 = arith.constant 0 : i32
      %dma_wait3A_276 = tpu.memref_slice %arg12[%run_scoped3A, %dma_wait3A_275] : memref<2x768xf32, #tpu.memory_space<vmem>> -> memref<1x768xf32, #tpu.memory_space<vmem>>
      %dma_wait3A_277 = tpu.memref_squeeze %dma_wait3A_276 : memref<1x768xf32, #tpu.memory_space<vmem>> -> memref<768xf32, #tpu.memory_space<vmem>>
      %dma_wait3A_278 = arith.constant 0 : i32
      %dma_wait3A_279 = tpu.memref_slice %arg12[%run_scoped3A, %dma_wait3A_278] : memref<2x768xf32, #tpu.memory_space<vmem>> -> memref<1x768xf32, #tpu.memory_space<vmem>>
      %dma_wait3A_280 = tpu.memref_squeeze %dma_wait3A_279 : memref<1x768xf32, #tpu.memory_space<vmem>> -> memref<768xf32, #tpu.memory_space<vmem>>
      tpu.wait_dma2 semaphore(%run_scoped3A_268 : memref<!tpu.dma_semaphore, #tpu.memory_space<semaphore_mem>>) src(%arg5 : memref<768xf32, #tpu.memory_space<hbm>>) dst(%dma_wait3A_280 : memref<768xf32, #tpu.memory_space<vmem>>)
      tpu.yield
    }) : () -> ()
    %run_scoped3A_3 = arith.constant 1 : i32
    "tpu.region"() ({
      %run_scoped3A_268 = tpu.sem_alloc : memref<!tpu.dma_semaphore, #tpu.memory_space<semaphore_mem>>
      %dma_start3A_269 = arith.constant 0 : i32
      %dma_start3A_270 = tpu.memref_slice %arg12[%run_scoped3A_3, %dma_start3A_269] : memref<2x768xf32, #tpu.memory_space<vmem>> -> memref<1x768xf32, #tpu.memory_space<vmem>>
      %dma_start3A_271 = tpu.memref_squeeze %dma_start3A_270 : memref<1x768xf32, #tpu.memory_space<vmem>> -> memref<768xf32, #tpu.memory_space<vmem>>
      %dma_start3A_272 = arith.constant 0 : i32
      %dma_start3A_273 = tpu.memref_slice %arg12[%run_scoped3A_3, %dma_start3A_272] : memref<2x768xf32, #tpu.memory_space<vmem>> -> memref<1x768xf32, #tpu.memory_space<vmem>>
      %dma_start3A_274 = tpu.memref_squeeze %dma_start3A_273 : memref<1x768xf32, #tpu.memory_space<vmem>> -> memref<768xf32, #tpu.memory_space<vmem>>
      tpu.enqueue_dma source(%arg6 : memref<768xf32, #tpu.memory_space<hbm>>) target(%dma_start3A_274 : memref<768xf32, #tpu.memory_space<vmem>>) target_semaphore(%run_scoped3A_268 : memref<!tpu.dma_semaphore, #tpu.memory_space<semaphore_mem>>)
      %dma_wait3A_275 = arith.constant 0 : i32
      %dma_wait3A_276 = tpu.memref_slice %arg12[%run_scoped3A_3, %dma_wait3A_275] : memref<2x768xf32, #tpu.memory_space<vmem>> -> memref<1x768xf32, #tpu.memory_space<vmem>>
      %dma_wait3A_277 = tpu.memref_squeeze %dma_wait3A_276 : memref<1x768xf32, #tpu.memory_space<vmem>> -> memref<768xf32, #tpu.memory_space<vmem>>
      %dma_wait3A_278 = arith.constant 0 : i32
      %dma_wait3A_279 = tpu.memref_slice %arg12[%run_scoped3A_3, %dma_wait3A_278] : memref<2x768xf32, #tpu.memory_space<vmem>> -> memref<1x768xf32, #tpu.memory_space<vmem>>
      %dma_wait3A_280 = tpu.memref_squeeze %dma_wait3A_279 : memref<1x768xf32, #tpu.memory_space<vmem>> -> memref<768xf32, #tpu.memory_space<vmem>>
      tpu.wait_dma2 semaphore(%run_scoped3A_268 : memref<!tpu.dma_semaphore, #tpu.memory_space<semaphore_mem>>) src(%arg6 : memref<768xf32, #tpu.memory_space<hbm>>) dst(%dma_wait3A_280 : memref<768xf32, #tpu.memory_space<vmem>>)
      tpu.yield
    }) : () -> ()
    %dma_start3A = arith.constant 0 : i32
    %dma_start3A_4 = arith.constant 0 : i32
    %dma_start3A_5 = arith.constant 0 : i32
    %dma_start3A_6 = arith.constant 0 : i32
    %dma_start3A_7 = arith.constant 0 : i32
    %dma_start3A_8 = tpu.memref_slice %arg10[%dma_start3A_4, %dma_start3A_6, %dma_start3A_7] : memref<3x32x768xf32, #tpu.memory_space<vmem>> -> memref<1x32x768xf32, #tpu.memory_space<vmem>>
    %dma_start3A_9 = tpu.memref_squeeze %dma_start3A_8 : memref<1x32x768xf32, #tpu.memory_space<vmem>> -> memref<32x768xf32, #tpu.memory_space<vmem>>
    %dma_start3A_10 = arith.constant 0 : i32
    %dma_start3A_11 = tpu.memref_slice %arg8[%dma_start3A, %dma_start3A_10] : memref<32x32xi32, #tpu.memory_space<vmem>> -> memref<1x32xi32, #tpu.memory_space<vmem>>
    %dma_start3A_12 = tpu.memref_squeeze %dma_start3A_11 : memref<1x32xi32, #tpu.memory_space<vmem>> -> memref<32xi32, #tpu.memory_space<vmem>>
    %dma_start3A_13 = arith.constant 0 : i32
    %dma_start3A_14 = arith.constant 0 : i32
    %dma_start3A_15 = tpu.memref_slice %arg3[%dma_start3A_13, %dma_start3A_14] : memref<100000x768xf32, #tpu.memory_space<hbm>> -> memref<100000x768xf32, #tpu.memory_space<hbm>>
    %dma_start3A_16 = tpu.memref_slice %arg13[%dma_start3A_5] : memref<3x!tpu.dma_semaphore, #tpu.memory_space<semaphore_mem>> -> memref<1x!tpu.dma_semaphore, #tpu.memory_space<semaphore_mem>>
    %dma_start3A_17 = tpu.memref_squeeze %dma_start3A_16 : memref<1x!tpu.dma_semaphore, #tpu.memory_space<semaphore_mem>> -> memref<!tpu.dma_semaphore, #tpu.memory_space<semaphore_mem>>
    tpu.enqueue_indirect_dma source(%dma_start3A_15 : memref<100000x768xf32, #tpu.memory_space<hbm>>) target(%dma_start3A_9 : memref<32x768xf32, #tpu.memory_space<vmem>>) offsets(%dma_start3A_12 : memref<32xi32, #tpu.memory_space<vmem>>) semaphore(%dma_start3A_17 : memref<!tpu.dma_semaphore, #tpu.memory_space<semaphore_mem>>)
    %add3A_18 = arith.constant 0 : i32
    %add3A_19 = arith.addi %mul3A_2, %add3A_18 : i32
    %dma_start3A_20 = arith.constant 0 : i32
    %dma_start3A_21 = arith.constant 0 : i32
    %dma_start3A_22 = arith.constant 0 : i32
    %dma_start3A_23 = arith.constant 0 : i32
    %dma_start3A_24 = tpu.memref_slice %arg9[%dma_start3A_20, %dma_start3A_22, %dma_start3A_23] : memref<3x8x768xf32, #tpu.memory_space<vmem>> -> memref<1x8x768xf32, #tpu.memory_space<vmem>>
    %dma_start3A_25 = tpu.memref_squeeze %dma_start3A_24 : memref<1x8x768xf32, #tpu.memory_space<vmem>> -> memref<8x768xf32, #tpu.memory_space<vmem>>
    %dma_start3A_26 = arith.constant 0 : i32
    %dma_start3A_27 = tpu.memref_slice %arg4[%add3A_19, %dma_start3A_26] : memref<8192x768xf32, #tpu.memory_space<hbm>> -> memref<8x768xf32, #tpu.memory_space<hbm>>
    %dma_start3A_28 = tpu.memref_slice %arg14[%dma_start3A_21] : memref<3x!tpu.dma_semaphore, #tpu.memory_space<semaphore_mem>> -> memref<1x!tpu.dma_semaphore, #tpu.memory_space<semaphore_mem>>
    %dma_start3A_29 = tpu.memref_squeeze %dma_start3A_28 : memref<1x!tpu.dma_semaphore, #tpu.memory_space<semaphore_mem>> -> memref<!tpu.dma_semaphore, #tpu.memory_space<semaphore_mem>>
    %dma_start3A_30 = arith.constant 0 : i32
    %dma_start3A_31 = arith.constant 0 : i32
    %dma_start3A_32 = tpu.memref_slice %arg9[%dma_start3A_20, %dma_start3A_30, %dma_start3A_31] : memref<3x8x768xf32, #tpu.memory_space<vmem>> -> memref<1x8x768xf32, #tpu.memory_space<vmem>>
    %dma_start3A_33 = tpu.memref_squeeze %dma_start3A_32 : memref<1x8x768xf32, #tpu.memory_space<vmem>> -> memref<8x768xf32, #tpu.memory_space<vmem>>
    %dma_start3A_34 = arith.constant 0 : i32
    %dma_start3A_35 = tpu.memref_slice %arg4[%add3A_19, %dma_start3A_34] : memref<8192x768xf32, #tpu.memory_space<hbm>> -> memref<8x768xf32, #tpu.memory_space<hbm>>
    tpu.enqueue_dma source(%dma_start3A_35 : memref<8x768xf32, #tpu.memory_space<hbm>>) target(%dma_start3A_33 : memref<8x768xf32, #tpu.memory_space<vmem>>) target_semaphore(%dma_start3A_29 : memref<!tpu.dma_semaphore, #tpu.memory_space<semaphore_mem>>)
    %scan3A = arith.constant 0 : i32
    %scan3A_36 = arith.constant 0 : i32
    %scan3A_37 = arith.constant 32 : i32
    %scan3A_38 = arith.addi %scan3A_36, %scan3A_37 : i32
    %scan3A_39 = arith.constant 1 : i32
    scf.for %scan3A_268 = %scan3A_36 to %scan3A_38 step %scan3A_39  : i32 {
      %rem3A = arith.constant 3 : i32
      %rem3A_269 = arith.remsi %scan3A_268, %rem3A : i32
      %add3A_270 = arith.constant 1 : i32
      %add3A_271 = arith.addi %scan3A_268, %add3A_270 : i32
      %rem3A_272 = arith.constant 3 : i32
      %rem3A_273 = arith.remsi %add3A_271, %rem3A_272 : i32
      %add3A_274 = arith.constant 1 : i32
      %add3A_275 = arith.addi %scan3A_268, %add3A_274 : i32
      %lt3A = arith.constant 32 : i32
      %lt3A_276 = arith.cmpi slt, %add3A_275, %lt3A : i32
      %convert_element_type3A = arith.extui %lt3A_276 : i1 to i32
      %cond3A = arith.constant 0 : i32
      %cond3A_277 = arith.cmpi ne, %convert_element_type3A, %cond3A : i32
      scf.if %cond3A_277 {
        %ge3A = arith.constant 2 : i32
        %ge3A_377 = arith.cmpi sge, %scan3A_268, %ge3A : i32
        %convert_element_type3A_378 = arith.extui %ge3A_377 : i1 to i32
        %cond3A_379 = arith.constant 0 : i32
        %cond3A_380 = arith.cmpi ne, %convert_element_type3A_378, %cond3A_379 : i32
        scf.if %cond3A_380 {
          %dma_wait3A_412 = arith.constant 0 : i32
          %dma_wait3A_413 = arith.constant 0 : i32
          %dma_wait3A_414 = arith.constant 0 : i32
          %dma_wait3A_415 = tpu.memref_slice %arg10[%rem3A_273, %dma_wait3A_413, %dma_wait3A_414] : memref<3x32x768xf32, #tpu.memory_space<vmem>> -> memref<1x8x768xf32, #tpu.memory_space<vmem>>
          %dma_wait3A_416 = tpu.memref_squeeze %dma_wait3A_415 : memref<1x8x768xf32, #tpu.memory_space<vmem>> -> memref<8x768xf32, #tpu.memory_space<vmem>>
          %dma_wait3A_417 = arith.constant 0 : i32
          %dma_wait3A_418 = tpu.memref_slice %arg7[%dma_wait3A_412, %mul3A_2, %dma_wait3A_417] : memref<4x8192x768xf32, #tpu.memory_space<hbm>> -> memref<1x8x768xf32, #tpu.memory_space<hbm>>
          %dma_wait3A_419 = tpu.memref_squeeze %dma_wait3A_418 : memref<1x8x768xf32, #tpu.memory_space<hbm>> -> memref<8x768xf32, #tpu.memory_space<hbm>>
          %dma_wait3A_420 = tpu.memref_slice %arg15[%rem3A_273] : memref<3x!tpu.dma_semaphore, #tpu.memory_space<semaphore_mem>> -> memref<1x!tpu.dma_semaphore, #tpu.memory_space<semaphore_mem>>
          %dma_wait3A_421 = tpu.memref_squeeze %dma_wait3A_420 : memref<1x!tpu.dma_semaphore, #tpu.memory_space<semaphore_mem>> -> memref<!tpu.dma_semaphore, #tpu.memory_space<semaphore_mem>>
          %dma_wait3A_422 = arith.constant 0 : i32
          %dma_wait3A_423 = tpu.memref_slice %arg7[%dma_wait3A_412, %mul3A_2, %dma_wait3A_422] : memref<4x8192x768xf32, #tpu.memory_space<hbm>> -> memref<1x8x768xf32, #tpu.memory_space<hbm>>
          %dma_wait3A_424 = tpu.memref_squeeze %dma_wait3A_423 : memref<1x8x768xf32, #tpu.memory_space<hbm>> -> memref<8x768xf32, #tpu.memory_space<hbm>>
          %dma_wait3A_425 = arith.constant 0 : i32
          %dma_wait3A_426 = arith.constant 0 : i32
          %dma_wait3A_427 = tpu.memref_slice %arg10[%rem3A_273, %dma_wait3A_425, %dma_wait3A_426] : memref<3x32x768xf32, #tpu.memory_space<vmem>> -> memref<1x8x768xf32, #tpu.memory_space<vmem>>
          %dma_wait3A_428 = tpu.memref_squeeze %dma_wait3A_427 : memref<1x8x768xf32, #tpu.memory_space<vmem>> -> memref<8x768xf32, #tpu.memory_space<vmem>>
          tpu.wait_dma2 semaphore(%dma_wait3A_421 : memref<!tpu.dma_semaphore, #tpu.memory_space<semaphore_mem>>) src(%dma_wait3A_428 : memref<8x768xf32, #tpu.memory_space<vmem>>) dst(%dma_wait3A_424 : memref<8x768xf32, #tpu.memory_space<hbm>>)
          %dma_wait3A_429 = arith.constant 1 : i32
          %dma_wait3A_430 = arith.constant 8 : i32
          %dma_wait3A_431 = arith.constant 0 : i32
          %dma_wait3A_432 = tpu.memref_slice %arg10[%rem3A_273, %dma_wait3A_430, %dma_wait3A_431] : memref<3x32x768xf32, #tpu.memory_space<vmem>> -> memref<1x8x768xf32, #tpu.memory_space<vmem>>
          %dma_wait3A_433 = tpu.memref_squeeze %dma_wait3A_432 : memref<1x8x768xf32, #tpu.memory_space<vmem>> -> memref<8x768xf32, #tpu.memory_space<vmem>>
          %dma_wait3A_434 = arith.constant 0 : i32
          %dma_wait3A_435 = tpu.memref_slice %arg7[%dma_wait3A_429, %mul3A_2, %dma_wait3A_434] : memref<4x8192x768xf32, #tpu.memory_space<hbm>> -> memref<1x8x768xf32, #tpu.memory_space<hbm>>
          %dma_wait3A_436 = tpu.memref_squeeze %dma_wait3A_435 : memref<1x8x768xf32, #tpu.memory_space<hbm>> -> memref<8x768xf32, #tpu.memory_space<hbm>>
          %dma_wait3A_437 = tpu.memref_slice %arg15[%rem3A_273] : memref<3x!tpu.dma_semaphore, #tpu.memory_space<semaphore_mem>> -> memref<1x!tpu.dma_semaphore, #tpu.memory_space<semaphore_mem>>
          %dma_wait3A_438 = tpu.memref_squeeze %dma_wait3A_437 : memref<1x!tpu.dma_semaphore, #tpu.memory_space<semaphore_mem>> -> memref<!tpu.dma_semaphore, #tpu.memory_space<semaphore_mem>>
          %dma_wait3A_439 = arith.constant 0 : i32
          %dma_wait3A_440 = tpu.memref_slice %arg7[%dma_wait3A_429, %mul3A_2, %dma_wait3A_439] : memref<4x8192x768xf32, #tpu.memory_space<hbm>> -> memref<1x8x768xf32, #tpu.memory_space<hbm>>
          %dma_wait3A_441 = tpu.memref_squeeze %dma_wait3A_440 : memref<1x8x768xf32, #tpu.memory_space<hbm>> -> memref<8x768xf32, #tpu.memory_space<hbm>>
          %dma_wait3A_442 = arith.constant 8 : i32
          %dma_wait3A_443 = arith.constant 0 : i32
          %dma_wait3A_444 = tpu.memref_slice %arg10[%rem3A_273, %dma_wait3A_442, %dma_wait3A_443] : memref<3x32x768xf32, #tpu.memory_space<vmem>> -> memref<1x8x768xf32, #tpu.memory_space<vmem>>
          %dma_wait3A_445 = tpu.memref_squeeze %dma_wait3A_444 : memref<1x8x768xf32, #tpu.memory_space<vmem>> -> memref<8x768xf32, #tpu.memory_space<vmem>>
          tpu.wait_dma2 semaphore(%dma_wait3A_438 : memref<!tpu.dma_semaphore, #tpu.memory_space<semaphore_mem>>) src(%dma_wait3A_445 : memref<8x768xf32, #tpu.memory_space<vmem>>) dst(%dma_wait3A_441 : memref<8x768xf32, #tpu.memory_space<hbm>>)
          %dma_wait3A_446 = arith.constant 2 : i32
          %dma_wait3A_447 = arith.constant 16 : i32
          %dma_wait3A_448 = arith.constant 0 : i32
          %dma_wait3A_449 = tpu.memref_slice %arg10[%rem3A_273, %dma_wait3A_447, %dma_wait3A_448] : memref<3x32x768xf32, #tpu.memory_space<vmem>> -> memref<1x8x768xf32, #tpu.memory_space<vmem>>
          %dma_wait3A_450 = tpu.memref_squeeze %dma_wait3A_449 : memref<1x8x768xf32, #tpu.memory_space<vmem>> -> memref<8x768xf32, #tpu.memory_space<vmem>>
          %dma_wait3A_451 = arith.constant 0 : i32
          %dma_wait3A_452 = tpu.memref_slice %arg7[%dma_wait3A_446, %mul3A_2, %dma_wait3A_451] : memref<4x8192x768xf32, #tpu.memory_space<hbm>> -> memref<1x8x768xf32, #tpu.memory_space<hbm>>
          %dma_wait3A_453 = tpu.memref_squeeze %dma_wait3A_452 : memref<1x8x768xf32, #tpu.memory_space<hbm>> -> memref<8x768xf32, #tpu.memory_space<hbm>>
          %dma_wait3A_454 = tpu.memref_slice %arg15[%rem3A_273] : memref<3x!tpu.dma_semaphore, #tpu.memory_space<semaphore_mem>> -> memref<1x!tpu.dma_semaphore, #tpu.memory_space<semaphore_mem>>
          %dma_wait3A_455 = tpu.memref_squeeze %dma_wait3A_454 : memref<1x!tpu.dma_semaphore, #tpu.memory_space<semaphore_mem>> -> memref<!tpu.dma_semaphore, #tpu.memory_space<semaphore_mem>>
          %dma_wait3A_456 = arith.constant 0 : i32
          %dma_wait3A_457 = tpu.memref_slice %arg7[%dma_wait3A_446, %mul3A_2, %dma_wait3A_456] : memref<4x8192x768xf32, #tpu.memory_space<hbm>> -> memref<1x8x768xf32, #tpu.memory_space<hbm>>
          %dma_wait3A_458 = tpu.memref_squeeze %dma_wait3A_457 : memref<1x8x768xf32, #tpu.memory_space<hbm>> -> memref<8x768xf32, #tpu.memory_space<hbm>>
          %dma_wait3A_459 = arith.constant 16 : i32
          %dma_wait3A_460 = arith.constant 0 : i32
          %dma_wait3A_461 = tpu.memref_slice %arg10[%rem3A_273, %dma_wait3A_459, %dma_wait3A_460] : memref<3x32x768xf32, #tpu.memory_space<vmem>> -> memref<1x8x768xf32, #tpu.memory_space<vmem>>
          %dma_wait3A_462 = tpu.memref_squeeze %dma_wait3A_461 : memref<1x8x768xf32, #tpu.memory_space<vmem>> -> memref<8x768xf32, #tpu.memory_space<vmem>>
          tpu.wait_dma2 semaphore(%dma_wait3A_455 : memref<!tpu.dma_semaphore, #tpu.memory_space<semaphore_mem>>) src(%dma_wait3A_462 : memref<8x768xf32, #tpu.memory_space<vmem>>) dst(%dma_wait3A_458 : memref<8x768xf32, #tpu.memory_space<hbm>>)
          %dma_wait3A_463 = arith.constant 3 : i32
          %dma_wait3A_464 = arith.constant 24 : i32
          %dma_wait3A_465 = arith.constant 0 : i32
          %dma_wait3A_466 = tpu.memref_slice %arg10[%rem3A_273, %dma_wait3A_464, %dma_wait3A_465] : memref<3x32x768xf32, #tpu.memory_space<vmem>> -> memref<1x8x768xf32, #tpu.memory_space<vmem>>
          %dma_wait3A_467 = tpu.memref_squeeze %dma_wait3A_466 : memref<1x8x768xf32, #tpu.memory_space<vmem>> -> memref<8x768xf32, #tpu.memory_space<vmem>>
          %dma_wait3A_468 = arith.constant 0 : i32
          %dma_wait3A_469 = tpu.memref_slice %arg7[%dma_wait3A_463, %mul3A_2, %dma_wait3A_468] : memref<4x8192x768xf32, #tpu.memory_space<hbm>> -> memref<1x8x768xf32, #tpu.memory_space<hbm>>
          %dma_wait3A_470 = tpu.memref_squeeze %dma_wait3A_469 : memref<1x8x768xf32, #tpu.memory_space<hbm>> -> memref<8x768xf32, #tpu.memory_space<hbm>>
          %dma_wait3A_471 = tpu.memref_slice %arg15[%rem3A_273] : memref<3x!tpu.dma_semaphore, #tpu.memory_space<semaphore_mem>> -> memref<1x!tpu.dma_semaphore, #tpu.memory_space<semaphore_mem>>
          %dma_wait3A_472 = tpu.memref_squeeze %dma_wait3A_471 : memref<1x!tpu.dma_semaphore, #tpu.memory_space<semaphore_mem>> -> memref<!tpu.dma_semaphore, #tpu.memory_space<semaphore_mem>>
          %dma_wait3A_473 = arith.constant 0 : i32
          %dma_wait3A_474 = tpu.memref_slice %arg7[%dma_wait3A_463, %mul3A_2, %dma_wait3A_473] : memref<4x8192x768xf32, #tpu.memory_space<hbm>> -> memref<1x8x768xf32, #tpu.memory_space<hbm>>
          %dma_wait3A_475 = tpu.memref_squeeze %dma_wait3A_474 : memref<1x8x768xf32, #tpu.memory_space<hbm>> -> memref<8x768xf32, #tpu.memory_space<hbm>>
          %dma_wait3A_476 = arith.constant 24 : i32
          %dma_wait3A_477 = arith.constant 0 : i32
          %dma_wait3A_478 = tpu.memref_slice %arg10[%rem3A_273, %dma_wait3A_476, %dma_wait3A_477] : memref<3x32x768xf32, #tpu.memory_space<vmem>> -> memref<1x8x768xf32, #tpu.memory_space<vmem>>
          %dma_wait3A_479 = tpu.memref_squeeze %dma_wait3A_478 : memref<1x8x768xf32, #tpu.memory_space<vmem>> -> memref<8x768xf32, #tpu.memory_space<vmem>>
          tpu.wait_dma2 semaphore(%dma_wait3A_472 : memref<!tpu.dma_semaphore, #tpu.memory_space<semaphore_mem>>) src(%dma_wait3A_479 : memref<8x768xf32, #tpu.memory_space<vmem>>) dst(%dma_wait3A_475 : memref<8x768xf32, #tpu.memory_space<hbm>>)
        } else {
        }
        %add3A_381 = arith.constant 1 : i32
        %add3A_382 = arith.addi %scan3A_268, %add3A_381 : i32
        %dma_start3A_383 = arith.constant 0 : i32
        %dma_start3A_384 = arith.constant 0 : i32
        %dma_start3A_385 = tpu.memref_slice %arg10[%rem3A_273, %dma_start3A_383, %dma_start3A_384] : memref<3x32x768xf32, #tpu.memory_space<vmem>> -> memref<1x32x768xf32, #tpu.memory_space<vmem>>
        %dma_start3A_386 = tpu.memref_squeeze %dma_start3A_385 : memref<1x32x768xf32, #tpu.memory_space<vmem>> -> memref<32x768xf32, #tpu.memory_space<vmem>>
        %dma_start3A_387 = arith.constant 0 : i32
        %dma_start3A_388 = tpu.memref_slice %arg8[%add3A_382, %dma_start3A_387] : memref<32x32xi32, #tpu.memory_space<vmem>> -> memref<1x32xi32, #tpu.memory_space<vmem>>
        %dma_start3A_389 = tpu.memref_squeeze %dma_start3A_388 : memref<1x32xi32, #tpu.memory_space<vmem>> -> memref<32xi32, #tpu.memory_space<vmem>>
        %dma_start3A_390 = arith.constant 0 : i32
        %dma_start3A_391 = arith.constant 0 : i32
        %dma_start3A_392 = tpu.memref_slice %arg3[%dma_start3A_390, %dma_start3A_391] : memref<100000x768xf32, #tpu.memory_space<hbm>> -> memref<100000x768xf32, #tpu.memory_space<hbm>>
        %dma_start3A_393 = tpu.memref_slice %arg13[%rem3A_273] : memref<3x!tpu.dma_semaphore, #tpu.memory_space<semaphore_mem>> -> memref<1x!tpu.dma_semaphore, #tpu.memory_space<semaphore_mem>>
        %dma_start3A_394 = tpu.memref_squeeze %dma_start3A_393 : memref<1x!tpu.dma_semaphore, #tpu.memory_space<semaphore_mem>> -> memref<!tpu.dma_semaphore, #tpu.memory_space<semaphore_mem>>
        tpu.enqueue_indirect_dma source(%dma_start3A_392 : memref<100000x768xf32, #tpu.memory_space<hbm>>) target(%dma_start3A_386 : memref<32x768xf32, #tpu.memory_space<vmem>>) offsets(%dma_start3A_389 : memref<32xi32, #tpu.memory_space<vmem>>) semaphore(%dma_start3A_394 : memref<!tpu.dma_semaphore, #tpu.memory_space<semaphore_mem>>)
        %mul3A_395 = arith.constant 8 : i32
        %mul3A_396 = arith.muli %add3A_382, %mul3A_395 : i32
        %add3A_397 = arith.addi %mul3A_2, %mul3A_396 : i32
        %dma_start3A_398 = arith.constant 0 : i32
        %dma_start3A_399 = arith.constant 0 : i32
        %dma_start3A_400 = tpu.memref_slice %arg9[%rem3A_273, %dma_start3A_398, %dma_start3A_399] : memref<3x8x768xf32, #tpu.memory_space<vmem>> -> memref<1x8x768xf32, #tpu.memory_space<vmem>>
        %dma_start3A_401 = tpu.memref_squeeze %dma_start3A_400 : memref<1x8x768xf32, #tpu.memory_space<vmem>> -> memref<8x768xf32, #tpu.memory_space<vmem>>
        %dma_start3A_402 = arith.constant 0 : i32
        %dma_start3A_403 = tpu.memref_slice %arg4[%add3A_397, %dma_start3A_402] : memref<8192x768xf32, #tpu.memory_space<hbm>> -> memref<8x768xf32, #tpu.memory_space<hbm>>
        %dma_start3A_404 = tpu.memref_slice %arg14[%rem3A_273] : memref<3x!tpu.dma_semaphore, #tpu.memory_space<semaphore_mem>> -> memref<1x!tpu.dma_semaphore, #tpu.memory_space<semaphore_mem>>
        %dma_start3A_405 = tpu.memref_squeeze %dma_start3A_404 : memref<1x!tpu.dma_semaphore, #tpu.memory_space<semaphore_mem>> -> memref<!tpu.dma_semaphore, #tpu.memory_space<semaphore_mem>>
        %dma_start3A_406 = arith.constant 0 : i32
        %dma_start3A_407 = arith.constant 0 : i32
        %dma_start3A_408 = tpu.memref_slice %arg9[%rem3A_273, %dma_start3A_406, %dma_start3A_407] : memref<3x8x768xf32, #tpu.memory_space<vmem>> -> memref<1x8x768xf32, #tpu.memory_space<vmem>>
        %dma_start3A_409 = tpu.memref_squeeze %dma_start3A_408 : memref<1x8x768xf32, #tpu.memory_space<vmem>> -> memref<8x768xf32, #tpu.memory_space<vmem>>
        %dma_start3A_410 = arith.constant 0 : i32
        %dma_start3A_411 = tpu.memref_slice %arg4[%add3A_397, %dma_start3A_410] : memref<8192x768xf32, #tpu.memory_space<hbm>> -> memref<8x768xf32, #tpu.memory_space<hbm>>
        tpu.enqueue_dma source(%dma_start3A_411 : memref<8x768xf32, #tpu.memory_space<hbm>>) target(%dma_start3A_409 : memref<8x768xf32, #tpu.memory_space<vmem>>) target_semaphore(%dma_start3A_405 : memref<!tpu.dma_semaphore, #tpu.memory_space<semaphore_mem>>)
      } else {
      }
      %dma_wait3A_278 = arith.constant 0 : i32
      %dma_wait3A_279 = arith.constant 0 : i32
      %dma_wait3A_280 = tpu.memref_slice %arg10[%rem3A_269, %dma_wait3A_278, %dma_wait3A_279] : memref<3x32x768xf32, #tpu.memory_space<vmem>> -> memref<1x32x768xf32, #tpu.memory_space<vmem>>
      %dma_wait3A_281 = tpu.memref_squeeze %dma_wait3A_280 : memref<1x32x768xf32, #tpu.memory_space<vmem>> -> memref<32x768xf32, #tpu.memory_space<vmem>>
      %dma_wait3A_282 = arith.constant 0 : i32
      %dma_wait3A_283 = tpu.memref_slice %arg8[%scan3A_268, %dma_wait3A_282] : memref<32x32xi32, #tpu.memory_space<vmem>> -> memref<1x32xi32, #tpu.memory_space<vmem>>
      %dma_wait3A_284 = tpu.memref_squeeze %dma_wait3A_283 : memref<1x32xi32, #tpu.memory_space<vmem>> -> memref<32xi32, #tpu.memory_space<vmem>>
      %dma_wait3A_285 = arith.constant 0 : i32
      %dma_wait3A_286 = arith.constant 0 : i32
      %dma_wait3A_287 = tpu.memref_slice %arg3[%dma_wait3A_285, %dma_wait3A_286] : memref<100000x768xf32, #tpu.memory_space<hbm>> -> memref<100000x768xf32, #tpu.memory_space<hbm>>
      %dma_wait3A_288 = tpu.memref_slice %arg13[%rem3A_269] : memref<3x!tpu.dma_semaphore, #tpu.memory_space<semaphore_mem>> -> memref<1x!tpu.dma_semaphore, #tpu.memory_space<semaphore_mem>>
      %dma_wait3A_289 = tpu.memref_squeeze %dma_wait3A_288 : memref<1x!tpu.dma_semaphore, #tpu.memory_space<semaphore_mem>> -> memref<!tpu.dma_semaphore, #tpu.memory_space<semaphore_mem>>
      tpu.wait_indirect_dma semaphore(%dma_wait3A_289 : memref<!tpu.dma_semaphore, #tpu.memory_space<semaphore_mem>>) src(%dma_wait3A_287 : memref<100000x768xf32, #tpu.memory_space<hbm>>) dst(%dma_wait3A_281 : memref<32x768xf32, #tpu.memory_space<vmem>>)
      %dma_wait3A_290 = arith.constant 0 : i32
      %dma_wait3A_291 = arith.constant 0 : i32
      %dma_wait3A_292 = tpu.memref_slice %arg9[%rem3A_269, %dma_wait3A_290, %dma_wait3A_291] : memref<3x8x768xf32, #tpu.memory_space<vmem>> -> memref<1x8x768xf32, #tpu.memory_space<vmem>>
      %dma_wait3A_293 = tpu.memref_squeeze %dma_wait3A_292 : memref<1x8x768xf32, #tpu.memory_space<vmem>> -> memref<8x768xf32, #tpu.memory_space<vmem>>
      %dma_wait3A_294 = arith.constant 0 : i32
      %dma_wait3A_295 = tpu.memref_slice %arg4[%mul3A_2, %dma_wait3A_294] : memref<8192x768xf32, #tpu.memory_space<hbm>> -> memref<8x768xf32, #tpu.memory_space<hbm>>
      %dma_wait3A_296 = tpu.memref_slice %arg14[%rem3A_269] : memref<3x!tpu.dma_semaphore, #tpu.memory_space<semaphore_mem>> -> memref<1x!tpu.dma_semaphore, #tpu.memory_space<semaphore_mem>>
      %dma_wait3A_297 = tpu.memref_squeeze %dma_wait3A_296 : memref<1x!tpu.dma_semaphore, #tpu.memory_space<semaphore_mem>> -> memref<!tpu.dma_semaphore, #tpu.memory_space<semaphore_mem>>
      %dma_wait3A_298 = arith.constant 0 : i32
      %dma_wait3A_299 = arith.constant 0 : i32
      %dma_wait3A_300 = tpu.memref_slice %arg9[%rem3A_269, %dma_wait3A_298, %dma_wait3A_299] : memref<3x8x768xf32, #tpu.memory_space<vmem>> -> memref<1x8x768xf32, #tpu.memory_space<vmem>>
      %dma_wait3A_301 = tpu.memref_squeeze %dma_wait3A_300 : memref<1x8x768xf32, #tpu.memory_space<vmem>> -> memref<8x768xf32, #tpu.memory_space<vmem>>
      %dma_wait3A_302 = arith.constant 0 : i32
      %dma_wait3A_303 = tpu.memref_slice %arg4[%mul3A_2, %dma_wait3A_302] : memref<8192x768xf32, #tpu.memory_space<hbm>> -> memref<8x768xf32, #tpu.memory_space<hbm>>
      tpu.wait_dma2 semaphore(%dma_wait3A_297 : memref<!tpu.dma_semaphore, #tpu.memory_space<semaphore_mem>>) src(%dma_wait3A_303 : memref<8x768xf32, #tpu.memory_space<hbm>>) dst(%dma_wait3A_301 : memref<8x768xf32, #tpu.memory_space<vmem>>)
      %parallel_loop3A = arith.constant 0 : i32
      %parallel_loop3A_304 = arith.constant 8 : i32
      %parallel_loop3A_305 = arith.constant 1 : i32
      scf.for %parallel_loop3A_377 = %parallel_loop3A to %parallel_loop3A_304 step %parallel_loop3A_305  : i32 {
        %parallel_loop3A_378 = arith.constant 0.000000e+00 : f32
        %parallel_loop3A_379 = vector.broadcast %parallel_loop3A_378 : f32 to vector<16xf32>
        %parallel_loop3A_380 = arith.constant 0 : i32
        %parallel_loop3A_381 = arith.constant 48 : i32
        %parallel_loop3A_382 = arith.constant 1 : i32
        %parallel_loop3A_383:8 = scf.for %parallel_loop3A_912 = %parallel_loop3A_380 to %parallel_loop3A_381 step %parallel_loop3A_382 iter_args(%parallel_loop3A_913 = %parallel_loop3A_379, %parallel_loop3A_914 = %parallel_loop3A_379, %parallel_loop3A_915 = %parallel_loop3A_379, %parallel_loop3A_916 = %parallel_loop3A_379, %parallel_loop3A_917 = %parallel_loop3A_379, %parallel_loop3A_918 = %parallel_loop3A_379, %parallel_loop3A_919 = %parallel_loop3A_379, %parallel_loop3A_920 = %parallel_loop3A_379) -> (vector<16xf32>, vector<16xf32>, vector<16xf32>, vector<16xf32>, vector<16xf32>, vector<16xf32>, vector<16xf32>, vector<16xf32>)  : i32 {
          %parallel_loop3A_921 = arith.constant 16 : i32
          %parallel_loop3A_922 = arith.muli %parallel_loop3A_912, %parallel_loop3A_921 : i32
          %parallel_loop3A_923 = arith.constant 0 : i32
          %parallel_loop3A_924 = arith.constant 0 : i32
          %parallel_loop3A_925 = tpu.memref_slice %arg9[%rem3A_269, %parallel_loop3A_923, %parallel_loop3A_924] : memref<3x8x768xf32, #tpu.memory_space<vmem>> -> memref<1x8x768xf32, #tpu.memory_space<vmem>>
          %parallel_loop3A_926 = tpu.memref_squeeze %parallel_loop3A_925 : memref<1x8x768xf32, #tpu.memory_space<vmem>> -> memref<8x768xf32, #tpu.memory_space<vmem>>
          %parallel_loop3A_927 = arith.index_cast %parallel_loop3A_377 : i32 to index
          %parallel_loop3A_928 = arith.index_cast %parallel_loop3A_922 : i32 to index
          %parallel_loop3A_929 = tpu.vector_load %parallel_loop3A_926[%parallel_loop3A_927, %parallel_loop3A_928] {strides = array<i32>} : memref<8x768xf32, #tpu.memory_space<vmem>>, vector<1x16xf32>,
          %parallel_loop3A_930 = vector.shape_cast %parallel_loop3A_929 : vector<1x16xf32> to vector<16xf32>
          %parallel_loop3A_931 = arith.constant 0 : i32
          %parallel_loop3A_932 = arith.addi %parallel_loop3A_931, %parallel_loop3A_377 : i32
          %parallel_loop3A_933 = arith.constant 0 : i32
          %parallel_loop3A_934 = arith.constant 0 : i32
          %parallel_loop3A_935 = tpu.memref_slice %arg10[%rem3A_269, %parallel_loop3A_933, %parallel_loop3A_934] : memref<3x32x768xf32, #tpu.memory_space<vmem>> -> memref<1x32x768xf32, #tpu.memory_space<vmem>>
          %parallel_loop3A_936 = tpu.memref_squeeze %parallel_loop3A_935 : memref<1x32x768xf32, #tpu.memory_space<vmem>> -> memref<32x768xf32, #tpu.memory_space<vmem>>
          %parallel_loop3A_937 = arith.index_cast %parallel_loop3A_932 : i32 to index
          %parallel_loop3A_938 = arith.index_cast %parallel_loop3A_922 : i32 to index
          %parallel_loop3A_939 = tpu.vector_load %parallel_loop3A_936[%parallel_loop3A_937, %parallel_loop3A_938] {strides = array<i32>} : memref<32x768xf32, #tpu.memory_space<vmem>>, vector<1x16xf32>,
          %parallel_loop3A_940 = vector.shape_cast %parallel_loop3A_939 : vector<1x16xf32> to vector<16xf32>
          %parallel_loop3A_941 = arith.constant 27.7128124 : f32
          %parallel_loop3A_942 = vector.broadcast %parallel_loop3A_941 : f32 to vector<16xf32>
          %parallel_loop3A_943 = arith.mulf %parallel_loop3A_940, %parallel_loop3A_942 : vector<16xf32>
          %parallel_loop3A_944 = arith.addf %parallel_loop3A_943, %parallel_loop3A_930 : vector<16xf32>
          %parallel_loop3A_945 = arith.addf %parallel_loop3A_913, %parallel_loop3A_944 : vector<16xf32>
          %parallel_loop3A_946 = arith.mulf %parallel_loop3A_944, %parallel_loop3A_944 : vector<16xf32>
          %parallel_loop3A_947 = arith.addf %parallel_loop3A_914, %parallel_loop3A_946 : vector<16xf32>
          %parallel_loop3A_948 = arith.constant 8 : i32
          %parallel_loop3A_949 = arith.addi %parallel_loop3A_948, %parallel_loop3A_377 : i32
          %parallel_loop3A_950 = arith.constant 0 : i32
          %parallel_loop3A_951 = arith.constant 0 : i32
          %parallel_loop3A_952 = tpu.memref_slice %arg10[%rem3A_269, %parallel_loop3A_950, %parallel_loop3A_951] : memref<3x32x768xf32, #tpu.memory_space<vmem>> -> memref<1x32x768xf32, #tpu.memory_space<vmem>>
          %parallel_loop3A_953 = tpu.memref_squeeze %parallel_loop3A_952 : memref<1x32x768xf32, #tpu.memory_space<vmem>> -> memref<32x768xf32, #tpu.memory_space<vmem>>
          %parallel_loop3A_954 = arith.index_cast %parallel_loop3A_949 : i32 to index
          %parallel_loop3A_955 = arith.index_cast %parallel_loop3A_922 : i32 to index
          %parallel_loop3A_956 = tpu.vector_load %parallel_loop3A_953[%parallel_loop3A_954, %parallel_loop3A_955] {strides = array<i32>} : memref<32x768xf32, #tpu.memory_space<vmem>>, vector<1x16xf32>,
          %parallel_loop3A_957 = vector.shape_cast %parallel_loop3A_956 : vector<1x16xf32> to vector<16xf32>
          %parallel_loop3A_958 = arith.constant 27.7128124 : f32
          %parallel_loop3A_959 = vector.broadcast %parallel_loop3A_958 : f32 to vector<16xf32>
          %parallel_loop3A_960 = arith.mulf %parallel_loop3A_957, %parallel_loop3A_959 : vector<16xf32>
          %parallel_loop3A_961 = arith.addf %parallel_loop3A_960, %parallel_loop3A_930 : vector<16xf32>
          %parallel_loop3A_962 = arith.addf %parallel_loop3A_915, %parallel_loop3A_961 : vector<16xf32>
          %parallel_loop3A_963 = arith.mulf %parallel_loop3A_961, %parallel_loop3A_961 : vector<16xf32>
          %parallel_loop3A_964 = arith.addf %parallel_loop3A_916, %parallel_loop3A_963 : vector<16xf32>
          %parallel_loop3A_965 = arith.constant 16 : i32
          %parallel_loop3A_966 = arith.addi %parallel_loop3A_965, %parallel_loop3A_377 : i32
          %parallel_loop3A_967 = arith.constant 0 : i32
          %parallel_loop3A_968 = arith.constant 0 : i32
          %parallel_loop3A_969 = tpu.memref_slice %arg10[%rem3A_269, %parallel_loop3A_967, %parallel_loop3A_968] : memref<3x32x768xf32, #tpu.memory_space<vmem>> -> memref<1x32x768xf32, #tpu.memory_space<vmem>>
          %parallel_loop3A_970 = tpu.memref_squeeze %parallel_loop3A_969 : memref<1x32x768xf32, #tpu.memory_space<vmem>> -> memref<32x768xf32, #tpu.memory_space<vmem>>
          %parallel_loop3A_971 = arith.index_cast %parallel_loop3A_966 : i32 to index
          %parallel_loop3A_972 = arith.index_cast %parallel_loop3A_922 : i32 to index
          %parallel_loop3A_973 = tpu.vector_load %parallel_loop3A_970[%parallel_loop3A_971, %parallel_loop3A_972] {strides = array<i32>} : memref<32x768xf32, #tpu.memory_space<vmem>>, vector<1x16xf32>,
          %parallel_loop3A_974 = vector.shape_cast %parallel_loop3A_973 : vector<1x16xf32> to vector<16xf32>
          %parallel_loop3A_975 = arith.constant 27.7128124 : f32
          %parallel_loop3A_976 = vector.broadcast %parallel_loop3A_975 : f32 to vector<16xf32>
          %parallel_loop3A_977 = arith.mulf %parallel_loop3A_974, %parallel_loop3A_976 : vector<16xf32>
          %parallel_loop3A_978 = arith.addf %parallel_loop3A_977, %parallel_loop3A_930 : vector<16xf32>
          %parallel_loop3A_979 = arith.addf %parallel_loop3A_917, %parallel_loop3A_978 : vector<16xf32>
          %parallel_loop3A_980 = arith.mulf %parallel_loop3A_978, %parallel_loop3A_978 : vector<16xf32>
          %parallel_loop3A_981 = arith.addf %parallel_loop3A_918, %parallel_loop3A_980 : vector<16xf32>
          %parallel_loop3A_982 = arith.constant 24 : i32
          %parallel_loop3A_983 = arith.addi %parallel_loop3A_982, %parallel_loop3A_377 : i32
          %parallel_loop3A_984 = arith.constant 0 : i32
          %parallel_loop3A_985 = arith.constant 0 : i32
          %parallel_loop3A_986 = tpu.memref_slice %arg10[%rem3A_269, %parallel_loop3A_984, %parallel_loop3A_985] : memref<3x32x768xf32, #tpu.memory_space<vmem>> -> memref<1x32x768xf32, #tpu.memory_space<vmem>>
          %parallel_loop3A_987 = tpu.memref_squeeze %parallel_loop3A_986 : memref<1x32x768xf32, #tpu.memory_space<vmem>> -> memref<32x768xf32, #tpu.memory_space<vmem>>
          %parallel_loop3A_988 = arith.index_cast %parallel_loop3A_983 : i32 to index
          %parallel_loop3A_989 = arith.index_cast %parallel_loop3A_922 : i32 to index
          %parallel_loop3A_990 = tpu.vector_load %parallel_loop3A_987[%parallel_loop3A_988, %parallel_loop3A_989] {strides = array<i32>} : memref<32x768xf32, #tpu.memory_space<vmem>>, vector<1x16xf32>,
          %parallel_loop3A_991 = vector.shape_cast %parallel_loop3A_990 : vector<1x16xf32> to vector<16xf32>
          %parallel_loop3A_992 = arith.constant 27.7128124 : f32
          %parallel_loop3A_993 = vector.broadcast %parallel_loop3A_992 : f32 to vector<16xf32>
          %parallel_loop3A_994 = arith.mulf %parallel_loop3A_991, %parallel_loop3A_993 : vector<16xf32>
          %parallel_loop3A_995 = arith.addf %parallel_loop3A_994, %parallel_loop3A_930 : vector<16xf32>
          %parallel_loop3A_996 = arith.addf %parallel_loop3A_919, %parallel_loop3A_995 : vector<16xf32>
          %parallel_loop3A_997 = arith.mulf %parallel_loop3A_995, %parallel_loop3A_995 : vector<16xf32>
          %parallel_loop3A_998 = arith.addf %parallel_loop3A_920, %parallel_loop3A_997 : vector<16xf32>
          scf.yield %parallel_loop3A_945, %parallel_loop3A_947, %parallel_loop3A_962, %parallel_loop3A_964, %parallel_loop3A_979, %parallel_loop3A_981, %parallel_loop3A_996, %parallel_loop3A_998 : vector<16xf32>, vector<16xf32>, vector<16xf32>, vector<16xf32>, vector<16xf32>, vector<16xf32>, vector<16xf32>, vector<16xf32>
        } {sc.loop_unroll_factor = 4 : i64, sc.parallel_access}
        %parallel_loop3A_384 = tpu.iota {dimensions = array<i32: 0>} : vector<16xi32>
        %parallel_loop3A_385 = arith.constant 1 : i32
        %parallel_loop3A_386 = vector.broadcast %parallel_loop3A_385 : i32 to vector<16xi32>
        %parallel_loop3A_387 = arith.xori %parallel_loop3A_384, %parallel_loop3A_386 : vector<16xi32>
        %parallel_loop3A_388 = arith.constant 0 : i32
        %parallel_loop3A_389 = vector.broadcast %parallel_loop3A_388 : i32 to vector<16xi32>
        %parallel_loop3A_390 = arith.cmpi slt, %parallel_loop3A_387, %parallel_loop3A_389 : vector<16xi32>
        %parallel_loop3A_391 = arith.constant 16 : i32
        %parallel_loop3A_392 = vector.broadcast %parallel_loop3A_391 : i32 to vector<16xi32>
        %parallel_loop3A_393 = arith.addi %parallel_loop3A_387, %parallel_loop3A_392 : vector<16xi32>
        %parallel_loop3A_394 = arith.select %parallel_loop3A_390, %parallel_loop3A_393, %parallel_loop3A_387 : vector<16xi1>, vector<16xi32>
        %parallel_loop3A_395 = vector.shape_cast %parallel_loop3A_394 : vector<16xi32> to vector<16x1xi32>
        %parallel_loop3A_396 = vector.shape_cast %parallel_loop3A_395 : vector<16x1xi32> to vector<16xi32>
        %parallel_loop3A_397 = tpu.dynamic_gather %parallel_loop3A_383#0[%parallel_loop3A_396] in [0] : vector<16xf32>, vector<16xi32> -> vector<16xf32>
        %parallel_loop3A_398 = arith.addf %parallel_loop3A_383#0, %parallel_loop3A_397 : vector<16xf32>
        %parallel_loop3A_399 = arith.constant 0 : i32
        %parallel_loop3A_400 = vector.broadcast %parallel_loop3A_399 : i32 to vector<16xi32>
        %parallel_loop3A_401 = arith.cmpi slt, %parallel_loop3A_387, %parallel_loop3A_400 : vector<16xi32>
        %parallel_loop3A_402 = arith.constant 16 : i32
        %parallel_loop3A_403 = vector.broadcast %parallel_loop3A_402 : i32 to vector<16xi32>
        %parallel_loop3A_404 = arith.addi %parallel_loop3A_387, %parallel_loop3A_403 : vector<16xi32>
        %parallel_loop3A_405 = arith.select %parallel_loop3A_401, %parallel_loop3A_404, %parallel_loop3A_387 : vector<16xi1>, vector<16xi32>
        %parallel_loop3A_406 = vector.shape_cast %parallel_loop3A_405 : vector<16xi32> to vector<16x1xi32>
        %parallel_loop3A_407 = vector.shape_cast %parallel_loop3A_406 : vector<16x1xi32> to vector<16xi32>
        %parallel_loop3A_408 = tpu.dynamic_gather %parallel_loop3A_383#1[%parallel_loop3A_407] in [0] : vector<16xf32>, vector<16xi32> -> vector<16xf32>
        %parallel_loop3A_409 = arith.addf %parallel_loop3A_383#1, %parallel_loop3A_408 : vector<16xf32>
        %parallel_loop3A_410 = arith.constant 0 : i32
        %parallel_loop3A_411 = vector.broadcast %parallel_loop3A_410 : i32 to vector<16xi32>
        %parallel_loop3A_412 = arith.cmpi slt, %parallel_loop3A_387, %parallel_loop3A_411 : vector<16xi32>
        %parallel_loop3A_413 = arith.constant 16 : i32
        %parallel_loop3A_414 = vector.broadcast %parallel_loop3A_413 : i32 to vector<16xi32>
        %parallel_loop3A_415 = arith.addi %parallel_loop3A_387, %parallel_loop3A_414 : vector<16xi32>
        %parallel_loop3A_416 = arith.select %parallel_loop3A_412, %parallel_loop3A_415, %parallel_loop3A_387 : vector<16xi1>, vector<16xi32>
        %parallel_loop3A_417 = vector.shape_cast %parallel_loop3A_416 : vector<16xi32> to vector<16x1xi32>
        %parallel_loop3A_418 = vector.shape_cast %parallel_loop3A_417 : vector<16x1xi32> to vector<16xi32>
        %parallel_loop3A_419 = tpu.dynamic_gather %parallel_loop3A_383#2[%parallel_loop3A_418] in [0] : vector<16xf32>, vector<16xi32> -> vector<16xf32>
        %parallel_loop3A_420 = arith.addf %parallel_loop3A_383#2, %parallel_loop3A_419 : vector<16xf32>
        %parallel_loop3A_421 = arith.constant 0 : i32
        %parallel_loop3A_422 = vector.broadcast %parallel_loop3A_421 : i32 to vector<16xi32>
        %parallel_loop3A_423 = arith.cmpi slt, %parallel_loop3A_387, %parallel_loop3A_422 : vector<16xi32>
        %parallel_loop3A_424 = arith.constant 16 : i32
        %parallel_loop3A_425 = vector.broadcast %parallel_loop3A_424 : i32 to vector<16xi32>
        %parallel_loop3A_426 = arith.addi %parallel_loop3A_387, %parallel_loop3A_425 : vector<16xi32>
        %parallel_loop3A_427 = arith.select %parallel_loop3A_423, %parallel_loop3A_426, %parallel_loop3A_387 : vector<16xi1>, vector<16xi32>
        %parallel_loop3A_428 = vector.shape_cast %parallel_loop3A_427 : vector<16xi32> to vector<16x1xi32>
        %parallel_loop3A_429 = vector.shape_cast %parallel_loop3A_428 : vector<16x1xi32> to vector<16xi32>
        %parallel_loop3A_430 = tpu.dynamic_gather %parallel_loop3A_383#3[%parallel_loop3A_429] in [0] : vector<16xf32>, vector<16xi32> -> vector<16xf32>
        %parallel_loop3A_431 = arith.addf %parallel_loop3A_383#3, %parallel_loop3A_430 : vector<16xf32>
        %parallel_loop3A_432 = arith.constant 0 : i32
        %parallel_loop3A_433 = vector.broadcast %parallel_loop3A_432 : i32 to vector<16xi32>
        %parallel_loop3A_434 = arith.cmpi slt, %parallel_loop3A_387, %parallel_loop3A_433 : vector<16xi32>
        %parallel_loop3A_435 = arith.constant 16 : i32
        %parallel_loop3A_436 = vector.broadcast %parallel_loop3A_435 : i32 to vector<16xi32>
        %parallel_loop3A_437 = arith.addi %parallel_loop3A_387, %parallel_loop3A_436 : vector<16xi32>
        %parallel_loop3A_438 = arith.select %parallel_loop3A_434, %parallel_loop3A_437, %parallel_loop3A_387 : vector<16xi1>, vector<16xi32>
        %parallel_loop3A_439 = vector.shape_cast %parallel_loop3A_438 : vector<16xi32> to vector<16x1xi32>
        %parallel_loop3A_440 = vector.shape_cast %parallel_loop3A_439 : vector<16x1xi32> to vector<16xi32>
        %parallel_loop3A_441 = tpu.dynamic_gather %parallel_loop3A_383#4[%parallel_loop3A_440] in [0] : vector<16xf32>, vector<16xi32> -> vector<16xf32>
        %parallel_loop3A_442 = arith.addf %parallel_loop3A_383#4, %parallel_loop3A_441 : vector<16xf32>
        %parallel_loop3A_443 = arith.constant 0 : i32
        %parallel_loop3A_444 = vector.broadcast %parallel_loop3A_443 : i32 to vector<16xi32>
        %parallel_loop3A_445 = arith.cmpi slt, %parallel_loop3A_387, %parallel_loop3A_444 : vector<16xi32>
        %parallel_loop3A_446 = arith.constant 16 : i32
        %parallel_loop3A_447 = vector.broadcast %parallel_loop3A_446 : i32 to vector<16xi32>
        %parallel_loop3A_448 = arith.addi %parallel_loop3A_387, %parallel_loop3A_447 : vector<16xi32>
        %parallel_loop3A_449 = arith.select %parallel_loop3A_445, %parallel_loop3A_448, %parallel_loop3A_387 : vector<16xi1>, vector<16xi32>
        %parallel_loop3A_450 = vector.shape_cast %parallel_loop3A_449 : vector<16xi32> to vector<16x1xi32>
        %parallel_loop3A_451 = vector.shape_cast %parallel_loop3A_450 : vector<16x1xi32> to vector<16xi32>
        %parallel_loop3A_452 = tpu.dynamic_gather %parallel_loop3A_383#5[%parallel_loop3A_451] in [0] : vector<16xf32>, vector<16xi32> -> vector<16xf32>
        %parallel_loop3A_453 = arith.addf %parallel_loop3A_383#5, %parallel_loop3A_452 : vector<16xf32>
        %parallel_loop3A_454 = arith.constant 0 : i32
        %parallel_loop3A_455 = vector.broadcast %parallel_loop3A_454 : i32 to vector<16xi32>
        %parallel_loop3A_456 = arith.cmpi slt, %parallel_loop3A_387, %parallel_loop3A_455 : vector<16xi32>
        %parallel_loop3A_457 = arith.constant 16 : i32
        %parallel_loop3A_458 = vector.broadcast %parallel_loop3A_457 : i32 to vector<16xi32>
        %parallel_loop3A_459 = arith.addi %parallel_loop3A_387, %parallel_loop3A_458 : vector<16xi32>
        %parallel_loop3A_460 = arith.select %parallel_loop3A_456, %parallel_loop3A_459, %parallel_loop3A_387 : vector<16xi1>, vector<16xi32>
        %parallel_loop3A_461 = vector.shape_cast %parallel_loop3A_460 : vector<16xi32> to vector<16x1xi32>
        %parallel_loop3A_462 = vector.shape_cast %parallel_loop3A_461 : vector<16x1xi32> to vector<16xi32>
        %parallel_loop3A_463 = tpu.dynamic_gather %parallel_loop3A_383#6[%parallel_loop3A_462] in [0] : vector<16xf32>, vector<16xi32> -> vector<16xf32>
        %parallel_loop3A_464 = arith.addf %parallel_loop3A_383#6, %parallel_loop3A_463 : vector<16xf32>
        %parallel_loop3A_465 = arith.constant 0 : i32
        %parallel_loop3A_466 = vector.broadcast %parallel_loop3A_465 : i32 to vector<16xi32>
        %parallel_loop3A_467 = arith.cmpi slt, %parallel_loop3A_387, %parallel_loop3A_466 : vector<16xi32>
        %parallel_loop3A_468 = arith.constant 16 : i32
        %parallel_loop3A_469 = vector.broadcast %parallel_loop3A_468 : i32 to vector<16xi32>
        %parallel_loop3A_470 = arith.addi %parallel_loop3A_387, %parallel_loop3A_469 : vector<16xi32>
        %parallel_loop3A_471 = arith.select %parallel_loop3A_467, %parallel_loop3A_470, %parallel_loop3A_387 : vector<16xi1>, vector<16xi32>
        %parallel_loop3A_472 = vector.shape_cast %parallel_loop3A_471 : vector<16xi32> to vector<16x1xi32>
        %parallel_loop3A_473 = vector.shape_cast %parallel_loop3A_472 : vector<16x1xi32> to vector<16xi32>
        %parallel_loop3A_474 = tpu.dynamic_gather %parallel_loop3A_383#7[%parallel_loop3A_473] in [0] : vector<16xf32>, vector<16xi32> -> vector<16xf32>
        %parallel_loop3A_475 = arith.addf %parallel_loop3A_383#7, %parallel_loop3A_474 : vector<16xf32>
        %parallel_loop3A_476 = arith.constant 2 : i32
        %parallel_loop3A_477 = vector.broadcast %parallel_loop3A_476 : i32 to vector<16xi32>
        %parallel_loop3A_478 = arith.xori %parallel_loop3A_384, %parallel_loop3A_477 : vector<16xi32>
        %parallel_loop3A_479 = arith.constant 0 : i32
        %parallel_loop3A_480 = vector.broadcast %parallel_loop3A_479 : i32 to vector<16xi32>
        %parallel_loop3A_481 = arith.cmpi slt, %parallel_loop3A_478, %parallel_loop3A_480 : vector<16xi32>
        %parallel_loop3A_482 = arith.constant 16 : i32
        %parallel_loop3A_483 = vector.broadcast %parallel_loop3A_482 : i32 to vector<16xi32>
        %parallel_loop3A_484 = arith.addi %parallel_loop3A_478, %parallel_loop3A_483 : vector<16xi32>
        %parallel_loop3A_485 = arith.select %parallel_loop3A_481, %parallel_loop3A_484, %parallel_loop3A_478 : vector<16xi1>, vector<16xi32>
        %parallel_loop3A_486 = vector.shape_cast %parallel_loop3A_485 : vector<16xi32> to vector<16x1xi32>
        %parallel_loop3A_487 = vector.shape_cast %parallel_loop3A_486 : vector<16x1xi32> to vector<16xi32>
        %parallel_loop3A_488 = tpu.dynamic_gather %parallel_loop3A_398[%parallel_loop3A_487] in [0] : vector<16xf32>, vector<16xi32> -> vector<16xf32>
        %parallel_loop3A_489 = arith.addf %parallel_loop3A_398, %parallel_loop3A_488 : vector<16xf32>
        %parallel_loop3A_490 = arith.constant 0 : i32
        %parallel_loop3A_491 = vector.broadcast %parallel_loop3A_490 : i32 to vector<16xi32>
        %parallel_loop3A_492 = arith.cmpi slt, %parallel_loop3A_478, %parallel_loop3A_491 : vector<16xi32>
        %parallel_loop3A_493 = arith.constant 16 : i32
        %parallel_loop3A_494 = vector.broadcast %parallel_loop3A_493 : i32 to vector<16xi32>
        %parallel_loop3A_495 = arith.addi %parallel_loop3A_478, %parallel_loop3A_494 : vector<16xi32>
        %parallel_loop3A_496 = arith.select %parallel_loop3A_492, %parallel_loop3A_495, %parallel_loop3A_478 : vector<16xi1>, vector<16xi32>
        %parallel_loop3A_497 = vector.shape_cast %parallel_loop3A_496 : vector<16xi32> to vector<16x1xi32>
        %parallel_loop3A_498 = vector.shape_cast %parallel_loop3A_497 : vector<16x1xi32> to vector<16xi32>
        %parallel_loop3A_499 = tpu.dynamic_gather %parallel_loop3A_409[%parallel_loop3A_498] in [0] : vector<16xf32>, vector<16xi32> -> vector<16xf32>
        %parallel_loop3A_500 = arith.addf %parallel_loop3A_409, %parallel_loop3A_499 : vector<16xf32>
        %parallel_loop3A_501 = arith.constant 0 : i32
        %parallel_loop3A_502 = vector.broadcast %parallel_loop3A_501 : i32 to vector<16xi32>
        %parallel_loop3A_503 = arith.cmpi slt, %parallel_loop3A_478, %parallel_loop3A_502 : vector<16xi32>
        %parallel_loop3A_504 = arith.constant 16 : i32
        %parallel_loop3A_505 = vector.broadcast %parallel_loop3A_504 : i32 to vector<16xi32>
        %parallel_loop3A_506 = arith.addi %parallel_loop3A_478, %parallel_loop3A_505 : vector<16xi32>
        %parallel_loop3A_507 = arith.select %parallel_loop3A_503, %parallel_loop3A_506, %parallel_loop3A_478 : vector<16xi1>, vector<16xi32>
        %parallel_loop3A_508 = vector.shape_cast %parallel_loop3A_507 : vector<16xi32> to vector<16x1xi32>
        %parallel_loop3A_509 = vector.shape_cast %parallel_loop3A_508 : vector<16x1xi32> to vector<16xi32>
        %parallel_loop3A_510 = tpu.dynamic_gather %parallel_loop3A_420[%parallel_loop3A_509] in [0] : vector<16xf32>, vector<16xi32> -> vector<16xf32>
        %parallel_loop3A_511 = arith.addf %parallel_loop3A_420, %parallel_loop3A_510 : vector<16xf32>
        %parallel_loop3A_512 = arith.constant 0 : i32
        %parallel_loop3A_513 = vector.broadcast %parallel_loop3A_512 : i32 to vector<16xi32>
        %parallel_loop3A_514 = arith.cmpi slt, %parallel_loop3A_478, %parallel_loop3A_513 : vector<16xi32>
        %parallel_loop3A_515 = arith.constant 16 : i32
        %parallel_loop3A_516 = vector.broadcast %parallel_loop3A_515 : i32 to vector<16xi32>
        %parallel_loop3A_517 = arith.addi %parallel_loop3A_478, %parallel_loop3A_516 : vector<16xi32>
        %parallel_loop3A_518 = arith.select %parallel_loop3A_514, %parallel_loop3A_517, %parallel_loop3A_478 : vector<16xi1>, vector<16xi32>
        %parallel_loop3A_519 = vector.shape_cast %parallel_loop3A_518 : vector<16xi32> to vector<16x1xi32>
        %parallel_loop3A_520 = vector.shape_cast %parallel_loop3A_519 : vector<16x1xi32> to vector<16xi32>
        %parallel_loop3A_521 = tpu.dynamic_gather %parallel_loop3A_431[%parallel_loop3A_520] in [0] : vector<16xf32>, vector<16xi32> -> vector<16xf32>
        %parallel_loop3A_522 = arith.addf %parallel_loop3A_431, %parallel_loop3A_521 : vector<16xf32>
        %parallel_loop3A_523 = arith.constant 0 : i32
        %parallel_loop3A_524 = vector.broadcast %parallel_loop3A_523 : i32 to vector<16xi32>
        %parallel_loop3A_525 = arith.cmpi slt, %parallel_loop3A_478, %parallel_loop3A_524 : vector<16xi32>
        %parallel_loop3A_526 = arith.constant 16 : i32
        %parallel_loop3A_527 = vector.broadcast %parallel_loop3A_526 : i32 to vector<16xi32>
        %parallel_loop3A_528 = arith.addi %parallel_loop3A_478, %parallel_loop3A_527 : vector<16xi32>
        %parallel_loop3A_529 = arith.select %parallel_loop3A_525, %parallel_loop3A_528, %parallel_loop3A_478 : vector<16xi1>, vector<16xi32>
        %parallel_loop3A_530 = vector.shape_cast %parallel_loop3A_529 : vector<16xi32> to vector<16x1xi32>
        %parallel_loop3A_531 = vector.shape_cast %parallel_loop3A_530 : vector<16x1xi32> to vector<16xi32>
        %parallel_loop3A_532 = tpu.dynamic_gather %parallel_loop3A_442[%parallel_loop3A_531] in [0] : vector<16xf32>, vector<16xi32> -> vector<16xf32>
        %parallel_loop3A_533 = arith.addf %parallel_loop3A_442, %parallel_loop3A_532 : vector<16xf32>
        %parallel_loop3A_534 = arith.constant 0 : i32
        %parallel_loop3A_535 = vector.broadcast %parallel_loop3A_534 : i32 to vector<16xi32>
        %parallel_loop3A_536 = arith.cmpi slt, %parallel_loop3A_478, %parallel_loop3A_535 : vector<16xi32>
        %parallel_loop3A_537 = arith.constant 16 : i32
        %parallel_loop3A_538 = vector.broadcast %parallel_loop3A_537 : i32 to vector<16xi32>
        %parallel_loop3A_539 = arith.addi %parallel_loop3A_478, %parallel_loop3A_538 : vector<16xi32>
        %parallel_loop3A_540 = arith.select %parallel_loop3A_536, %parallel_loop3A_539, %parallel_loop3A_478 : vector<16xi1>, vector<16xi32>
        %parallel_loop3A_541 = vector.shape_cast %parallel_loop3A_540 : vector<16xi32> to vector<16x1xi32>
        %parallel_loop3A_542 = vector.shape_cast %parallel_loop3A_541 : vector<16x1xi32> to vector<16xi32>
        %parallel_loop3A_543 = tpu.dynamic_gather %parallel_loop3A_453[%parallel_loop3A_542] in [0] : vector<16xf32>, vector<16xi32> -> vector<16xf32>
        %parallel_loop3A_544 = arith.addf %parallel_loop3A_453, %parallel_loop3A_543 : vector<16xf32>
        %parallel_loop3A_545 = arith.constant 0 : i32
        %parallel_loop3A_546 = vector.broadcast %parallel_loop3A_545 : i32 to vector<16xi32>
        %parallel_loop3A_547 = arith.cmpi slt, %parallel_loop3A_478, %parallel_loop3A_546 : vector<16xi32>
        %parallel_loop3A_548 = arith.constant 16 : i32
        %parallel_loop3A_549 = vector.broadcast %parallel_loop3A_548 : i32 to vector<16xi32>
        %parallel_loop3A_550 = arith.addi %parallel_loop3A_478, %parallel_loop3A_549 : vector<16xi32>
        %parallel_loop3A_551 = arith.select %parallel_loop3A_547, %parallel_loop3A_550, %parallel_loop3A_478 : vector<16xi1>, vector<16xi32>
        %parallel_loop3A_552 = vector.shape_cast %parallel_loop3A_551 : vector<16xi32> to vector<16x1xi32>
        %parallel_loop3A_553 = vector.shape_cast %parallel_loop3A_552 : vector<16x1xi32> to vector<16xi32>
        %parallel_loop3A_554 = tpu.dynamic_gather %parallel_loop3A_464[%parallel_loop3A_553] in [0] : vector<16xf32>, vector<16xi32> -> vector<16xf32>
        %parallel_loop3A_555 = arith.addf %parallel_loop3A_464, %parallel_loop3A_554 : vector<16xf32>
        %parallel_loop3A_556 = arith.constant 0 : i32
        %parallel_loop3A_557 = vector.broadcast %parallel_loop3A_556 : i32 to vector<16xi32>
        %parallel_loop3A_558 = arith.cmpi slt, %parallel_loop3A_478, %parallel_loop3A_557 : vector<16xi32>
        %parallel_loop3A_559 = arith.constant 16 : i32
        %parallel_loop3A_560 = vector.broadcast %parallel_loop3A_559 : i32 to vector<16xi32>
        %parallel_loop3A_561 = arith.addi %parallel_loop3A_478, %parallel_loop3A_560 : vector<16xi32>
        %parallel_loop3A_562 = arith.select %parallel_loop3A_558, %parallel_loop3A_561, %parallel_loop3A_478 : vector<16xi1>, vector<16xi32>
        %parallel_loop3A_563 = vector.shape_cast %parallel_loop3A_562 : vector<16xi32> to vector<16x1xi32>
        %parallel_loop3A_564 = vector.shape_cast %parallel_loop3A_563 : vector<16x1xi32> to vector<16xi32>
        %parallel_loop3A_565 = tpu.dynamic_gather %parallel_loop3A_475[%parallel_loop3A_564] in [0] : vector<16xf32>, vector<16xi32> -> vector<16xf32>
        %parallel_loop3A_566 = arith.addf %parallel_loop3A_475, %parallel_loop3A_565 : vector<16xf32>
        %parallel_loop3A_567 = arith.constant 4 : i32
        %parallel_loop3A_568 = vector.broadcast %parallel_loop3A_567 : i32 to vector<16xi32>
        %parallel_loop3A_569 = arith.xori %parallel_loop3A_384, %parallel_loop3A_568 : vector<16xi32>
        %parallel_loop3A_570 = arith.constant 0 : i32
        %parallel_loop3A_571 = vector.broadcast %parallel_loop3A_570 : i32 to vector<16xi32>
        %parallel_loop3A_572 = arith.cmpi slt, %parallel_loop3A_569, %parallel_loop3A_571 : vector<16xi32>
        %parallel_loop3A_573 = arith.constant 16 : i32
        %parallel_loop3A_574 = vector.broadcast %parallel_loop3A_573 : i32 to vector<16xi32>
        %parallel_loop3A_575 = arith.addi %parallel_loop3A_569, %parallel_loop3A_574 : vector<16xi32>
        %parallel_loop3A_576 = arith.select %parallel_loop3A_572, %parallel_loop3A_575, %parallel_loop3A_569 : vector<16xi1>, vector<16xi32>
        %parallel_loop3A_577 = vector.shape_cast %parallel_loop3A_576 : vector<16xi32> to vector<16x1xi32>
        %parallel_loop3A_578 = vector.shape_cast %parallel_loop3A_577 : vector<16x1xi32> to vector<16xi32>
        %parallel_loop3A_579 = tpu.dynamic_gather %parallel_loop3A_489[%parallel_loop3A_578] in [0] : vector<16xf32>, vector<16xi32> -> vector<16xf32>
        %parallel_loop3A_580 = arith.addf %parallel_loop3A_489, %parallel_loop3A_579 : vector<16xf32>
        %parallel_loop3A_581 = arith.constant 0 : i32
        %parallel_loop3A_582 = vector.broadcast %parallel_loop3A_581 : i32 to vector<16xi32>
        %parallel_loop3A_583 = arith.cmpi slt, %parallel_loop3A_569, %parallel_loop3A_582 : vector<16xi32>
        %parallel_loop3A_584 = arith.constant 16 : i32
        %parallel_loop3A_585 = vector.broadcast %parallel_loop3A_584 : i32 to vector<16xi32>
        %parallel_loop3A_586 = arith.addi %parallel_loop3A_569, %parallel_loop3A_585 : vector<16xi32>
        %parallel_loop3A_587 = arith.select %parallel_loop3A_583, %parallel_loop3A_586, %parallel_loop3A_569 : vector<16xi1>, vector<16xi32>
        %parallel_loop3A_588 = vector.shape_cast %parallel_loop3A_587 : vector<16xi32> to vector<16x1xi32>
        %parallel_loop3A_589 = vector.shape_cast %parallel_loop3A_588 : vector<16x1xi32> to vector<16xi32>
        %parallel_loop3A_590 = tpu.dynamic_gather %parallel_loop3A_500[%parallel_loop3A_589] in [0] : vector<16xf32>, vector<16xi32> -> vector<16xf32>
        %parallel_loop3A_591 = arith.addf %parallel_loop3A_500, %parallel_loop3A_590 : vector<16xf32>
        %parallel_loop3A_592 = arith.constant 0 : i32
        %parallel_loop3A_593 = vector.broadcast %parallel_loop3A_592 : i32 to vector<16xi32>
        %parallel_loop3A_594 = arith.cmpi slt, %parallel_loop3A_569, %parallel_loop3A_593 : vector<16xi32>
        %parallel_loop3A_595 = arith.constant 16 : i32
        %parallel_loop3A_596 = vector.broadcast %parallel_loop3A_595 : i32 to vector<16xi32>
        %parallel_loop3A_597 = arith.addi %parallel_loop3A_569, %parallel_loop3A_596 : vector<16xi32>
        %parallel_loop3A_598 = arith.select %parallel_loop3A_594, %parallel_loop3A_597, %parallel_loop3A_569 : vector<16xi1>, vector<16xi32>
        %parallel_loop3A_599 = vector.shape_cast %parallel_loop3A_598 : vector<16xi32> to vector<16x1xi32>
        %parallel_loop3A_600 = vector.shape_cast %parallel_loop3A_599 : vector<16x1xi32> to vector<16xi32>
        %parallel_loop3A_601 = tpu.dynamic_gather %parallel_loop3A_511[%parallel_loop3A_600] in [0] : vector<16xf32>, vector<16xi32> -> vector<16xf32>
        %parallel_loop3A_602 = arith.addf %parallel_loop3A_511, %parallel_loop3A_601 : vector<16xf32>
        %parallel_loop3A_603 = arith.constant 0 : i32
        %parallel_loop3A_604 = vector.broadcast %parallel_loop3A_603 : i32 to vector<16xi32>
        %parallel_loop3A_605 = arith.cmpi slt, %parallel_loop3A_569, %parallel_loop3A_604 : vector<16xi32>
        %parallel_loop3A_606 = arith.constant 16 : i32
        %parallel_loop3A_607 = vector.broadcast %parallel_loop3A_606 : i32 to vector<16xi32>
        %parallel_loop3A_608 = arith.addi %parallel_loop3A_569, %parallel_loop3A_607 : vector<16xi32>
        %parallel_loop3A_609 = arith.select %parallel_loop3A_605, %parallel_loop3A_608, %parallel_loop3A_569 : vector<16xi1>, vector<16xi32>
        %parallel_loop3A_610 = vector.shape_cast %parallel_loop3A_609 : vector<16xi32> to vector<16x1xi32>
        %parallel_loop3A_611 = vector.shape_cast %parallel_loop3A_610 : vector<16x1xi32> to vector<16xi32>
        %parallel_loop3A_612 = tpu.dynamic_gather %parallel_loop3A_522[%parallel_loop3A_611] in [0] : vector<16xf32>, vector<16xi32> -> vector<16xf32>
        %parallel_loop3A_613 = arith.addf %parallel_loop3A_522, %parallel_loop3A_612 : vector<16xf32>
        %parallel_loop3A_614 = arith.constant 0 : i32
        %parallel_loop3A_615 = vector.broadcast %parallel_loop3A_614 : i32 to vector<16xi32>
        %parallel_loop3A_616 = arith.cmpi slt, %parallel_loop3A_569, %parallel_loop3A_615 : vector<16xi32>
        %parallel_loop3A_617 = arith.constant 16 : i32
        %parallel_loop3A_618 = vector.broadcast %parallel_loop3A_617 : i32 to vector<16xi32>
        %parallel_loop3A_619 = arith.addi %parallel_loop3A_569, %parallel_loop3A_618 : vector<16xi32>
        %parallel_loop3A_620 = arith.select %parallel_loop3A_616, %parallel_loop3A_619, %parallel_loop3A_569 : vector<16xi1>, vector<16xi32>
        %parallel_loop3A_621 = vector.shape_cast %parallel_loop3A_620 : vector<16xi32> to vector<16x1xi32>
        %parallel_loop3A_622 = vector.shape_cast %parallel_loop3A_621 : vector<16x1xi32> to vector<16xi32>
        %parallel_loop3A_623 = tpu.dynamic_gather %parallel_loop3A_533[%parallel_loop3A_622] in [0] : vector<16xf32>, vector<16xi32> -> vector<16xf32>
        %parallel_loop3A_624 = arith.addf %parallel_loop3A_533, %parallel_loop3A_623 : vector<16xf32>
        %parallel_loop3A_625 = arith.constant 0 : i32
        %parallel_loop3A_626 = vector.broadcast %parallel_loop3A_625 : i32 to vector<16xi32>
        %parallel_loop3A_627 = arith.cmpi slt, %parallel_loop3A_569, %parallel_loop3A_626 : vector<16xi32>
        %parallel_loop3A_628 = arith.constant 16 : i32
        %parallel_loop3A_629 = vector.broadcast %parallel_loop3A_628 : i32 to vector<16xi32>
        %parallel_loop3A_630 = arith.addi %parallel_loop3A_569, %parallel_loop3A_629 : vector<16xi32>
        %parallel_loop3A_631 = arith.select %parallel_loop3A_627, %parallel_loop3A_630, %parallel_loop3A_569 : vector<16xi1>, vector<16xi32>
        %parallel_loop3A_632 = vector.shape_cast %parallel_loop3A_631 : vector<16xi32> to vector<16x1xi32>
        %parallel_loop3A_633 = vector.shape_cast %parallel_loop3A_632 : vector<16x1xi32> to vector<16xi32>
        %parallel_loop3A_634 = tpu.dynamic_gather %parallel_loop3A_544[%parallel_loop3A_633] in [0] : vector<16xf32>, vector<16xi32> -> vector<16xf32>
        %parallel_loop3A_635 = arith.addf %parallel_loop3A_544, %parallel_loop3A_634 : vector<16xf32>
        %parallel_loop3A_636 = arith.constant 0 : i32
        %parallel_loop3A_637 = vector.broadcast %parallel_loop3A_636 : i32 to vector<16xi32>
        %parallel_loop3A_638 = arith.cmpi slt, %parallel_loop3A_569, %parallel_loop3A_637 : vector<16xi32>
        %parallel_loop3A_639 = arith.constant 16 : i32
        %parallel_loop3A_640 = vector.broadcast %parallel_loop3A_639 : i32 to vector<16xi32>
        %parallel_loop3A_641 = arith.addi %parallel_loop3A_569, %parallel_loop3A_640 : vector<16xi32>
        %parallel_loop3A_642 = arith.select %parallel_loop3A_638, %parallel_loop3A_641, %parallel_loop3A_569 : vector<16xi1>, vector<16xi32>
        %parallel_loop3A_643 = vector.shape_cast %parallel_loop3A_642 : vector<16xi32> to vector<16x1xi32>
        %parallel_loop3A_644 = vector.shape_cast %parallel_loop3A_643 : vector<16x1xi32> to vector<16xi32>
        %parallel_loop3A_645 = tpu.dynamic_gather %parallel_loop3A_555[%parallel_loop3A_644] in [0] : vector<16xf32>, vector<16xi32> -> vector<16xf32>
        %parallel_loop3A_646 = arith.addf %parallel_loop3A_555, %parallel_loop3A_645 : vector<16xf32>
        %parallel_loop3A_647 = arith.constant 0 : i32
        %parallel_loop3A_648 = vector.broadcast %parallel_loop3A_647 : i32 to vector<16xi32>
        %parallel_loop3A_649 = arith.cmpi slt, %parallel_loop3A_569, %parallel_loop3A_648 : vector<16xi32>
        %parallel_loop3A_650 = arith.constant 16 : i32
        %parallel_loop3A_651 = vector.broadcast %parallel_loop3A_650 : i32 to vector<16xi32>
        %parallel_loop3A_652 = arith.addi %parallel_loop3A_569, %parallel_loop3A_651 : vector<16xi32>
        %parallel_loop3A_653 = arith.select %parallel_loop3A_649, %parallel_loop3A_652, %parallel_loop3A_569 : vector<16xi1>, vector<16xi32>
        %parallel_loop3A_654 = vector.shape_cast %parallel_loop3A_653 : vector<16xi32> to vector<16x1xi32>
        %parallel_loop3A_655 = vector.shape_cast %parallel_loop3A_654 : vector<16x1xi32> to vector<16xi32>
        %parallel_loop3A_656 = tpu.dynamic_gather %parallel_loop3A_566[%parallel_loop3A_655] in [0] : vector<16xf32>, vector<16xi32> -> vector<16xf32>
        %parallel_loop3A_657 = arith.addf %parallel_loop3A_566, %parallel_loop3A_656 : vector<16xf32>
        %parallel_loop3A_658 = arith.constant 8 : i32
        %parallel_loop3A_659 = vector.broadcast %parallel_loop3A_658 : i32 to vector<16xi32>
        %parallel_loop3A_660 = arith.xori %parallel_loop3A_384, %parallel_loop3A_659 : vector<16xi32>
        %parallel_loop3A_661 = arith.constant 0 : i32
        %parallel_loop3A_662 = vector.broadcast %parallel_loop3A_661 : i32 to vector<16xi32>
        %parallel_loop3A_663 = arith.cmpi slt, %parallel_loop3A_660, %parallel_loop3A_662 : vector<16xi32>
        %parallel_loop3A_664 = arith.constant 16 : i32
        %parallel_loop3A_665 = vector.broadcast %parallel_loop3A_664 : i32 to vector<16xi32>
        %parallel_loop3A_666 = arith.addi %parallel_loop3A_660, %parallel_loop3A_665 : vector<16xi32>
        %parallel_loop3A_667 = arith.select %parallel_loop3A_663, %parallel_loop3A_666, %parallel_loop3A_660 : vector<16xi1>, vector<16xi32>
        %parallel_loop3A_668 = vector.shape_cast %parallel_loop3A_667 : vector<16xi32> to vector<16x1xi32>
        %parallel_loop3A_669 = vector.shape_cast %parallel_loop3A_668 : vector<16x1xi32> to vector<16xi32>
        %parallel_loop3A_670 = tpu.dynamic_gather %parallel_loop3A_580[%parallel_loop3A_669] in [0] : vector<16xf32>, vector<16xi32> -> vector<16xf32>
        %parallel_loop3A_671 = arith.addf %parallel_loop3A_580, %parallel_loop3A_670 : vector<16xf32>
        %parallel_loop3A_672 = arith.constant 0 : i32
        %parallel_loop3A_673 = vector.broadcast %parallel_loop3A_672 : i32 to vector<16xi32>
        %parallel_loop3A_674 = arith.cmpi slt, %parallel_loop3A_660, %parallel_loop3A_673 : vector<16xi32>
        %parallel_loop3A_675 = arith.constant 16 : i32
        %parallel_loop3A_676 = vector.broadcast %parallel_loop3A_675 : i32 to vector<16xi32>
        %parallel_loop3A_677 = arith.addi %parallel_loop3A_660, %parallel_loop3A_676 : vector<16xi32>
        %parallel_loop3A_678 = arith.select %parallel_loop3A_674, %parallel_loop3A_677, %parallel_loop3A_660 : vector<16xi1>, vector<16xi32>
        %parallel_loop3A_679 = vector.shape_cast %parallel_loop3A_678 : vector<16xi32> to vector<16x1xi32>
        %parallel_loop3A_680 = vector.shape_cast %parallel_loop3A_679 : vector<16x1xi32> to vector<16xi32>
        %parallel_loop3A_681 = tpu.dynamic_gather %parallel_loop3A_591[%parallel_loop3A_680] in [0] : vector<16xf32>, vector<16xi32> -> vector<16xf32>
        %parallel_loop3A_682 = arith.addf %parallel_loop3A_591, %parallel_loop3A_681 : vector<16xf32>
        %parallel_loop3A_683 = arith.constant 0 : i32
        %parallel_loop3A_684 = vector.broadcast %parallel_loop3A_683 : i32 to vector<16xi32>
        %parallel_loop3A_685 = arith.cmpi slt, %parallel_loop3A_660, %parallel_loop3A_684 : vector<16xi32>
        %parallel_loop3A_686 = arith.constant 16 : i32
        %parallel_loop3A_687 = vector.broadcast %parallel_loop3A_686 : i32 to vector<16xi32>
        %parallel_loop3A_688 = arith.addi %parallel_loop3A_660, %parallel_loop3A_687 : vector<16xi32>
        %parallel_loop3A_689 = arith.select %parallel_loop3A_685, %parallel_loop3A_688, %parallel_loop3A_660 : vector<16xi1>, vector<16xi32>
        %parallel_loop3A_690 = vector.shape_cast %parallel_loop3A_689 : vector<16xi32> to vector<16x1xi32>
        %parallel_loop3A_691 = vector.shape_cast %parallel_loop3A_690 : vector<16x1xi32> to vector<16xi32>
        %parallel_loop3A_692 = tpu.dynamic_gather %parallel_loop3A_602[%parallel_loop3A_691] in [0] : vector<16xf32>, vector<16xi32> -> vector<16xf32>
        %parallel_loop3A_693 = arith.addf %parallel_loop3A_602, %parallel_loop3A_692 : vector<16xf32>
        %parallel_loop3A_694 = arith.constant 0 : i32
        %parallel_loop3A_695 = vector.broadcast %parallel_loop3A_694 : i32 to vector<16xi32>
        %parallel_loop3A_696 = arith.cmpi slt, %parallel_loop3A_660, %parallel_loop3A_695 : vector<16xi32>
        %parallel_loop3A_697 = arith.constant 16 : i32
        %parallel_loop3A_698 = vector.broadcast %parallel_loop3A_697 : i32 to vector<16xi32>
        %parallel_loop3A_699 = arith.addi %parallel_loop3A_660, %parallel_loop3A_698 : vector<16xi32>
        %parallel_loop3A_700 = arith.select %parallel_loop3A_696, %parallel_loop3A_699, %parallel_loop3A_660 : vector<16xi1>, vector<16xi32>
        %parallel_loop3A_701 = vector.shape_cast %parallel_loop3A_700 : vector<16xi32> to vector<16x1xi32>
        %parallel_loop3A_702 = vector.shape_cast %parallel_loop3A_701 : vector<16x1xi32> to vector<16xi32>
        %parallel_loop3A_703 = tpu.dynamic_gather %parallel_loop3A_613[%parallel_loop3A_702] in [0] : vector<16xf32>, vector<16xi32> -> vector<16xf32>
        %parallel_loop3A_704 = arith.addf %parallel_loop3A_613, %parallel_loop3A_703 : vector<16xf32>
        %parallel_loop3A_705 = arith.constant 0 : i32
        %parallel_loop3A_706 = vector.broadcast %parallel_loop3A_705 : i32 to vector<16xi32>
        %parallel_loop3A_707 = arith.cmpi slt, %parallel_loop3A_660, %parallel_loop3A_706 : vector<16xi32>
        %parallel_loop3A_708 = arith.constant 16 : i32
        %parallel_loop3A_709 = vector.broadcast %parallel_loop3A_708 : i32 to vector<16xi32>
        %parallel_loop3A_710 = arith.addi %parallel_loop3A_660, %parallel_loop3A_709 : vector<16xi32>
        %parallel_loop3A_711 = arith.select %parallel_loop3A_707, %parallel_loop3A_710, %parallel_loop3A_660 : vector<16xi1>, vector<16xi32>
        %parallel_loop3A_712 = vector.shape_cast %parallel_loop3A_711 : vector<16xi32> to vector<16x1xi32>
        %parallel_loop3A_713 = vector.shape_cast %parallel_loop3A_712 : vector<16x1xi32> to vector<16xi32>
        %parallel_loop3A_714 = tpu.dynamic_gather %parallel_loop3A_624[%parallel_loop3A_713] in [0] : vector<16xf32>, vector<16xi32> -> vector<16xf32>
        %parallel_loop3A_715 = arith.addf %parallel_loop3A_624, %parallel_loop3A_714 : vector<16xf32>
        %parallel_loop3A_716 = arith.constant 0 : i32
        %parallel_loop3A_717 = vector.broadcast %parallel_loop3A_716 : i32 to vector<16xi32>
        %parallel_loop3A_718 = arith.cmpi slt, %parallel_loop3A_660, %parallel_loop3A_717 : vector<16xi32>
        %parallel_loop3A_719 = arith.constant 16 : i32
        %parallel_loop3A_720 = vector.broadcast %parallel_loop3A_719 : i32 to vector<16xi32>
        %parallel_loop3A_721 = arith.addi %parallel_loop3A_660, %parallel_loop3A_720 : vector<16xi32>
        %parallel_loop3A_722 = arith.select %parallel_loop3A_718, %parallel_loop3A_721, %parallel_loop3A_660 : vector<16xi1>, vector<16xi32>
        %parallel_loop3A_723 = vector.shape_cast %parallel_loop3A_722 : vector<16xi32> to vector<16x1xi32>
        %parallel_loop3A_724 = vector.shape_cast %parallel_loop3A_723 : vector<16x1xi32> to vector<16xi32>
        %parallel_loop3A_725 = tpu.dynamic_gather %parallel_loop3A_635[%parallel_loop3A_724] in [0] : vector<16xf32>, vector<16xi32> -> vector<16xf32>
        %parallel_loop3A_726 = arith.addf %parallel_loop3A_635, %parallel_loop3A_725 : vector<16xf32>
        %parallel_loop3A_727 = arith.constant 0 : i32
        %parallel_loop3A_728 = vector.broadcast %parallel_loop3A_727 : i32 to vector<16xi32>
        %parallel_loop3A_729 = arith.cmpi slt, %parallel_loop3A_660, %parallel_loop3A_728 : vector<16xi32>
        %parallel_loop3A_730 = arith.constant 16 : i32
        %parallel_loop3A_731 = vector.broadcast %parallel_loop3A_730 : i32 to vector<16xi32>
        %parallel_loop3A_732 = arith.addi %parallel_loop3A_660, %parallel_loop3A_731 : vector<16xi32>
        %parallel_loop3A_733 = arith.select %parallel_loop3A_729, %parallel_loop3A_732, %parallel_loop3A_660 : vector<16xi1>, vector<16xi32>
        %parallel_loop3A_734 = vector.shape_cast %parallel_loop3A_733 : vector<16xi32> to vector<16x1xi32>
        %parallel_loop3A_735 = vector.shape_cast %parallel_loop3A_734 : vector<16x1xi32> to vector<16xi32>
        %parallel_loop3A_736 = tpu.dynamic_gather %parallel_loop3A_646[%parallel_loop3A_735] in [0] : vector<16xf32>, vector<16xi32> -> vector<16xf32>
        %parallel_loop3A_737 = arith.addf %parallel_loop3A_646, %parallel_loop3A_736 : vector<16xf32>
        %parallel_loop3A_738 = arith.constant 0 : i32
        %parallel_loop3A_739 = vector.broadcast %parallel_loop3A_738 : i32 to vector<16xi32>
        %parallel_loop3A_740 = arith.cmpi slt, %parallel_loop3A_660, %parallel_loop3A_739 : vector<16xi32>
        %parallel_loop3A_741 = arith.constant 16 : i32
        %parallel_loop3A_742 = vector.broadcast %parallel_loop3A_741 : i32 to vector<16xi32>
        %parallel_loop3A_743 = arith.addi %parallel_loop3A_660, %parallel_loop3A_742 : vector<16xi32>
        %parallel_loop3A_744 = arith.select %parallel_loop3A_740, %parallel_loop3A_743, %parallel_loop3A_660 : vector<16xi1>, vector<16xi32>
        %parallel_loop3A_745 = vector.shape_cast %parallel_loop3A_744 : vector<16xi32> to vector<16x1xi32>
        %parallel_loop3A_746 = vector.shape_cast %parallel_loop3A_745 : vector<16x1xi32> to vector<16xi32>
        %parallel_loop3A_747 = tpu.dynamic_gather %parallel_loop3A_657[%parallel_loop3A_746] in [0] : vector<16xf32>, vector<16xi32> -> vector<16xf32>
        %parallel_loop3A_748 = arith.addf %parallel_loop3A_657, %parallel_loop3A_747 : vector<16xf32>
        %parallel_loop3A_749 = arith.constant 0.00130208337 : f32
        %parallel_loop3A_750 = vector.broadcast %parallel_loop3A_749 : f32 to vector<16xf32>
        %parallel_loop3A_751 = arith.mulf %parallel_loop3A_671, %parallel_loop3A_750 : vector<16xf32>
        %parallel_loop3A_752 = arith.constant 0.00130208337 : f32
        %parallel_loop3A_753 = vector.broadcast %parallel_loop3A_752 : f32 to vector<16xf32>
        %parallel_loop3A_754 = arith.mulf %parallel_loop3A_682, %parallel_loop3A_753 : vector<16xf32>
        %parallel_loop3A_755 = arith.mulf %parallel_loop3A_751, %parallel_loop3A_751 : vector<16xf32>
        %parallel_loop3A_756 = arith.subf %parallel_loop3A_754, %parallel_loop3A_755 : vector<16xf32>
        %parallel_loop3A_757 = arith.constant 9.99999974E-6 : f32
        %parallel_loop3A_758 = vector.broadcast %parallel_loop3A_757 : f32 to vector<16xf32>
        %parallel_loop3A_759 = arith.addf %parallel_loop3A_756, %parallel_loop3A_758 : vector<16xf32>
        %parallel_loop3A_760 = tpu.bitcast %parallel_loop3A_759 : vector<16xf32> -> vector<16xi32>
        %parallel_loop3A_761 = arith.constant 1597463007 : i32
        %parallel_loop3A_762 = vector.broadcast %parallel_loop3A_761 : i32 to vector<16xi32>
        %parallel_loop3A_763 = arith.constant 1 : i32
        %parallel_loop3A_764 = vector.broadcast %parallel_loop3A_763 : i32 to vector<16xi32>
        %parallel_loop3A_765 = arith.shrui %parallel_loop3A_760, %parallel_loop3A_764 : vector<16xi32>
        %parallel_loop3A_766 = arith.subi %parallel_loop3A_762, %parallel_loop3A_765 : vector<16xi32>
        %parallel_loop3A_767 = tpu.bitcast %parallel_loop3A_766 : vector<16xi32> -> vector<16xf32>
        %parallel_loop3A_768 = arith.constant 5.000000e-01 : f32
        %parallel_loop3A_769 = vector.broadcast %parallel_loop3A_768 : f32 to vector<16xf32>
        %parallel_loop3A_770 = arith.mulf %parallel_loop3A_759, %parallel_loop3A_769 : vector<16xf32>
        %parallel_loop3A_771 = arith.mulf %parallel_loop3A_770, %parallel_loop3A_767 : vector<16xf32>
        %parallel_loop3A_772 = arith.mulf %parallel_loop3A_771, %parallel_loop3A_767 : vector<16xf32>
        %parallel_loop3A_773 = arith.constant 1.500000e+00 : f32
        %parallel_loop3A_774 = vector.broadcast %parallel_loop3A_773 : f32 to vector<16xf32>
        %parallel_loop3A_775 = arith.subf %parallel_loop3A_774, %parallel_loop3A_772 : vector<16xf32>
        %parallel_loop3A_776 = arith.mulf %parallel_loop3A_767, %parallel_loop3A_775 : vector<16xf32>
        %parallel_loop3A_777 = arith.mulf %parallel_loop3A_770, %parallel_loop3A_776 : vector<16xf32>
        %parallel_loop3A_778 = arith.mulf %parallel_loop3A_777, %parallel_loop3A_776 : vector<16xf32>
        %parallel_loop3A_779 = arith.constant 1.500000e+00 : f32
        %parallel_loop3A_780 = vector.broadcast %parallel_loop3A_779 : f32 to vector<16xf32>
        %parallel_loop3A_781 = arith.subf %parallel_loop3A_780, %parallel_loop3A_778 : vector<16xf32>
        %parallel_loop3A_782 = arith.mulf %parallel_loop3A_776, %parallel_loop3A_781 : vector<16xf32>
        %parallel_loop3A_783 = arith.mulf %parallel_loop3A_770, %parallel_loop3A_782 : vector<16xf32>
        %parallel_loop3A_784 = arith.mulf %parallel_loop3A_783, %parallel_loop3A_782 : vector<16xf32>
        %parallel_loop3A_785 = arith.constant 1.500000e+00 : f32
        %parallel_loop3A_786 = vector.broadcast %parallel_loop3A_785 : f32 to vector<16xf32>
        %parallel_loop3A_787 = arith.subf %parallel_loop3A_786, %parallel_loop3A_784 : vector<16xf32>
        %parallel_loop3A_788 = arith.mulf %parallel_loop3A_782, %parallel_loop3A_787 : vector<16xf32>
        %parallel_loop3A_789 = arith.constant 0.00130208337 : f32
        %parallel_loop3A_790 = vector.broadcast %parallel_loop3A_789 : f32 to vector<16xf32>
        %parallel_loop3A_791 = arith.mulf %parallel_loop3A_693, %parallel_loop3A_790 : vector<16xf32>
        %parallel_loop3A_792 = arith.constant 0.00130208337 : f32
        %parallel_loop3A_793 = vector.broadcast %parallel_loop3A_792 : f32 to vector<16xf32>
        %parallel_loop3A_794 = arith.mulf %parallel_loop3A_704, %parallel_loop3A_793 : vector<16xf32>
        %parallel_loop3A_795 = arith.mulf %parallel_loop3A_791, %parallel_loop3A_791 : vector<16xf32>
        %parallel_loop3A_796 = arith.subf %parallel_loop3A_794, %parallel_loop3A_795 : vector<16xf32>
        %parallel_loop3A_797 = arith.constant 9.99999974E-6 : f32
        %parallel_loop3A_798 = vector.broadcast %parallel_loop3A_797 : f32 to vector<16xf32>
        %parallel_loop3A_799 = arith.addf %parallel_loop3A_796, %parallel_loop3A_798 : vector<16xf32>
        %parallel_loop3A_800 = tpu.bitcast %parallel_loop3A_799 : vector<16xf32> -> vector<16xi32>
        %parallel_loop3A_801 = arith.constant 1597463007 : i32
        %parallel_loop3A_802 = vector.broadcast %parallel_loop3A_801 : i32 to vector<16xi32>
        %parallel_loop3A_803 = arith.constant 1 : i32
        %parallel_loop3A_804 = vector.broadcast %parallel_loop3A_803 : i32 to vector<16xi32>
        %parallel_loop3A_805 = arith.shrui %parallel_loop3A_800, %parallel_loop3A_804 : vector<16xi32>
        %parallel_loop3A_806 = arith.subi %parallel_loop3A_802, %parallel_loop3A_805 : vector<16xi32>
        %parallel_loop3A_807 = tpu.bitcast %parallel_loop3A_806 : vector<16xi32> -> vector<16xf32>
        %parallel_loop3A_808 = arith.constant 5.000000e-01 : f32
        %parallel_loop3A_809 = vector.broadcast %parallel_loop3A_808 : f32 to vector<16xf32>
        %parallel_loop3A_810 = arith.mulf %parallel_loop3A_799, %parallel_loop3A_809 : vector<16xf32>
        %parallel_loop3A_811 = arith.mulf %parallel_loop3A_810, %parallel_loop3A_807 : vector<16xf32>
        %parallel_loop3A_812 = arith.mulf %parallel_loop3A_811, %parallel_loop3A_807 : vector<16xf32>
        %parallel_loop3A_813 = arith.constant 1.500000e+00 : f32
        %parallel_loop3A_814 = vector.broadcast %parallel_loop3A_813 : f32 to vector<16xf32>
        %parallel_loop3A_815 = arith.subf %parallel_loop3A_814, %parallel_loop3A_812 : vector<16xf32>
        %parallel_loop3A_816 = arith.mulf %parallel_loop3A_807, %parallel_loop3A_815 : vector<16xf32>
        %parallel_loop3A_817 = arith.mulf %parallel_loop3A_810, %parallel_loop3A_816 : vector<16xf32>
        %parallel_loop3A_818 = arith.mulf %parallel_loop3A_817, %parallel_loop3A_816 : vector<16xf32>
        %parallel_loop3A_819 = arith.constant 1.500000e+00 : f32
        %parallel_loop3A_820 = vector.broadcast %parallel_loop3A_819 : f32 to vector<16xf32>
        %parallel_loop3A_821 = arith.subf %parallel_loop3A_820, %parallel_loop3A_818 : vector<16xf32>
        %parallel_loop3A_822 = arith.mulf %parallel_loop3A_816, %parallel_loop3A_821 : vector<16xf32>
        %parallel_loop3A_823 = arith.mulf %parallel_loop3A_810, %parallel_loop3A_822 : vector<16xf32>
        %parallel_loop3A_824 = arith.mulf %parallel_loop3A_823, %parallel_loop3A_822 : vector<16xf32>
        %parallel_loop3A_825 = arith.constant 1.500000e+00 : f32
        %parallel_loop3A_826 = vector.broadcast %parallel_loop3A_825 : f32 to vector<16xf32>
        %parallel_loop3A_827 = arith.subf %parallel_loop3A_826, %parallel_loop3A_824 : vector<16xf32>
        %parallel_loop3A_828 = arith.mulf %parallel_loop3A_822, %parallel_loop3A_827 : vector<16xf32>
        %parallel_loop3A_829 = arith.constant 0.00130208337 : f32
        %parallel_loop3A_830 = vector.broadcast %parallel_loop3A_829 : f32 to vector<16xf32>
        %parallel_loop3A_831 = arith.mulf %parallel_loop3A_715, %parallel_loop3A_830 : vector<16xf32>
        %parallel_loop3A_832 = arith.constant 0.00130208337 : f32
        %parallel_loop3A_833 = vector.broadcast %parallel_loop3A_832 : f32 to vector<16xf32>
        %parallel_loop3A_834 = arith.mulf %parallel_loop3A_726, %parallel_loop3A_833 : vector<16xf32>
        %parallel_loop3A_835 = arith.mulf %parallel_loop3A_831, %parallel_loop3A_831 : vector<16xf32>
        %parallel_loop3A_836 = arith.subf %parallel_loop3A_834, %parallel_loop3A_835 : vector<16xf32>
        %parallel_loop3A_837 = arith.constant 9.99999974E-6 : f32
        %parallel_loop3A_838 = vector.broadcast %parallel_loop3A_837 : f32 to vector<16xf32>
        %parallel_loop3A_839 = arith.addf %parallel_loop3A_836, %parallel_loop3A_838 : vector<16xf32>
        %parallel_loop3A_840 = tpu.bitcast %parallel_loop3A_839 : vector<16xf32> -> vector<16xi32>
        %parallel_loop3A_841 = arith.constant 1597463007 : i32
        %parallel_loop3A_842 = vector.broadcast %parallel_loop3A_841 : i32 to vector<16xi32>
        %parallel_loop3A_843 = arith.constant 1 : i32
        %parallel_loop3A_844 = vector.broadcast %parallel_loop3A_843 : i32 to vector<16xi32>
        %parallel_loop3A_845 = arith.shrui %parallel_loop3A_840, %parallel_loop3A_844 : vector<16xi32>
        %parallel_loop3A_846 = arith.subi %parallel_loop3A_842, %parallel_loop3A_845 : vector<16xi32>
        %parallel_loop3A_847 = tpu.bitcast %parallel_loop3A_846 : vector<16xi32> -> vector<16xf32>
        %parallel_loop3A_848 = arith.constant 5.000000e-01 : f32
        %parallel_loop3A_849 = vector.broadcast %parallel_loop3A_848 : f32 to vector<16xf32>
        %parallel_loop3A_850 = arith.mulf %parallel_loop3A_839, %parallel_loop3A_849 : vector<16xf32>
        %parallel_loop3A_851 = arith.mulf %parallel_loop3A_850, %parallel_loop3A_847 : vector<16xf32>
        %parallel_loop3A_852 = arith.mulf %parallel_loop3A_851, %parallel_loop3A_847 : vector<16xf32>
        %parallel_loop3A_853 = arith.constant 1.500000e+00 : f32
        %parallel_loop3A_854 = vector.broadcast %parallel_loop3A_853 : f32 to vector<16xf32>
        %parallel_loop3A_855 = arith.subf %parallel_loop3A_854, %parallel_loop3A_852 : vector<16xf32>
        %parallel_loop3A_856 = arith.mulf %parallel_loop3A_847, %parallel_loop3A_855 : vector<16xf32>
        %parallel_loop3A_857 = arith.mulf %parallel_loop3A_850, %parallel_loop3A_856 : vector<16xf32>
        %parallel_loop3A_858 = arith.mulf %parallel_loop3A_857, %parallel_loop3A_856 : vector<16xf32>
        %parallel_loop3A_859 = arith.constant 1.500000e+00 : f32
        %parallel_loop3A_860 = vector.broadcast %parallel_loop3A_859 : f32 to vector<16xf32>
        %parallel_loop3A_861 = arith.subf %parallel_loop3A_860, %parallel_loop3A_858 : vector<16xf32>
        %parallel_loop3A_862 = arith.mulf %parallel_loop3A_856, %parallel_loop3A_861 : vector<16xf32>
        %parallel_loop3A_863 = arith.mulf %parallel_loop3A_850, %parallel_loop3A_862 : vector<16xf32>
        %parallel_loop3A_864 = arith.mulf %parallel_loop3A_863, %parallel_loop3A_862 : vector<16xf32>
        %parallel_loop3A_865 = arith.constant 1.500000e+00 : f32
        %parallel_loop3A_866 = vector.broadcast %parallel_loop3A_865 : f32 to vector<16xf32>
        %parallel_loop3A_867 = arith.subf %parallel_loop3A_866, %parallel_loop3A_864 : vector<16xf32>
        %parallel_loop3A_868 = arith.mulf %parallel_loop3A_862, %parallel_loop3A_867 : vector<16xf32>
        %parallel_loop3A_869 = arith.constant 0.00130208337 : f32
        %parallel_loop3A_870 = vector.broadcast %parallel_loop3A_869 : f32 to vector<16xf32>
        %parallel_loop3A_871 = arith.mulf %parallel_loop3A_737, %parallel_loop3A_870 : vector<16xf32>
        %parallel_loop3A_872 = arith.constant 0.00130208337 : f32
        %parallel_loop3A_873 = vector.broadcast %parallel_loop3A_872 : f32 to vector<16xf32>
        %parallel_loop3A_874 = arith.mulf %parallel_loop3A_748, %parallel_loop3A_873 : vector<16xf32>
        %parallel_loop3A_875 = arith.mulf %parallel_loop3A_871, %parallel_loop3A_871 : vector<16xf32>
        %parallel_loop3A_876 = arith.subf %parallel_loop3A_874, %parallel_loop3A_875 : vector<16xf32>
        %parallel_loop3A_877 = arith.constant 9.99999974E-6 : f32
        %parallel_loop3A_878 = vector.broadcast %parallel_loop3A_877 : f32 to vector<16xf32>
        %parallel_loop3A_879 = arith.addf %parallel_loop3A_876, %parallel_loop3A_878 : vector<16xf32>
        %parallel_loop3A_880 = tpu.bitcast %parallel_loop3A_879 : vector<16xf32> -> vector<16xi32>
        %parallel_loop3A_881 = arith.constant 1597463007 : i32
        %parallel_loop3A_882 = vector.broadcast %parallel_loop3A_881 : i32 to vector<16xi32>
        %parallel_loop3A_883 = arith.constant 1 : i32
        %parallel_loop3A_884 = vector.broadcast %parallel_loop3A_883 : i32 to vector<16xi32>
        %parallel_loop3A_885 = arith.shrui %parallel_loop3A_880, %parallel_loop3A_884 : vector<16xi32>
        %parallel_loop3A_886 = arith.subi %parallel_loop3A_882, %parallel_loop3A_885 : vector<16xi32>
        %parallel_loop3A_887 = tpu.bitcast %parallel_loop3A_886 : vector<16xi32> -> vector<16xf32>
        %parallel_loop3A_888 = arith.constant 5.000000e-01 : f32
        %parallel_loop3A_889 = vector.broadcast %parallel_loop3A_888 : f32 to vector<16xf32>
        %parallel_loop3A_890 = arith.mulf %parallel_loop3A_879, %parallel_loop3A_889 : vector<16xf32>
        %parallel_loop3A_891 = arith.mulf %parallel_loop3A_890, %parallel_loop3A_887 : vector<16xf32>
        %parallel_loop3A_892 = arith.mulf %parallel_loop3A_891, %parallel_loop3A_887 : vector<16xf32>
        %parallel_loop3A_893 = arith.constant 1.500000e+00 : f32
        %parallel_loop3A_894 = vector.broadcast %parallel_loop3A_893 : f32 to vector<16xf32>
        %parallel_loop3A_895 = arith.subf %parallel_loop3A_894, %parallel_loop3A_892 : vector<16xf32>
        %parallel_loop3A_896 = arith.mulf %parallel_loop3A_887, %parallel_loop3A_895 : vector<16xf32>
        %parallel_loop3A_897 = arith.mulf %parallel_loop3A_890, %parallel_loop3A_896 : vector<16xf32>
        %parallel_loop3A_898 = arith.mulf %parallel_loop3A_897, %parallel_loop3A_896 : vector<16xf32>
        %parallel_loop3A_899 = arith.constant 1.500000e+00 : f32
        %parallel_loop3A_900 = vector.broadcast %parallel_loop3A_899 : f32 to vector<16xf32>
        %parallel_loop3A_901 = arith.subf %parallel_loop3A_900, %parallel_loop3A_898 : vector<16xf32>
        %parallel_loop3A_902 = arith.mulf %parallel_loop3A_896, %parallel_loop3A_901 : vector<16xf32>
        %parallel_loop3A_903 = arith.mulf %parallel_loop3A_890, %parallel_loop3A_902 : vector<16xf32>
        %parallel_loop3A_904 = arith.mulf %parallel_loop3A_903, %parallel_loop3A_902 : vector<16xf32>
        %parallel_loop3A_905 = arith.constant 1.500000e+00 : f32
        %parallel_loop3A_906 = vector.broadcast %parallel_loop3A_905 : f32 to vector<16xf32>
        %parallel_loop3A_907 = arith.subf %parallel_loop3A_906, %parallel_loop3A_904 : vector<16xf32>
        %parallel_loop3A_908 = arith.mulf %parallel_loop3A_902, %parallel_loop3A_907 : vector<16xf32>
        %parallel_loop3A_909 = arith.constant 0 : i32
        %parallel_loop3A_910 = arith.constant 48 : i32
        %parallel_loop3A_911 = arith.constant 1 : i32
        scf.for %parallel_loop3A_912 = %parallel_loop3A_909 to %parallel_loop3A_910 step %parallel_loop3A_911  : i32 {
          %parallel_loop3A_913 = arith.constant 16 : i32
          %parallel_loop3A_914 = arith.muli %parallel_loop3A_912, %parallel_loop3A_913 : i32
          %parallel_loop3A_915 = arith.constant 0 : i32
          %parallel_loop3A_916 = arith.constant 0 : i32
          %parallel_loop3A_917 = tpu.memref_slice %arg9[%rem3A_269, %parallel_loop3A_915, %parallel_loop3A_916] : memref<3x8x768xf32, #tpu.memory_space<vmem>> -> memref<1x8x768xf32, #tpu.memory_space<vmem>>
          %parallel_loop3A_918 = tpu.memref_squeeze %parallel_loop3A_917 : memref<1x8x768xf32, #tpu.memory_space<vmem>> -> memref<8x768xf32, #tpu.memory_space<vmem>>
          %parallel_loop3A_919 = arith.index_cast %parallel_loop3A_377 : i32 to index
          %parallel_loop3A_920 = arith.index_cast %parallel_loop3A_914 : i32 to index
          %parallel_loop3A_921 = tpu.vector_load %parallel_loop3A_918[%parallel_loop3A_919, %parallel_loop3A_920] {strides = array<i32>} : memref<8x768xf32, #tpu.memory_space<vmem>>, vector<1x16xf32>,
          %parallel_loop3A_922 = vector.shape_cast %parallel_loop3A_921 : vector<1x16xf32> to vector<16xf32>
          %parallel_loop3A_923 = arith.constant 0 : i32
          %parallel_loop3A_924 = arith.index_cast %parallel_loop3A_923 : i32 to index
          %parallel_loop3A_925 = arith.index_cast %parallel_loop3A_914 : i32 to index
          %parallel_loop3A_926 = tpu.vector_load %arg12[%parallel_loop3A_924, %parallel_loop3A_925] {strides = array<i32>} : memref<2x768xf32, #tpu.memory_space<vmem>>, vector<1x16xf32>,
          %parallel_loop3A_927 = vector.shape_cast %parallel_loop3A_926 : vector<1x16xf32> to vector<16xf32>
          %parallel_loop3A_928 = arith.constant 1 : i32
          %parallel_loop3A_929 = arith.index_cast %parallel_loop3A_928 : i32 to index
          %parallel_loop3A_930 = arith.index_cast %parallel_loop3A_914 : i32 to index
          %parallel_loop3A_931 = tpu.vector_load %arg12[%parallel_loop3A_929, %parallel_loop3A_930] {strides = array<i32>} : memref<2x768xf32, #tpu.memory_space<vmem>>, vector<1x16xf32>,
          %parallel_loop3A_932 = vector.shape_cast %parallel_loop3A_931 : vector<1x16xf32> to vector<16xf32>
          %parallel_loop3A_933 = arith.constant 0 : i32
          %parallel_loop3A_934 = arith.addi %parallel_loop3A_933, %parallel_loop3A_377 : i32
          %parallel_loop3A_935 = arith.constant 0 : i32
          %parallel_loop3A_936 = arith.constant 0 : i32
          %parallel_loop3A_937 = tpu.memref_slice %arg10[%rem3A_269, %parallel_loop3A_935, %parallel_loop3A_936] : memref<3x32x768xf32, #tpu.memory_space<vmem>> -> memref<1x32x768xf32, #tpu.memory_space<vmem>>
          %parallel_loop3A_938 = tpu.memref_squeeze %parallel_loop3A_937 : memref<1x32x768xf32, #tpu.memory_space<vmem>> -> memref<32x768xf32, #tpu.memory_space<vmem>>
          %parallel_loop3A_939 = arith.index_cast %parallel_loop3A_934 : i32 to index
          %parallel_loop3A_940 = arith.index_cast %parallel_loop3A_914 : i32 to index
          %parallel_loop3A_941 = tpu.vector_load %parallel_loop3A_938[%parallel_loop3A_939, %parallel_loop3A_940] {strides = array<i32>} : memref<32x768xf32, #tpu.memory_space<vmem>>, vector<1x16xf32>,
          %parallel_loop3A_942 = vector.shape_cast %parallel_loop3A_941 : vector<1x16xf32> to vector<16xf32>
          %parallel_loop3A_943 = arith.constant 27.7128124 : f32
          %parallel_loop3A_944 = vector.broadcast %parallel_loop3A_943 : f32 to vector<16xf32>
          %parallel_loop3A_945 = arith.mulf %parallel_loop3A_942, %parallel_loop3A_944 : vector<16xf32>
          %parallel_loop3A_946 = arith.addf %parallel_loop3A_945, %parallel_loop3A_922 : vector<16xf32>
          %parallel_loop3A_947 = arith.subf %parallel_loop3A_946, %parallel_loop3A_751 : vector<16xf32>
          %parallel_loop3A_948 = arith.mulf %parallel_loop3A_947, %parallel_loop3A_788 : vector<16xf32>
          %parallel_loop3A_949 = arith.mulf %parallel_loop3A_948, %parallel_loop3A_927 : vector<16xf32>
          %parallel_loop3A_950 = arith.addf %parallel_loop3A_949, %parallel_loop3A_932 : vector<16xf32>
          %parallel_loop3A_951 = arith.constant 0 : i32
          %parallel_loop3A_952 = arith.addi %parallel_loop3A_951, %parallel_loop3A_377 : i32
          %parallel_loop3A_953 = arith.constant 0 : i32
          %parallel_loop3A_954 = arith.constant 0 : i32
          %parallel_loop3A_955 = tpu.memref_slice %arg10[%rem3A_269, %parallel_loop3A_953, %parallel_loop3A_954] : memref<3x32x768xf32, #tpu.memory_space<vmem>> -> memref<1x32x768xf32, #tpu.memory_space<vmem>>
          %parallel_loop3A_956 = tpu.memref_squeeze %parallel_loop3A_955 : memref<1x32x768xf32, #tpu.memory_space<vmem>> -> memref<32x768xf32, #tpu.memory_space<vmem>>
          %parallel_loop3A_957 = arith.index_cast %parallel_loop3A_952 : i32 to index
          %parallel_loop3A_958 = arith.index_cast %parallel_loop3A_914 : i32 to index
          %parallel_loop3A_959 = tpu.vector_load %parallel_loop3A_956[%parallel_loop3A_957, %parallel_loop3A_958] {strides = array<i32>} : memref<32x768xf32, #tpu.memory_space<vmem>>, vector<1x16xf32>,
          %parallel_loop3A_960 = vector.shape_cast %parallel_loop3A_959 : vector<1x16xf32> to vector<16xf32>
          %parallel_loop3A_961 = vector.shape_cast %parallel_loop3A_950 : vector<16xf32> to vector<1x16xf32>
          tpu.vector_store %parallel_loop3A_956[%parallel_loop3A_957, %parallel_loop3A_958], %parallel_loop3A_961 {strides = array<i32>} : memref<32x768xf32, #tpu.memory_space<vmem>>, vector<1x16xf32>,
          %parallel_loop3A_962 = arith.constant 8 : i32
          %parallel_loop3A_963 = arith.addi %parallel_loop3A_962, %parallel_loop3A_377 : i32
          %parallel_loop3A_964 = arith.constant 0 : i32
          %parallel_loop3A_965 = arith.constant 0 : i32
          %parallel_loop3A_966 = tpu.memref_slice %arg10[%rem3A_269, %parallel_loop3A_964, %parallel_loop3A_965] : memref<3x32x768xf32, #tpu.memory_space<vmem>> -> memref<1x32x768xf32, #tpu.memory_space<vmem>>
          %parallel_loop3A_967 = tpu.memref_squeeze %parallel_loop3A_966 : memref<1x32x768xf32, #tpu.memory_space<vmem>> -> memref<32x768xf32, #tpu.memory_space<vmem>>
          %parallel_loop3A_968 = arith.index_cast %parallel_loop3A_963 : i32 to index
          %parallel_loop3A_969 = arith.index_cast %parallel_loop3A_914 : i32 to index
          %parallel_loop3A_970 = tpu.vector_load %parallel_loop3A_967[%parallel_loop3A_968, %parallel_loop3A_969] {strides = array<i32>} : memref<32x768xf32, #tpu.memory_space<vmem>>, vector<1x16xf32>,
          %parallel_loop3A_971 = vector.shape_cast %parallel_loop3A_970 : vector<1x16xf32> to vector<16xf32>
          %parallel_loop3A_972 = arith.constant 27.7128124 : f32
          %parallel_loop3A_973 = vector.broadcast %parallel_loop3A_972 : f32 to vector<16xf32>
          %parallel_loop3A_974 = arith.mulf %parallel_loop3A_971, %parallel_loop3A_973 : vector<16xf32>
          %parallel_loop3A_975 = arith.addf %parallel_loop3A_974, %parallel_loop3A_922 : vector<16xf32>
          %parallel_loop3A_976 = arith.subf %parallel_loop3A_975, %parallel_loop3A_791 : vector<16xf32>
          %parallel_loop3A_977 = arith.mulf %parallel_loop3A_976, %parallel_loop3A_828 : vector<16xf32>
          %parallel_loop3A_978 = arith.mulf %parallel_loop3A_977, %parallel_loop3A_927 : vector<16xf32>
          %parallel_loop3A_979 = arith.addf %parallel_loop3A_978, %parallel_loop3A_932 : vector<16xf32>
          %parallel_loop3A_980 = arith.constant 8 : i32
          %parallel_loop3A_981 = arith.addi %parallel_loop3A_980, %parallel_loop3A_377 : i32
          %parallel_loop3A_982 = arith.constant 0 : i32
          %parallel_loop3A_983 = arith.constant 0 : i32
          %parallel_loop3A_984 = tpu.memref_slice %arg10[%rem3A_269, %parallel_loop3A_982, %parallel_loop3A_983] : memref<3x32x768xf32, #tpu.memory_space<vmem>> -> memref<1x32x768xf32, #tpu.memory_space<vmem>>
          %parallel_loop3A_985 = tpu.memref_squeeze %parallel_loop3A_984 : memref<1x32x768xf32, #tpu.memory_space<vmem>> -> memref<32x768xf32, #tpu.memory_space<vmem>>
          %parallel_loop3A_986 = arith.index_cast %parallel_loop3A_981 : i32 to index
          %parallel_loop3A_987 = arith.index_cast %parallel_loop3A_914 : i32 to index
          %parallel_loop3A_988 = tpu.vector_load %parallel_loop3A_985[%parallel_loop3A_986, %parallel_loop3A_987] {strides = array<i32>} : memref<32x768xf32, #tpu.memory_space<vmem>>, vector<1x16xf32>,
          %parallel_loop3A_989 = vector.shape_cast %parallel_loop3A_988 : vector<1x16xf32> to vector<16xf32>
          %parallel_loop3A_990 = vector.shape_cast %parallel_loop3A_979 : vector<16xf32> to vector<1x16xf32>
          tpu.vector_store %parallel_loop3A_985[%parallel_loop3A_986, %parallel_loop3A_987], %parallel_loop3A_990 {strides = array<i32>} : memref<32x768xf32, #tpu.memory_space<vmem>>, vector<1x16xf32>,
          %parallel_loop3A_991 = arith.constant 16 : i32
          %parallel_loop3A_992 = arith.addi %parallel_loop3A_991, %parallel_loop3A_377 : i32
          %parallel_loop3A_993 = arith.constant 0 : i32
          %parallel_loop3A_994 = arith.constant 0 : i32
          %parallel_loop3A_995 = tpu.memref_slice %arg10[%rem3A_269, %parallel_loop3A_993, %parallel_loop3A_994] : memref<3x32x768xf32, #tpu.memory_space<vmem>> -> memref<1x32x768xf32, #tpu.memory_space<vmem>>
          %parallel_loop3A_996 = tpu.memref_squeeze %parallel_loop3A_995 : memref<1x32x768xf32, #tpu.memory_space<vmem>> -> memref<32x768xf32, #tpu.memory_space<vmem>>
          %parallel_loop3A_997 = arith.index_cast %parallel_loop3A_992 : i32 to index
          %parallel_loop3A_998 = arith.index_cast %parallel_loop3A_914 : i32 to index
          %parallel_loop3A_999 = tpu.vector_load %parallel_loop3A_996[%parallel_loop3A_997, %parallel_loop3A_998] {strides = array<i32>} : memref<32x768xf32, #tpu.memory_space<vmem>>, vector<1x16xf32>,
          %parallel_loop3A_1000 = vector.shape_cast %parallel_loop3A_999 : vector<1x16xf32> to vector<16xf32>
          %parallel_loop3A_1001 = arith.constant 27.7128124 : f32
          %parallel_loop3A_1002 = vector.broadcast %parallel_loop3A_1001 : f32 to vector<16xf32>
          %parallel_loop3A_1003 = arith.mulf %parallel_loop3A_1000, %parallel_loop3A_1002 : vector<16xf32>
          %parallel_loop3A_1004 = arith.addf %parallel_loop3A_1003, %parallel_loop3A_922 : vector<16xf32>
          %parallel_loop3A_1005 = arith.subf %parallel_loop3A_1004, %parallel_loop3A_831 : vector<16xf32>
          %parallel_loop3A_1006 = arith.mulf %parallel_loop3A_1005, %parallel_loop3A_868 : vector<16xf32>
          %parallel_loop3A_1007 = arith.mulf %parallel_loop3A_1006, %parallel_loop3A_927 : vector<16xf32>
          %parallel_loop3A_1008 = arith.addf %parallel_loop3A_1007, %parallel_loop3A_932 : vector<16xf32>
          %parallel_loop3A_1009 = arith.constant 16 : i32
          %parallel_loop3A_1010 = arith.addi %parallel_loop3A_1009, %parallel_loop3A_377 : i32
          %parallel_loop3A_1011 = arith.constant 0 : i32
          %parallel_loop3A_1012 = arith.constant 0 : i32
          %parallel_loop3A_1013 = tpu.memref_slice %arg10[%rem3A_269, %parallel_loop3A_1011, %parallel_loop3A_1012] : memref<3x32x768xf32, #tpu.memory_space<vmem>> -> memref<1x32x768xf32, #tpu.memory_space<vmem>>
          %parallel_loop3A_1014 = tpu.memref_squeeze %parallel_loop3A_1013 : memref<1x32x768xf32, #tpu.memory_space<vmem>> -> memref<32x768xf32, #tpu.memory_space<vmem>>
          %parallel_loop3A_1015 = arith.index_cast %parallel_loop3A_1010 : i32 to index
          %parallel_loop3A_1016 = arith.index_cast %parallel_loop3A_914 : i32 to index
          %parallel_loop3A_1017 = tpu.vector_load %parallel_loop3A_1014[%parallel_loop3A_1015, %parallel_loop3A_1016] {strides = array<i32>} : memref<32x768xf32, #tpu.memory_space<vmem>>, vector<1x16xf32>,
          %parallel_loop3A_1018 = vector.shape_cast %parallel_loop3A_1017 : vector<1x16xf32> to vector<16xf32>
          %parallel_loop3A_1019 = vector.shape_cast %parallel_loop3A_1008 : vector<16xf32> to vector<1x16xf32>
          tpu.vector_store %parallel_loop3A_1014[%parallel_loop3A_1015, %parallel_loop3A_1016], %parallel_loop3A_1019 {strides = array<i32>} : memref<32x768xf32, #tpu.memory_space<vmem>>, vector<1x16xf32>,
          %parallel_loop3A_1020 = arith.constant 24 : i32
          %parallel_loop3A_1021 = arith.addi %parallel_loop3A_1020, %parallel_loop3A_377 : i32
          %parallel_loop3A_1022 = arith.constant 0 : i32
          %parallel_loop3A_1023 = arith.constant 0 : i32
          %parallel_loop3A_1024 = tpu.memref_slice %arg10[%rem3A_269, %parallel_loop3A_1022, %parallel_loop3A_1023] : memref<3x32x768xf32, #tpu.memory_space<vmem>> -> memref<1x32x768xf32, #tpu.memory_space<vmem>>
          %parallel_loop3A_1025 = tpu.memref_squeeze %parallel_loop3A_1024 : memref<1x32x768xf32, #tpu.memory_space<vmem>> -> memref<32x768xf32, #tpu.memory_space<vmem>>
          %parallel_loop3A_1026 = arith.index_cast %parallel_loop3A_1021 : i32 to index
          %parallel_loop3A_1027 = arith.index_cast %parallel_loop3A_914 : i32 to index
          %parallel_loop3A_1028 = tpu.vector_load %parallel_loop3A_1025[%parallel_loop3A_1026, %parallel_loop3A_1027] {strides = array<i32>} : memref<32x768xf32, #tpu.memory_space<vmem>>, vector<1x16xf32>,
          %parallel_loop3A_1029 = vector.shape_cast %parallel_loop3A_1028 : vector<1x16xf32> to vector<16xf32>
          %parallel_loop3A_1030 = arith.constant 27.7128124 : f32
          %parallel_loop3A_1031 = vector.broadcast %parallel_loop3A_1030 : f32 to vector<16xf32>
          %parallel_loop3A_1032 = arith.mulf %parallel_loop3A_1029, %parallel_loop3A_1031 : vector<16xf32>
          %parallel_loop3A_1033 = arith.addf %parallel_loop3A_1032, %parallel_loop3A_922 : vector<16xf32>
          %parallel_loop3A_1034 = arith.subf %parallel_loop3A_1033, %parallel_loop3A_871 : vector<16xf32>
          %parallel_loop3A_1035 = arith.mulf %parallel_loop3A_1034, %parallel_loop3A_908 : vector<16xf32>
          %parallel_loop3A_1036 = arith.mulf %parallel_loop3A_1035, %parallel_loop3A_927 : vector<16xf32>
          %parallel_loop3A_1037 = arith.addf %parallel_loop3A_1036, %parallel_loop3A_932 : vector<16xf32>
          %parallel_loop3A_1038 = arith.constant 24 : i32
          %parallel_loop3A_1039 = arith.addi %parallel_loop3A_1038, %parallel_loop3A_377 : i32
          %parallel_loop3A_1040 = arith.constant 0 : i32
          %parallel_loop3A_1041 = arith.constant 0 : i32
          %parallel_loop3A_1042 = tpu.memref_slice %arg10[%rem3A_269, %parallel_loop3A_1040, %parallel_loop3A_1041] : memref<3x32x768xf32, #tpu.memory_space<vmem>> -> memref<1x32x768xf32, #tpu.memory_space<vmem>>
          %parallel_loop3A_1043 = tpu.memref_squeeze %parallel_loop3A_1042 : memref<1x32x768xf32, #tpu.memory_space<vmem>> -> memref<32x768xf32, #tpu.memory_space<vmem>>
          %parallel_loop3A_1044 = arith.index_cast %parallel_loop3A_1039 : i32 to index
          %parallel_loop3A_1045 = arith.index_cast %parallel_loop3A_914 : i32 to index
          %parallel_loop3A_1046 = tpu.vector_load %parallel_loop3A_1043[%parallel_loop3A_1044, %parallel_loop3A_1045] {strides = array<i32>} : memref<32x768xf32, #tpu.memory_space<vmem>>, vector<1x16xf32>,
          %parallel_loop3A_1047 = vector.shape_cast %parallel_loop3A_1046 : vector<1x16xf32> to vector<16xf32>
          %parallel_loop3A_1048 = vector.shape_cast %parallel_loop3A_1037 : vector<16xf32> to vector<1x16xf32>
          tpu.vector_store %parallel_loop3A_1043[%parallel_loop3A_1044, %parallel_loop3A_1045], %parallel_loop3A_1048 {strides = array<i32>} : memref<32x768xf32, #tpu.memory_space<vmem>>, vector<1x16xf32>,
        } {sc.loop_unroll_factor = 4 : i64, sc.parallel_access}
      } {sc.loop_unroll_factor = 2 : i64, sc.parallel_access}
      %mul3A_306 = arith.constant 8 : i32
      %mul3A_307 = arith.muli %scan3A_268, %mul3A_306 : i32
      %add3A_308 = arith.addi %mul3A_2, %mul3A_307 : i32
      %dma_start3A_309 = arith.constant 0 : i32
      %dma_start3A_310 = arith.constant 0 : i32
      %dma_start3A_311 = arith.constant 0 : i32
      %dma_start3A_312 = tpu.memref_slice %arg10[%rem3A_269, %dma_start3A_310, %dma_start3A_311] : memref<3x32x768xf32, #tpu.memory_space<vmem>> -> memref<1x8x768xf32, #tpu.memory_space<vmem>>
      %dma_start3A_313 = tpu.memref_squeeze %dma_start3A_312 : memref<1x8x768xf32, #tpu.memory_space<vmem>> -> memref<8x768xf32, #tpu.memory_space<vmem>>
      %dma_start3A_314 = arith.constant 0 : i32
      %dma_start3A_315 = tpu.memref_slice %arg7[%dma_start3A_309, %add3A_308, %dma_start3A_314] : memref<4x8192x768xf32, #tpu.memory_space<hbm>> -> memref<1x8x768xf32, #tpu.memory_space<hbm>>
      %dma_start3A_316 = tpu.memref_squeeze %dma_start3A_315 : memref<1x8x768xf32, #tpu.memory_space<hbm>> -> memref<8x768xf32, #tpu.memory_space<hbm>>
      %dma_start3A_317 = tpu.memref_slice %arg15[%rem3A_269] : memref<3x!tpu.dma_semaphore, #tpu.memory_space<semaphore_mem>> -> memref<1x!tpu.dma_semaphore, #tpu.memory_space<semaphore_mem>>
      %dma_start3A_318 = tpu.memref_squeeze %dma_start3A_317 : memref<1x!tpu.dma_semaphore, #tpu.memory_space<semaphore_mem>> -> memref<!tpu.dma_semaphore, #tpu.memory_space<semaphore_mem>>
      %dma_start3A_319 = arith.constant 0 : i32
      %dma_start3A_320 = tpu.memref_slice %arg7[%dma_start3A_309, %add3A_308, %dma_start3A_319] : memref<4x8192x768xf32, #tpu.memory_space<hbm>> -> memref<1x8x768xf32, #tpu.memory_space<hbm>>
      %dma_start3A_321 = tpu.memref_squeeze %dma_start3A_320 : memref<1x8x768xf32, #tpu.memory_space<hbm>> -> memref<8x768xf32, #tpu.memory_space<hbm>>
      %dma_start3A_322 = arith.constant 0 : i32
      %dma_start3A_323 = arith.constant 0 : i32
      %dma_start3A_324 = tpu.memref_slice %arg10[%rem3A_269, %dma_start3A_322, %dma_start3A_323] : memref<3x32x768xf32, #tpu.memory_space<vmem>> -> memref<1x8x768xf32, #tpu.memory_space<vmem>>
      %dma_start3A_325 = tpu.memref_squeeze %dma_start3A_324 : memref<1x8x768xf32, #tpu.memory_space<vmem>> -> memref<8x768xf32, #tpu.memory_space<vmem>>
      tpu.enqueue_dma source(%dma_start3A_325 : memref<8x768xf32, #tpu.memory_space<vmem>>) target(%dma_start3A_321 : memref<8x768xf32, #tpu.memory_space<hbm>>) target_semaphore(%dma_start3A_318 : memref<!tpu.dma_semaphore, #tpu.memory_space<semaphore_mem>>)
      %dma_start3A_326 = arith.constant 1 : i32
      %dma_start3A_327 = arith.constant 8 : i32
      %dma_start3A_328 = arith.constant 0 : i32
      %dma_start3A_329 = tpu.memref_slice %arg10[%rem3A_269, %dma_start3A_327, %dma_start3A_328] : memref<3x32x768xf32, #tpu.memory_space<vmem>> -> memref<1x8x768xf32, #tpu.memory_space<vmem>>
      %dma_start3A_330 = tpu.memref_squeeze %dma_start3A_329 : memref<1x8x768xf32, #tpu.memory_space<vmem>> -> memref<8x768xf32, #tpu.memory_space<vmem>>
      %dma_start3A_331 = arith.constant 0 : i32
      %dma_start3A_332 = tpu.memref_slice %arg7[%dma_start3A_326, %add3A_308, %dma_start3A_331] : memref<4x8192x768xf32, #tpu.memory_space<hbm>> -> memref<1x8x768xf32, #tpu.memory_space<hbm>>
      %dma_start3A_333 = tpu.memref_squeeze %dma_start3A_332 : memref<1x8x768xf32, #tpu.memory_space<hbm>> -> memref<8x768xf32, #tpu.memory_space<hbm>>
      %dma_start3A_334 = tpu.memref_slice %arg15[%rem3A_269] : memref<3x!tpu.dma_semaphore, #tpu.memory_space<semaphore_mem>> -> memref<1x!tpu.dma_semaphore, #tpu.memory_space<semaphore_mem>>
      %dma_start3A_335 = tpu.memref_squeeze %dma_start3A_334 : memref<1x!tpu.dma_semaphore, #tpu.memory_space<semaphore_mem>> -> memref<!tpu.dma_semaphore, #tpu.memory_space<semaphore_mem>>
      %dma_start3A_336 = arith.constant 0 : i32
      %dma_start3A_337 = tpu.memref_slice %arg7[%dma_start3A_326, %add3A_308, %dma_start3A_336] : memref<4x8192x768xf32, #tpu.memory_space<hbm>> -> memref<1x8x768xf32, #tpu.memory_space<hbm>>
      %dma_start3A_338 = tpu.memref_squeeze %dma_start3A_337 : memref<1x8x768xf32, #tpu.memory_space<hbm>> -> memref<8x768xf32, #tpu.memory_space<hbm>>
      %dma_start3A_339 = arith.constant 8 : i32
      %dma_start3A_340 = arith.constant 0 : i32
      %dma_start3A_341 = tpu.memref_slice %arg10[%rem3A_269, %dma_start3A_339, %dma_start3A_340] : memref<3x32x768xf32, #tpu.memory_space<vmem>> -> memref<1x8x768xf32, #tpu.memory_space<vmem>>
      %dma_start3A_342 = tpu.memref_squeeze %dma_start3A_341 : memref<1x8x768xf32, #tpu.memory_space<vmem>> -> memref<8x768xf32, #tpu.memory_space<vmem>>
      tpu.enqueue_dma source(%dma_start3A_342 : memref<8x768xf32, #tpu.memory_space<vmem>>) target(%dma_start3A_338 : memref<8x768xf32, #tpu.memory_space<hbm>>) target_semaphore(%dma_start3A_335 : memref<!tpu.dma_semaphore, #tpu.memory_space<semaphore_mem>>)
      %dma_start3A_343 = arith.constant 2 : i32
      %dma_start3A_344 = arith.constant 16 : i32
      %dma_start3A_345 = arith.constant 0 : i32
      %dma_start3A_346 = tpu.memref_slice %arg10[%rem3A_269, %dma_start3A_344, %dma_start3A_345] : memref<3x32x768xf32, #tpu.memory_space<vmem>> -> memref<1x8x768xf32, #tpu.memory_space<vmem>>
      %dma_start3A_347 = tpu.memref_squeeze %dma_start3A_346 : memref<1x8x768xf32, #tpu.memory_space<vmem>> -> memref<8x768xf32, #tpu.memory_space<vmem>>
      %dma_start3A_348 = arith.constant 0 : i32
      %dma_start3A_349 = tpu.memref_slice %arg7[%dma_start3A_343, %add3A_308, %dma_start3A_348] : memref<4x8192x768xf32, #tpu.memory_space<hbm>> -> memref<1x8x768xf32, #tpu.memory_space<hbm>>
      %dma_start3A_350 = tpu.memref_squeeze %dma_start3A_349 : memref<1x8x768xf32, #tpu.memory_space<hbm>> -> memref<8x768xf32, #tpu.memory_space<hbm>>
      %dma_start3A_351 = tpu.memref_slice %arg15[%rem3A_269] : memref<3x!tpu.dma_semaphore, #tpu.memory_space<semaphore_mem>> -> memref<1x!tpu.dma_semaphore, #tpu.memory_space<semaphore_mem>>
      %dma_start3A_352 = tpu.memref_squeeze %dma_start3A_351 : memref<1x!tpu.dma_semaphore, #tpu.memory_space<semaphore_mem>> -> memref<!tpu.dma_semaphore, #tpu.memory_space<semaphore_mem>>
      %dma_start3A_353 = arith.constant 0 : i32
      %dma_start3A_354 = tpu.memref_slice %arg7[%dma_start3A_343, %add3A_308, %dma_start3A_353] : memref<4x8192x768xf32, #tpu.memory_space<hbm>> -> memref<1x8x768xf32, #tpu.memory_space<hbm>>
      %dma_start3A_355 = tpu.memref_squeeze %dma_start3A_354 : memref<1x8x768xf32, #tpu.memory_space<hbm>> -> memref<8x768xf32, #tpu.memory_space<hbm>>
      %dma_start3A_356 = arith.constant 16 : i32
      %dma_start3A_357 = arith.constant 0 : i32
      %dma_start3A_358 = tpu.memref_slice %arg10[%rem3A_269, %dma_start3A_356, %dma_start3A_357] : memref<3x32x768xf32, #tpu.memory_space<vmem>> -> memref<1x8x768xf32, #tpu.memory_space<vmem>>
      %dma_start3A_359 = tpu.memref_squeeze %dma_start3A_358 : memref<1x8x768xf32, #tpu.memory_space<vmem>> -> memref<8x768xf32, #tpu.memory_space<vmem>>
      tpu.enqueue_dma source(%dma_start3A_359 : memref<8x768xf32, #tpu.memory_space<vmem>>) target(%dma_start3A_355 : memref<8x768xf32, #tpu.memory_space<hbm>>) target_semaphore(%dma_start3A_352 : memref<!tpu.dma_semaphore, #tpu.memory_space<semaphore_mem>>)
      %dma_start3A_360 = arith.constant 3 : i32
      %dma_start3A_361 = arith.constant 24 : i32
      %dma_start3A_362 = arith.constant 0 : i32
      %dma_start3A_363 = tpu.memref_slice %arg10[%rem3A_269, %dma_start3A_361, %dma_start3A_362] : memref<3x32x768xf32, #tpu.memory_space<vmem>> -> memref<1x8x768xf32, #tpu.memory_space<vmem>>
      %dma_start3A_364 = tpu.memref_squeeze %dma_start3A_363 : memref<1x8x768xf32, #tpu.memory_space<vmem>> -> memref<8x768xf32, #tpu.memory_space<vmem>>
      %dma_start3A_365 = arith.constant 0 : i32
      %dma_start3A_366 = tpu.memref_slice %arg7[%dma_start3A_360, %add3A_308, %dma_start3A_365] : memref<4x8192x768xf32, #tpu.memory_space<hbm>> -> memref<1x8x768xf32, #tpu.memory_space<hbm>>
      %dma_start3A_367 = tpu.memref_squeeze %dma_start3A_366 : memref<1x8x768xf32, #tpu.memory_space<hbm>> -> memref<8x768xf32, #tpu.memory_space<hbm>>
      %dma_start3A_368 = tpu.memref_slice %arg15[%rem3A_269] : memref<3x!tpu.dma_semaphore, #tpu.memory_space<semaphore_mem>> -> memref<1x!tpu.dma_semaphore, #tpu.memory_space<semaphore_mem>>
      %dma_start3A_369 = tpu.memref_squeeze %dma_start3A_368 : memref<1x!tpu.dma_semaphore, #tpu.memory_space<semaphore_mem>> -> memref<!tpu.dma_semaphore, #tpu.memory_space<semaphore_mem>>
      %dma_start3A_370 = arith.constant 0 : i32
      %dma_start3A_371 = tpu.memref_slice %arg7[%dma_start3A_360, %add3A_308, %dma_start3A_370] : memref<4x8192x768xf32, #tpu.memory_space<hbm>> -> memref<1x8x768xf32, #tpu.memory_space<hbm>>
      %dma_start3A_372 = tpu.memref_squeeze %dma_start3A_371 : memref<1x8x768xf32, #tpu.memory_space<hbm>> -> memref<8x768xf32, #tpu.memory_space<hbm>>
      %dma_start3A_373 = arith.constant 24 : i32
      %dma_start3A_374 = arith.constant 0 : i32
      %dma_start3A_375 = tpu.memref_slice %arg10[%rem3A_269, %dma_start3A_373, %dma_start3A_374] : memref<3x32x768xf32, #tpu.memory_space<vmem>> -> memref<1x8x768xf32, #tpu.memory_space<vmem>>
      %dma_start3A_376 = tpu.memref_squeeze %dma_start3A_375 : memref<1x8x768xf32, #tpu.memory_space<vmem>> -> memref<8x768xf32, #tpu.memory_space<vmem>>
      tpu.enqueue_dma source(%dma_start3A_376 : memref<8x768xf32, #tpu.memory_space<vmem>>) target(%dma_start3A_372 : memref<8x768xf32, #tpu.memory_space<hbm>>) target_semaphore(%dma_start3A_369 : memref<!tpu.dma_semaphore, #tpu.memory_space<semaphore_mem>>)
    }
    %scan3A_40 = arith.constant 32 : i32
    %dma_wait3A = arith.constant 0 : i32
    %dma_wait3A_41 = arith.constant 0 : i32
    %dma_wait3A_42 = arith.constant 0 : i32
    %dma_wait3A_43 = arith.constant 0 : i32
    %dma_wait3A_44 = arith.constant 0 : i32
    %dma_wait3A_45 = tpu.memref_slice %arg10[%dma_wait3A, %dma_wait3A_43, %dma_wait3A_44] : memref<3x32x768xf32, #tpu.memory_space<vmem>> -> memref<1x8x768xf32, #tpu.memory_space<vmem>>
    %dma_wait3A_46 = tpu.memref_squeeze %dma_wait3A_45 : memref<1x8x768xf32, #tpu.memory_space<vmem>> -> memref<8x768xf32, #tpu.memory_space<vmem>>
    %dma_wait3A_47 = arith.constant 0 : i32
    %dma_wait3A_48 = tpu.memref_slice %arg7[%dma_wait3A_41, %mul3A_2, %dma_wait3A_47] : memref<4x8192x768xf32, #tpu.memory_space<hbm>> -> memref<1x8x768xf32, #tpu.memory_space<hbm>>
    %dma_wait3A_49 = tpu.memref_squeeze %dma_wait3A_48 : memref<1x8x768xf32, #tpu.memory_space<hbm>> -> memref<8x768xf32, #tpu.memory_space<hbm>>
    %dma_wait3A_50 = tpu.memref_slice %arg15[%dma_wait3A_42] : memref<3x!tpu.dma_semaphore, #tpu.memory_space<semaphore_mem>> -> memref<1x!tpu.dma_semaphore, #tpu.memory_space<semaphore_mem>>
    %dma_wait3A_51 = tpu.memref_squeeze %dma_wait3A_50 : memref<1x!tpu.dma_semaphore, #tpu.memory_space<semaphore_mem>> -> memref<!tpu.dma_semaphore, #tpu.memory_space<semaphore_mem>>
    %dma_wait3A_52 = arith.constant 0 : i32
    %dma_wait3A_53 = tpu.memref_slice %arg7[%dma_wait3A_41, %mul3A_2, %dma_wait3A_52] : memref<4x8192x768xf32, #tpu.memory_space<hbm>> -> memref<1x8x768xf32, #tpu.memory_space<hbm>>
    %dma_wait3A_54 = tpu.memref_squeeze %dma_wait3A_53 : memref<1x8x768xf32, #tpu.memory_space<hbm>> -> memref<8x768xf32, #tpu.memory_space<hbm>>
    %dma_wait3A_55 = arith.constant 0 : i32
    %dma_wait3A_56 = arith.constant 0 : i32
    %dma_wait3A_57 = tpu.memref_slice %arg10[%dma_wait3A, %dma_wait3A_55, %dma_wait3A_56] : memref<3x32x768xf32, #tpu.memory_space<vmem>> -> memref<1x8x768xf32, #tpu.memory_space<vmem>>
    %dma_wait3A_58 = tpu.memref_squeeze %dma_wait3A_57 : memref<1x8x768xf32, #tpu.memory_space<vmem>> -> memref<8x768xf32, #tpu.memory_space<vmem>>
    tpu.wait_dma2 semaphore(%dma_wait3A_51 : memref<!tpu.dma_semaphore, #tpu.memory_space<semaphore_mem>>) src(%dma_wait3A_58 : memref<8x768xf32, #tpu.memory_space<vmem>>) dst(%dma_wait3A_54 : memref<8x768xf32, #tpu.memory_space<hbm>>)
    %dma_wait3A_59 = arith.constant 0 : i32
    %dma_wait3A_60 = arith.constant 1 : i32
    %dma_wait3A_61 = arith.constant 0 : i32
    %dma_wait3A_62 = arith.constant 8 : i32
    %dma_wait3A_63 = arith.constant 0 : i32
    %dma_wait3A_64 = tpu.memref_slice %arg10[%dma_wait3A_59, %dma_wait3A_62, %dma_wait3A_63] : memref<3x32x768xf32, #tpu.memory_space<vmem>> -> memref<1x8x768xf32, #tpu.memory_space<vmem>>
    %dma_wait3A_65 = tpu.memref_squeeze %dma_wait3A_64 : memref<1x8x768xf32, #tpu.memory_space<vmem>> -> memref<8x768xf32, #tpu.memory_space<vmem>>
    %dma_wait3A_66 = arith.constant 0 : i32
    %dma_wait3A_67 = tpu.memref_slice %arg7[%dma_wait3A_60, %mul3A_2, %dma_wait3A_66] : memref<4x8192x768xf32, #tpu.memory_space<hbm>> -> memref<1x8x768xf32, #tpu.memory_space<hbm>>
    %dma_wait3A_68 = tpu.memref_squeeze %dma_wait3A_67 : memref<1x8x768xf32, #tpu.memory_space<hbm>> -> memref<8x768xf32, #tpu.memory_space<hbm>>
    %dma_wait3A_69 = tpu.memref_slice %arg15[%dma_wait3A_61] : memref<3x!tpu.dma_semaphore, #tpu.memory_space<semaphore_mem>> -> memref<1x!tpu.dma_semaphore, #tpu.memory_space<semaphore_mem>>
    %dma_wait3A_70 = tpu.memref_squeeze %dma_wait3A_69 : memref<1x!tpu.dma_semaphore, #tpu.memory_space<semaphore_mem>> -> memref<!tpu.dma_semaphore, #tpu.memory_space<semaphore_mem>>
    %dma_wait3A_71 = arith.constant 0 : i32
    %dma_wait3A_72 = tpu.memref_slice %arg7[%dma_wait3A_60, %mul3A_2, %dma_wait3A_71] : memref<4x8192x768xf32, #tpu.memory_space<hbm>> -> memref<1x8x768xf32, #tpu.memory_space<hbm>>
    %dma_wait3A_73 = tpu.memref_squeeze %dma_wait3A_72 : memref<1x8x768xf32, #tpu.memory_space<hbm>> -> memref<8x768xf32, #tpu.memory_space<hbm>>
    %dma_wait3A_74 = arith.constant 8 : i32
    %dma_wait3A_75 = arith.constant 0 : i32
    %dma_wait3A_76 = tpu.memref_slice %arg10[%dma_wait3A_59, %dma_wait3A_74, %dma_wait3A_75] : memref<3x32x768xf32, #tpu.memory_space<vmem>> -> memref<1x8x768xf32, #tpu.memory_space<vmem>>
    %dma_wait3A_77 = tpu.memref_squeeze %dma_wait3A_76 : memref<1x8x768xf32, #tpu.memory_space<vmem>> -> memref<8x768xf32, #tpu.memory_space<vmem>>
    tpu.wait_dma2 semaphore(%dma_wait3A_70 : memref<!tpu.dma_semaphore, #tpu.memory_space<semaphore_mem>>) src(%dma_wait3A_77 : memref<8x768xf32, #tpu.memory_space<vmem>>) dst(%dma_wait3A_73 : memref<8x768xf32, #tpu.memory_space<hbm>>)
    %dma_wait3A_78 = arith.constant 0 : i32
    %dma_wait3A_79 = arith.constant 2 : i32
    %dma_wait3A_80 = arith.constant 0 : i32
    %dma_wait3A_81 = arith.constant 16 : i32
    %dma_wait3A_82 = arith.constant 0 : i32
    %dma_wait3A_83 = tpu.memref_slice %arg10[%dma_wait3A_78, %dma_wait3A_81, %dma_wait3A_82] : memref<3x32x768xf32, #tpu.memory_space<vmem>> -> memref<1x8x768xf32, #tpu.memory_space<vmem>>
    %dma_wait3A_84 = tpu.memref_squeeze %dma_wait3A_83 : memref<1x8x768xf32, #tpu.memory_space<vmem>> -> memref<8x768xf32, #tpu.memory_space<vmem>>
    %dma_wait3A_85 = arith.constant 0 : i32
    %dma_wait3A_86 = tpu.memref_slice %arg7[%dma_wait3A_79, %mul3A_2, %dma_wait3A_85] : memref<4x8192x768xf32, #tpu.memory_space<hbm>> -> memref<1x8x768xf32, #tpu.memory_space<hbm>>
    %dma_wait3A_87 = tpu.memref_squeeze %dma_wait3A_86 : memref<1x8x768xf32, #tpu.memory_space<hbm>> -> memref<8x768xf32, #tpu.memory_space<hbm>>
    %dma_wait3A_88 = tpu.memref_slice %arg15[%dma_wait3A_80] : memref<3x!tpu.dma_semaphore, #tpu.memory_space<semaphore_mem>> -> memref<1x!tpu.dma_semaphore, #tpu.memory_space<semaphore_mem>>
    %dma_wait3A_89 = tpu.memref_squeeze %dma_wait3A_88 : memref<1x!tpu.dma_semaphore, #tpu.memory_space<semaphore_mem>> -> memref<!tpu.dma_semaphore, #tpu.memory_space<semaphore_mem>>
    %dma_wait3A_90 = arith.constant 0 : i32
    %dma_wait3A_91 = tpu.memref_slice %arg7[%dma_wait3A_79, %mul3A_2, %dma_wait3A_90] : memref<4x8192x768xf32, #tpu.memory_space<hbm>> -> memref<1x8x768xf32, #tpu.memory_space<hbm>>
    %dma_wait3A_92 = tpu.memref_squeeze %dma_wait3A_91 : memref<1x8x768xf32, #tpu.memory_space<hbm>> -> memref<8x768xf32, #tpu.memory_space<hbm>>
    %dma_wait3A_93 = arith.constant 16 : i32
    %dma_wait3A_94 = arith.constant 0 : i32
    %dma_wait3A_95 = tpu.memref_slice %arg10[%dma_wait3A_78, %dma_wait3A_93, %dma_wait3A_94] : memref<3x32x768xf32, #tpu.memory_space<vmem>> -> memref<1x8x768xf32, #tpu.memory_space<vmem>>
    %dma_wait3A_96 = tpu.memref_squeeze %dma_wait3A_95 : memref<1x8x768xf32, #tpu.memory_space<vmem>> -> memref<8x768xf32, #tpu.memory_space<vmem>>
    tpu.wait_dma2 semaphore(%dma_wait3A_89 : memref<!tpu.dma_semaphore, #tpu.memory_space<semaphore_mem>>) src(%dma_wait3A_96 : memref<8x768xf32, #tpu.memory_space<vmem>>) dst(%dma_wait3A_92 : memref<8x768xf32, #tpu.memory_space<hbm>>)
    %dma_wait3A_97 = arith.constant 0 : i32
    %dma_wait3A_98 = arith.constant 3 : i32
    %dma_wait3A_99 = arith.constant 0 : i32
    %dma_wait3A_100 = arith.constant 24 : i32
    %dma_wait3A_101 = arith.constant 0 : i32
    %dma_wait3A_102 = tpu.memref_slice %arg10[%dma_wait3A_97, %dma_wait3A_100, %dma_wait3A_101] : memref<3x32x768xf32, #tpu.memory_space<vmem>> -> memref<1x8x768xf32, #tpu.memory_space<vmem>>
    %dma_wait3A_103 = tpu.memref_squeeze %dma_wait3A_102 : memref<1x8x768xf32, #tpu.memory_space<vmem>> -> memref<8x768xf32, #tpu.memory_space<vmem>>
    %dma_wait3A_104 = arith.constant 0 : i32
    %dma_wait3A_105 = tpu.memref_slice %arg7[%dma_wait3A_98, %mul3A_2, %dma_wait3A_104] : memref<4x8192x768xf32, #tpu.memory_space<hbm>> -> memref<1x8x768xf32, #tpu.memory_space<hbm>>
    %dma_wait3A_106 = tpu.memref_squeeze %dma_wait3A_105 : memref<1x8x768xf32, #tpu.memory_space<hbm>> -> memref<8x768xf32, #tpu.memory_space<hbm>>
    %dma_wait3A_107 = tpu.memref_slice %arg15[%dma_wait3A_99] : memref<3x!tpu.dma_semaphore, #tpu.memory_space<semaphore_mem>> -> memref<1x!tpu.dma_semaphore, #tpu.memory_space<semaphore_mem>>
    %dma_wait3A_108 = tpu.memref_squeeze %dma_wait3A_107 : memref<1x!tpu.dma_semaphore, #tpu.memory_space<semaphore_mem>> -> memref<!tpu.dma_semaphore, #tpu.memory_space<semaphore_mem>>
    %dma_wait3A_109 = arith.constant 0 : i32
    %dma_wait3A_110 = tpu.memref_slice %arg7[%dma_wait3A_98, %mul3A_2, %dma_wait3A_109] : memref<4x8192x768xf32, #tpu.memory_space<hbm>> -> memref<1x8x768xf32, #tpu.memory_space<hbm>>
    %dma_wait3A_111 = tpu.memref_squeeze %dma_wait3A_110 : memref<1x8x768xf32, #tpu.memory_space<hbm>> -> memref<8x768xf32, #tpu.memory_space<hbm>>
    %dma_wait3A_112 = arith.constant 24 : i32
    %dma_wait3A_113 = arith.constant 0 : i32
    %dma_wait3A_114 = tpu.memref_slice %arg10[%dma_wait3A_97, %dma_wait3A_112, %dma_wait3A_113] : memref<3x32x768xf32, #tpu.memory_space<vmem>> -> memref<1x8x768xf32, #tpu.memory_space<vmem>>
    %dma_wait3A_115 = tpu.memref_squeeze %dma_wait3A_114 : memref<1x8x768xf32, #tpu.memory_space<vmem>> -> memref<8x768xf32, #tpu.memory_space<vmem>>
    tpu.wait_dma2 semaphore(%dma_wait3A_108 : memref<!tpu.dma_semaphore, #tpu.memory_space<semaphore_mem>>) src(%dma_wait3A_115 : memref<8x768xf32, #tpu.memory_space<vmem>>) dst(%dma_wait3A_111 : memref<8x768xf32, #tpu.memory_space<hbm>>)
    %dma_wait3A_116 = arith.constant 1 : i32
    %dma_wait3A_117 = arith.constant 0 : i32
    %dma_wait3A_118 = arith.constant 1 : i32
    %dma_wait3A_119 = arith.constant 0 : i32
    %dma_wait3A_120 = arith.constant 0 : i32
    %dma_wait3A_121 = tpu.memref_slice %arg10[%dma_wait3A_116, %dma_wait3A_119, %dma_wait3A_120] : memref<3x32x768xf32, #tpu.memory_space<vmem>> -> memref<1x8x768xf32, #tpu.memory_space<vmem>>
    %dma_wait3A_122 = tpu.memref_squeeze %dma_wait3A_121 : memref<1x8x768xf32, #tpu.memory_space<vmem>> -> memref<8x768xf32, #tpu.memory_space<vmem>>
    %dma_wait3A_123 = arith.constant 0 : i32
    %dma_wait3A_124 = tpu.memref_slice %arg7[%dma_wait3A_117, %mul3A_2, %dma_wait3A_123] : memref<4x8192x768xf32, #tpu.memory_space<hbm>> -> memref<1x8x768xf32, #tpu.memory_space<hbm>>
    %dma_wait3A_125 = tpu.memref_squeeze %dma_wait3A_124 : memref<1x8x768xf32, #tpu.memory_space<hbm>> -> memref<8x768xf32, #tpu.memory_space<hbm>>
    %dma_wait3A_126 = tpu.memref_slice %arg15[%dma_wait3A_118] : memref<3x!tpu.dma_semaphore, #tpu.memory_space<semaphore_mem>> -> memref<1x!tpu.dma_semaphore, #tpu.memory_space<semaphore_mem>>
    %dma_wait3A_127 = tpu.memref_squeeze %dma_wait3A_126 : memref<1x!tpu.dma_semaphore, #tpu.memory_space<semaphore_mem>> -> memref<!tpu.dma_semaphore, #tpu.memory_space<semaphore_mem>>
    %dma_wait3A_128 = arith.constant 0 : i32
    %dma_wait3A_129 = tpu.memref_slice %arg7[%dma_wait3A_117, %mul3A_2, %dma_wait3A_128] : memref<4x8192x768xf32, #tpu.memory_space<hbm>> -> memref<1x8x768xf32, #tpu.memory_space<hbm>>
    %dma_wait3A_130 = tpu.memref_squeeze %dma_wait3A_129 : memref<1x8x768xf32, #tpu.memory_space<hbm>> -> memref<8x768xf32, #tpu.memory_space<hbm>>
    %dma_wait3A_131 = arith.constant 0 : i32
    %dma_wait3A_132 = arith.constant 0 : i32
    %dma_wait3A_133 = tpu.memref_slice %arg10[%dma_wait3A_116, %dma_wait3A_131, %dma_wait3A_132] : memref<3x32x768xf32, #tpu.memory_space<vmem>> -> memref<1x8x768xf32, #tpu.memory_space<vmem>>
    %dma_wait3A_134 = tpu.memref_squeeze %dma_wait3A_133 : memref<1x8x768xf32, #tpu.memory_space<vmem>> -> memref<8x768xf32, #tpu.memory_space<vmem>>
    tpu.wait_dma2 semaphore(%dma_wait3A_127 : memref<!tpu.dma_semaphore, #tpu.memory_space<semaphore_mem>>) src(%dma_wait3A_134 : memref<8x768xf32, #tpu.memory_space<vmem>>) dst(%dma_wait3A_130 : memref<8x768xf32, #tpu.memory_space<hbm>>)
    %dma_wait3A_135 = arith.constant 1 : i32
    %dma_wait3A_136 = arith.constant 1 : i32
    %dma_wait3A_137 = arith.constant 1 : i32
    %dma_wait3A_138 = arith.constant 8 : i32
    %dma_wait3A_139 = arith.constant 0 : i32
    %dma_wait3A_140 = tpu.memref_slice %arg10[%dma_wait3A_135, %dma_wait3A_138, %dma_wait3A_139] : memref<3x32x768xf32, #tpu.memory_space<vmem>> -> memref<1x8x768xf32, #tpu.memory_space<vmem>>
    %dma_wait3A_141 = tpu.memref_squeeze %dma_wait3A_140 : memref<1x8x768xf32, #tpu.memory_space<vmem>> -> memref<8x768xf32, #tpu.memory_space<vmem>>
    %dma_wait3A_142 = arith.constant 0 : i32
    %dma_wait3A_143 = tpu.memref_slice %arg7[%dma_wait3A_136, %mul3A_2, %dma_wait3A_142] : memref<4x8192x768xf32, #tpu.memory_space<hbm>> -> memref<1x8x768xf32, #tpu.memory_space<hbm>>
    %dma_wait3A_144 = tpu.memref_squeeze %dma_wait3A_143 : memref<1x8x768xf32, #tpu.memory_space<hbm>> -> memref<8x768xf32, #tpu.memory_space<hbm>>
    %dma_wait3A_145 = tpu.memref_slice %arg15[%dma_wait3A_137] : memref<3x!tpu.dma_semaphore, #tpu.memory_space<semaphore_mem>> -> memref<1x!tpu.dma_semaphore, #tpu.memory_space<semaphore_mem>>
    %dma_wait3A_146 = tpu.memref_squeeze %dma_wait3A_145 : memref<1x!tpu.dma_semaphore, #tpu.memory_space<semaphore_mem>> -> memref<!tpu.dma_semaphore, #tpu.memory_space<semaphore_mem>>
    %dma_wait3A_147 = arith.constant 0 : i32
    %dma_wait3A_148 = tpu.memref_slice %arg7[%dma_wait3A_136, %mul3A_2, %dma_wait3A_147] : memref<4x8192x768xf32, #tpu.memory_space<hbm>> -> memref<1x8x768xf32, #tpu.memory_space<hbm>>
    %dma_wait3A_149 = tpu.memref_squeeze %dma_wait3A_148 : memref<1x8x768xf32, #tpu.memory_space<hbm>> -> memref<8x768xf32, #tpu.memory_space<hbm>>
    %dma_wait3A_150 = arith.constant 8 : i32
    %dma_wait3A_151 = arith.constant 0 : i32
    %dma_wait3A_152 = tpu.memref_slice %arg10[%dma_wait3A_135, %dma_wait3A_150, %dma_wait3A_151] : memref<3x32x768xf32, #tpu.memory_space<vmem>> -> memref<1x8x768xf32, #tpu.memory_space<vmem>>
    %dma_wait3A_153 = tpu.memref_squeeze %dma_wait3A_152 : memref<1x8x768xf32, #tpu.memory_space<vmem>> -> memref<8x768xf32, #tpu.memory_space<vmem>>
    tpu.wait_dma2 semaphore(%dma_wait3A_146 : memref<!tpu.dma_semaphore, #tpu.memory_space<semaphore_mem>>) src(%dma_wait3A_153 : memref<8x768xf32, #tpu.memory_space<vmem>>) dst(%dma_wait3A_149 : memref<8x768xf32, #tpu.memory_space<hbm>>)
    %dma_wait3A_154 = arith.constant 1 : i32
    %dma_wait3A_155 = arith.constant 2 : i32
    %dma_wait3A_156 = arith.constant 1 : i32
    %dma_wait3A_157 = arith.constant 16 : i32
    %dma_wait3A_158 = arith.constant 0 : i32
    %dma_wait3A_159 = tpu.memref_slice %arg10[%dma_wait3A_154, %dma_wait3A_157, %dma_wait3A_158] : memref<3x32x768xf32, #tpu.memory_space<vmem>> -> memref<1x8x768xf32, #tpu.memory_space<vmem>>
    %dma_wait3A_160 = tpu.memref_squeeze %dma_wait3A_159 : memref<1x8x768xf32, #tpu.memory_space<vmem>> -> memref<8x768xf32, #tpu.memory_space<vmem>>
    %dma_wait3A_161 = arith.constant 0 : i32
    %dma_wait3A_162 = tpu.memref_slice %arg7[%dma_wait3A_155, %mul3A_2, %dma_wait3A_161] : memref<4x8192x768xf32, #tpu.memory_space<hbm>> -> memref<1x8x768xf32, #tpu.memory_space<hbm>>
    %dma_wait3A_163 = tpu.memref_squeeze %dma_wait3A_162 : memref<1x8x768xf32, #tpu.memory_space<hbm>> -> memref<8x768xf32, #tpu.memory_space<hbm>>
    %dma_wait3A_164 = tpu.memref_slice %arg15[%dma_wait3A_156] : memref<3x!tpu.dma_semaphore, #tpu.memory_space<semaphore_mem>> -> memref<1x!tpu.dma_semaphore, #tpu.memory_space<semaphore_mem>>
    %dma_wait3A_165 = tpu.memref_squeeze %dma_wait3A_164 : memref<1x!tpu.dma_semaphore, #tpu.memory_space<semaphore_mem>> -> memref<!tpu.dma_semaphore, #tpu.memory_space<semaphore_mem>>
    %dma_wait3A_166 = arith.constant 0 : i32
    %dma_wait3A_167 = tpu.memref_slice %arg7[%dma_wait3A_155, %mul3A_2, %dma_wait3A_166] : memref<4x8192x768xf32, #tpu.memory_space<hbm>> -> memref<1x8x768xf32, #tpu.memory_space<hbm>>
    %dma_wait3A_168 = tpu.memref_squeeze %dma_wait3A_167 : memref<1x8x768xf32, #tpu.memory_space<hbm>> -> memref<8x768xf32, #tpu.memory_space<hbm>>
    %dma_wait3A_169 = arith.constant 16 : i32
    %dma_wait3A_170 = arith.constant 0 : i32
    %dma_wait3A_171 = tpu.memref_slice %arg10[%dma_wait3A_154, %dma_wait3A_169, %dma_wait3A_170] : memref<3x32x768xf32, #tpu.memory_space<vmem>> -> memref<1x8x768xf32, #tpu.memory_space<vmem>>
    %dma_wait3A_172 = tpu.memref_squeeze %dma_wait3A_171 : memref<1x8x768xf32, #tpu.memory_space<vmem>> -> memref<8x768xf32, #tpu.memory_space<vmem>>
    tpu.wait_dma2 semaphore(%dma_wait3A_165 : memref<!tpu.dma_semaphore, #tpu.memory_space<semaphore_mem>>) src(%dma_wait3A_172 : memref<8x768xf32, #tpu.memory_space<vmem>>) dst(%dma_wait3A_168 : memref<8x768xf32, #tpu.memory_space<hbm>>)
    %dma_wait3A_173 = arith.constant 1 : i32
    %dma_wait3A_174 = arith.constant 3 : i32
    %dma_wait3A_175 = arith.constant 1 : i32
    %dma_wait3A_176 = arith.constant 24 : i32
    %dma_wait3A_177 = arith.constant 0 : i32
    %dma_wait3A_178 = tpu.memref_slice %arg10[%dma_wait3A_173, %dma_wait3A_176, %dma_wait3A_177] : memref<3x32x768xf32, #tpu.memory_space<vmem>> -> memref<1x8x768xf32, #tpu.memory_space<vmem>>
    %dma_wait3A_179 = tpu.memref_squeeze %dma_wait3A_178 : memref<1x8x768xf32, #tpu.memory_space<vmem>> -> memref<8x768xf32, #tpu.memory_space<vmem>>
    %dma_wait3A_180 = arith.constant 0 : i32
    %dma_wait3A_181 = tpu.memref_slice %arg7[%dma_wait3A_174, %mul3A_2, %dma_wait3A_180] : memref<4x8192x768xf32, #tpu.memory_space<hbm>> -> memref<1x8x768xf32, #tpu.memory_space<hbm>>
    %dma_wait3A_182 = tpu.memref_squeeze %dma_wait3A_181 : memref<1x8x768xf32, #tpu.memory_space<hbm>> -> memref<8x768xf32, #tpu.memory_space<hbm>>
    %dma_wait3A_183 = tpu.memref_slice %arg15[%dma_wait3A_175] : memref<3x!tpu.dma_semaphore, #tpu.memory_space<semaphore_mem>> -> memref<1x!tpu.dma_semaphore, #tpu.memory_space<semaphore_mem>>
    %dma_wait3A_184 = tpu.memref_squeeze %dma_wait3A_183 : memref<1x!tpu.dma_semaphore, #tpu.memory_space<semaphore_mem>> -> memref<!tpu.dma_semaphore, #tpu.memory_space<semaphore_mem>>
    %dma_wait3A_185 = arith.constant 0 : i32
    %dma_wait3A_186 = tpu.memref_slice %arg7[%dma_wait3A_174, %mul3A_2, %dma_wait3A_185] : memref<4x8192x768xf32, #tpu.memory_space<hbm>> -> memref<1x8x768xf32, #tpu.memory_space<hbm>>
    %dma_wait3A_187 = tpu.memref_squeeze %dma_wait3A_186 : memref<1x8x768xf32, #tpu.memory_space<hbm>> -> memref<8x768xf32, #tpu.memory_space<hbm>>
    %dma_wait3A_188 = arith.constant 24 : i32
    %dma_wait3A_189 = arith.constant 0 : i32
    %dma_wait3A_190 = tpu.memref_slice %arg10[%dma_wait3A_173, %dma_wait3A_188, %dma_wait3A_189] : memref<3x32x768xf32, #tpu.memory_space<vmem>> -> memref<1x8x768xf32, #tpu.memory_space<vmem>>
    %dma_wait3A_191 = tpu.memref_squeeze %dma_wait3A_190 : memref<1x8x768xf32, #tpu.memory_space<vmem>> -> memref<8x768xf32, #tpu.memory_space<vmem>>
    tpu.wait_dma2 semaphore(%dma_wait3A_184 : memref<!tpu.dma_semaphore, #tpu.memory_space<semaphore_mem>>) src(%dma_wait3A_191 : memref<8x768xf32, #tpu.memory_space<vmem>>) dst(%dma_wait3A_187 : memref<8x768xf32, #tpu.memory_space<hbm>>)
    %dma_wait3A_192 = arith.constant 2 : i32
    %dma_wait3A_193 = arith.constant 0 : i32
    %dma_wait3A_194 = arith.constant 2 : i32
    %dma_wait3A_195 = arith.constant 0 : i32
    %dma_wait3A_196 = arith.constant 0 : i32
    %dma_wait3A_197 = tpu.memref_slice %arg10[%dma_wait3A_192, %dma_wait3A_195, %dma_wait3A_196] : memref<3x32x768xf32, #tpu.memory_space<vmem>> -> memref<1x8x768xf32, #tpu.memory_space<vmem>>
    %dma_wait3A_198 = tpu.memref_squeeze %dma_wait3A_197 : memref<1x8x768xf32, #tpu.memory_space<vmem>> -> memref<8x768xf32, #tpu.memory_space<vmem>>
    %dma_wait3A_199 = arith.constant 0 : i32
    %dma_wait3A_200 = tpu.memref_slice %arg7[%dma_wait3A_193, %mul3A_2, %dma_wait3A_199] : memref<4x8192x768xf32, #tpu.memory_space<hbm>> -> memref<1x8x768xf32, #tpu.memory_space<hbm>>
    %dma_wait3A_201 = tpu.memref_squeeze %dma_wait3A_200 : memref<1x8x768xf32, #tpu.memory_space<hbm>> -> memref<8x768xf32, #tpu.memory_space<hbm>>
    %dma_wait3A_202 = tpu.memref_slice %arg15[%dma_wait3A_194] : memref<3x!tpu.dma_semaphore, #tpu.memory_space<semaphore_mem>> -> memref<1x!tpu.dma_semaphore, #tpu.memory_space<semaphore_mem>>
    %dma_wait3A_203 = tpu.memref_squeeze %dma_wait3A_202 : memref<1x!tpu.dma_semaphore, #tpu.memory_space<semaphore_mem>> -> memref<!tpu.dma_semaphore, #tpu.memory_space<semaphore_mem>>
    %dma_wait3A_204 = arith.constant 0 : i32
    %dma_wait3A_205 = tpu.memref_slice %arg7[%dma_wait3A_193, %mul3A_2, %dma_wait3A_204] : memref<4x8192x768xf32, #tpu.memory_space<hbm>> -> memref<1x8x768xf32, #tpu.memory_space<hbm>>
    %dma_wait3A_206 = tpu.memref_squeeze %dma_wait3A_205 : memref<1x8x768xf32, #tpu.memory_space<hbm>> -> memref<8x768xf32, #tpu.memory_space<hbm>>
    %dma_wait3A_207 = arith.constant 0 : i32
    %dma_wait3A_208 = arith.constant 0 : i32
    %dma_wait3A_209 = tpu.memref_slice %arg10[%dma_wait3A_192, %dma_wait3A_207, %dma_wait3A_208] : memref<3x32x768xf32, #tpu.memory_space<vmem>> -> memref<1x8x768xf32, #tpu.memory_space<vmem>>
    %dma_wait3A_210 = tpu.memref_squeeze %dma_wait3A_209 : memref<1x8x768xf32, #tpu.memory_space<vmem>> -> memref<8x768xf32, #tpu.memory_space<vmem>>
    tpu.wait_dma2 semaphore(%dma_wait3A_203 : memref<!tpu.dma_semaphore, #tpu.memory_space<semaphore_mem>>) src(%dma_wait3A_210 : memref<8x768xf32, #tpu.memory_space<vmem>>) dst(%dma_wait3A_206 : memref<8x768xf32, #tpu.memory_space<hbm>>)
    %dma_wait3A_211 = arith.constant 2 : i32
    %dma_wait3A_212 = arith.constant 1 : i32
    %dma_wait3A_213 = arith.constant 2 : i32
    %dma_wait3A_214 = arith.constant 8 : i32
    %dma_wait3A_215 = arith.constant 0 : i32
    %dma_wait3A_216 = tpu.memref_slice %arg10[%dma_wait3A_211, %dma_wait3A_214, %dma_wait3A_215] : memref<3x32x768xf32, #tpu.memory_space<vmem>> -> memref<1x8x768xf32, #tpu.memory_space<vmem>>
    %dma_wait3A_217 = tpu.memref_squeeze %dma_wait3A_216 : memref<1x8x768xf32, #tpu.memory_space<vmem>> -> memref<8x768xf32, #tpu.memory_space<vmem>>
    %dma_wait3A_218 = arith.constant 0 : i32
    %dma_wait3A_219 = tpu.memref_slice %arg7[%dma_wait3A_212, %mul3A_2, %dma_wait3A_218] : memref<4x8192x768xf32, #tpu.memory_space<hbm>> -> memref<1x8x768xf32, #tpu.memory_space<hbm>>
    %dma_wait3A_220 = tpu.memref_squeeze %dma_wait3A_219 : memref<1x8x768xf32, #tpu.memory_space<hbm>> -> memref<8x768xf32, #tpu.memory_space<hbm>>
    %dma_wait3A_221 = tpu.memref_slice %arg15[%dma_wait3A_213] : memref<3x!tpu.dma_semaphore, #tpu.memory_space<semaphore_mem>> -> memref<1x!tpu.dma_semaphore, #tpu.memory_space<semaphore_mem>>
    %dma_wait3A_222 = tpu.memref_squeeze %dma_wait3A_221 : memref<1x!tpu.dma_semaphore, #tpu.memory_space<semaphore_mem>> -> memref<!tpu.dma_semaphore, #tpu.memory_space<semaphore_mem>>
    %dma_wait3A_223 = arith.constant 0 : i32
    %dma_wait3A_224 = tpu.memref_slice %arg7[%dma_wait3A_212, %mul3A_2, %dma_wait3A_223] : memref<4x8192x768xf32, #tpu.memory_space<hbm>> -> memref<1x8x768xf32, #tpu.memory_space<hbm>>
    %dma_wait3A_225 = tpu.memref_squeeze %dma_wait3A_224 : memref<1x8x768xf32, #tpu.memory_space<hbm>> -> memref<8x768xf32, #tpu.memory_space<hbm>>
    %dma_wait3A_226 = arith.constant 8 : i32
    %dma_wait3A_227 = arith.constant 0 : i32
    %dma_wait3A_228 = tpu.memref_slice %arg10[%dma_wait3A_211, %dma_wait3A_226, %dma_wait3A_227] : memref<3x32x768xf32, #tpu.memory_space<vmem>> -> memref<1x8x768xf32, #tpu.memory_space<vmem>>
    %dma_wait3A_229 = tpu.memref_squeeze %dma_wait3A_228 : memref<1x8x768xf32, #tpu.memory_space<vmem>> -> memref<8x768xf32, #tpu.memory_space<vmem>>
    tpu.wait_dma2 semaphore(%dma_wait3A_222 : memref<!tpu.dma_semaphore, #tpu.memory_space<semaphore_mem>>) src(%dma_wait3A_229 : memref<8x768xf32, #tpu.memory_space<vmem>>) dst(%dma_wait3A_225 : memref<8x768xf32, #tpu.memory_space<hbm>>)
    %dma_wait3A_230 = arith.constant 2 : i32
    %dma_wait3A_231 = arith.constant 2 : i32
    %dma_wait3A_232 = arith.constant 2 : i32
    %dma_wait3A_233 = arith.constant 16 : i32
    %dma_wait3A_234 = arith.constant 0 : i32
    %dma_wait3A_235 = tpu.memref_slice %arg10[%dma_wait3A_230, %dma_wait3A_233, %dma_wait3A_234] : memref<3x32x768xf32, #tpu.memory_space<vmem>> -> memref<1x8x768xf32, #tpu.memory_space<vmem>>
    %dma_wait3A_236 = tpu.memref_squeeze %dma_wait3A_235 : memref<1x8x768xf32, #tpu.memory_space<vmem>> -> memref<8x768xf32, #tpu.memory_space<vmem>>
    %dma_wait3A_237 = arith.constant 0 : i32
    %dma_wait3A_238 = tpu.memref_slice %arg7[%dma_wait3A_231, %mul3A_2, %dma_wait3A_237] : memref<4x8192x768xf32, #tpu.memory_space<hbm>> -> memref<1x8x768xf32, #tpu.memory_space<hbm>>
    %dma_wait3A_239 = tpu.memref_squeeze %dma_wait3A_238 : memref<1x8x768xf32, #tpu.memory_space<hbm>> -> memref<8x768xf32, #tpu.memory_space<hbm>>
    %dma_wait3A_240 = tpu.memref_slice %arg15[%dma_wait3A_232] : memref<3x!tpu.dma_semaphore, #tpu.memory_space<semaphore_mem>> -> memref<1x!tpu.dma_semaphore, #tpu.memory_space<semaphore_mem>>
    %dma_wait3A_241 = tpu.memref_squeeze %dma_wait3A_240 : memref<1x!tpu.dma_semaphore, #tpu.memory_space<semaphore_mem>> -> memref<!tpu.dma_semaphore, #tpu.memory_space<semaphore_mem>>
    %dma_wait3A_242 = arith.constant 0 : i32
    %dma_wait3A_243 = tpu.memref_slice %arg7[%dma_wait3A_231, %mul3A_2, %dma_wait3A_242] : memref<4x8192x768xf32, #tpu.memory_space<hbm>> -> memref<1x8x768xf32, #tpu.memory_space<hbm>>
    %dma_wait3A_244 = tpu.memref_squeeze %dma_wait3A_243 : memref<1x8x768xf32, #tpu.memory_space<hbm>> -> memref<8x768xf32, #tpu.memory_space<hbm>>
    %dma_wait3A_245 = arith.constant 16 : i32
    %dma_wait3A_246 = arith.constant 0 : i32
    %dma_wait3A_247 = tpu.memref_slice %arg10[%dma_wait3A_230, %dma_wait3A_245, %dma_wait3A_246] : memref<3x32x768xf32, #tpu.memory_space<vmem>> -> memref<1x8x768xf32, #tpu.memory_space<vmem>>
    %dma_wait3A_248 = tpu.memref_squeeze %dma_wait3A_247 : memref<1x8x768xf32, #tpu.memory_space<vmem>> -> memref<8x768xf32, #tpu.memory_space<vmem>>
    tpu.wait_dma2 semaphore(%dma_wait3A_241 : memref<!tpu.dma_semaphore, #tpu.memory_space<semaphore_mem>>) src(%dma_wait3A_248 : memref<8x768xf32, #tpu.memory_space<vmem>>) dst(%dma_wait3A_244 : memref<8x768xf32, #tpu.memory_space<hbm>>)
    %dma_wait3A_249 = arith.constant 2 : i32
    %dma_wait3A_250 = arith.constant 3 : i32
    %dma_wait3A_251 = arith.constant 2 : i32
    %dma_wait3A_252 = arith.constant 24 : i32
    %dma_wait3A_253 = arith.constant 0 : i32
    %dma_wait3A_254 = tpu.memref_slice %arg10[%dma_wait3A_249, %dma_wait3A_252, %dma_wait3A_253] : memref<3x32x768xf32, #tpu.memory_space<vmem>> -> memref<1x8x768xf32, #tpu.memory_space<vmem>>
    %dma_wait3A_255 = tpu.memref_squeeze %dma_wait3A_254 : memref<1x8x768xf32, #tpu.memory_space<vmem>> -> memref<8x768xf32, #tpu.memory_space<vmem>>
    %dma_wait3A_256 = arith.constant 0 : i32
    %dma_wait3A_257 = tpu.memref_slice %arg7[%dma_wait3A_250, %mul3A_2, %dma_wait3A_256] : memref<4x8192x768xf32, #tpu.memory_space<hbm>> -> memref<1x8x768xf32, #tpu.memory_space<hbm>>
    %dma_wait3A_258 = tpu.memref_squeeze %dma_wait3A_257 : memref<1x8x768xf32, #tpu.memory_space<hbm>> -> memref<8x768xf32, #tpu.memory_space<hbm>>
    %dma_wait3A_259 = tpu.memref_slice %arg15[%dma_wait3A_251] : memref<3x!tpu.dma_semaphore, #tpu.memory_space<semaphore_mem>> -> memref<1x!tpu.dma_semaphore, #tpu.memory_space<semaphore_mem>>
    %dma_wait3A_260 = tpu.memref_squeeze %dma_wait3A_259 : memref<1x!tpu.dma_semaphore, #tpu.memory_space<semaphore_mem>> -> memref<!tpu.dma_semaphore, #tpu.memory_space<semaphore_mem>>
    %dma_wait3A_261 = arith.constant 0 : i32
    %dma_wait3A_262 = tpu.memref_slice %arg7[%dma_wait3A_250, %mul3A_2, %dma_wait3A_261] : memref<4x8192x768xf32, #tpu.memory_space<hbm>> -> memref<1x8x768xf32, #tpu.memory_space<hbm>>
    %dma_wait3A_263 = tpu.memref_squeeze %dma_wait3A_262 : memref<1x8x768xf32, #tpu.memory_space<hbm>> -> memref<8x768xf32, #tpu.memory_space<hbm>>
    %dma_wait3A_264 = arith.constant 24 : i32
    %dma_wait3A_265 = arith.constant 0 : i32
    %dma_wait3A_266 = tpu.memref_slice %arg10[%dma_wait3A_249, %dma_wait3A_264, %dma_wait3A_265] : memref<3x32x768xf32, #tpu.memory_space<vmem>> -> memref<1x8x768xf32, #tpu.memory_space<vmem>>
    %dma_wait3A_267 = tpu.memref_squeeze %dma_wait3A_266 : memref<1x8x768xf32, #tpu.memory_space<vmem>> -> memref<8x768xf32, #tpu.memory_space<vmem>>
    tpu.wait_dma2 semaphore(%dma_wait3A_260 : memref<!tpu.dma_semaphore, #tpu.memory_space<semaphore_mem>>) src(%dma_wait3A_267 : memref<8x768xf32, #tpu.memory_space<vmem>>) dst(%dma_wait3A_263 : memref<8x768xf32, #tpu.memory_space<hbm>>)
    return
  }
}

</mosaic_0001>

<sc_bundles>
// kernel: kernel.3.cloned.1.call-start
scs
__scs_entry_jumppad:
0x0: {  	(pc) =	sbr.rel $0x88, $3  }
0x1: {  	(tag) =	ssettag $0x0;
	lr =	simm.s32 $0x1  }
0x2: {  	[smem:$0x3F9D] =	sst lr;
	_ =	strace $0xD0000000  }
0x3: {  	_ = 	snop  }
0x4: {  	_ = 	snop  }
0x5: {  	_ = 	snop  }
0x6: {  	_ = 	snop  }
0x7: {  	_ = 	snop  }
__scs_overlays_trampoline_lowered:
0x8: {  	[smem:$0x3FAC] =	sst s0  }
0x9: {  	[smem:$0x3FAD] =	sst s1  }
0xa: {  	[smem:$0x3FAE] =	sst s2  }
0xb: {  	[smem:$0x3FAF] =	sst s3  }
0xc: {  	[smem:$0x3FB0] =	sst s4  }
0xd: {  	[smem:$0x3FB1] =	sst s5  }
0xe: {  	[smem:$0x3FB2] =	sst s6  }
0xf: {  	[smem:$0x3FB3] =	sst s7  }
0x10: {  	[smem:$0x3FB4] =	sst s8  }
0x11: {  	[smem:$0x3FB5] =	sst s9;
	s0 =	simm.s32 @!p0 $0x0  }
0x12: {  	s1 =	sld [smem:$0x3F9B];
	s0 =	simm.s32 @p0 $0x1  }
0x13: {  	[smem:$0x3FB6] =	sst s0;
	s0 =	simm.s32 @!p1 $0x0  }
0x14: {  	s2 =	sld [smem:$0x3F9A];
	s0 =	simm.s32 @p1 $0x1  }
0x15: {  	[smem:$0x3FB7] =	sst s0;
	s0 =	simm.s32 @!p2 $0x0  }
0x16: {  	s3 =	sld [smem:$0x3FDB];
	s0 =	simm.s32 @p2 $0x1  }
0x17: {  	s4 =	simm.s32 $0x1BF5;
	[smem:$0x3FB9] =	sst s0  }
0x18: {  	s0 =	sld [smem:$0x3F9C];
	_ =	swait.ge [sflag:s4], $0x0  }
0x19: {  	s7 =	sld [smem:$0x3F9D]  }
0x1a: {  	s8 =	sadd.s32 $0xFFFFE003, lr  }
0x1b: {  	s9 =	sadd.s32 $0xFFFFFEF7, lr;
	s5 =	simm.s32 $0xFFFFFFFF;
	p2 =	slt.u32 s8, $0xFFFFF086  }
0x1c: {  	p1 =	slt.u32 s9, $0xF7A;
	s5 =	simm.s32 @!p2 $0x0  }
0x1d: {  	s5 =	simm.s32 @p1 $0x1;
	p0 =	seq.s32 s7, s2  }
0x1e: {  	s7 =	smul.u32 @!p0 $0xF7A, s2;
	p2 =	seq.s32 @!p0 s5, $0x0  }
0x1f: {  	s9 =	smul.u32 $0xF7A, s1;
	s8 =	simm.s32 @!p0 $0x1BF5;
	p2 =	por !p2, p0  }
0x20: {  	[sflag:s8] =	ssyncset.s32 @!p0 $0xFFFFF086;
	s6 =	sadd.s32 @!p0 s3, s7;
	s7 =	simm.s32 @!p0 $0x108  }
0x21: {  	s3 =	sadd.s32 s3, s9;
	s6 =	sadd.s32 @!p0 $0x88, s6;
	s7 =	simm.s32 @p2 $0x1082  }
0x22: {  	[simem:s7], [sflag:s8] =	dma.local @!p0 [hbm:s6], $0xF7A  }
0x23: {  	s9 =	sor.u32 $0xD0000000, s2;
	s6 =	simm.s32 $0x108;
	_ =	swait.ge @!p0 [sflag:s8], $0x0  }
0x24: {  	s3 =	sadd.s32 $0x88, s3;
	s6 =	simm.s32 @!p1 $0x1082;
	[sflag:s4] =	ssyncset.s32 $0xFFFFF086  }
0x25: {  	[simem:s6], [sflag:s4] =	dma.local [hbm:s3], $0xF7A  }
0x26: {  	[smem:$0x3F9D] =	sst s1;
	(tag) =	ssettag s2;
	_ =	strace s9  }
0x27: {  	s1 =	sld [smem:$0x3FAD]  }
0x28: {  	s2 =	sld [smem:$0x3FAE]  }
0x29: {  	s4 =	sld [smem:$0x3FB0]  }
0x2a: {  	p0 =	seq.s32 s5, $0x0;
	s5 =	sld [smem:$0x3FB1]  }
0x2b: {  	s6 =	sld [smem:$0x3FB2]  }
0x2c: {  	s7 =	sld [smem:$0x3FB3]  }
0x2d: {  	s3 =	simm.s32 $0x108;
	s8 =	sld [smem:$0x3FB4]  }
0x2e: {  	s3 =	simm.s32 @!p0 $0x1082;
	s9 =	sld [smem:$0x3FB5]  }
0x2f: {  	lr =	sadd.s32 s0, s3;
	s0 =	sld [smem:$0x3FAC]  }
0x30: {  	s3 =	sld [smem:$0x3FAF]  }
0x31: {  	[smem:$0x3FB8] =	sst s10  }
0x32: {  	s10 =	sld [smem:$0x3FB6];
	_ =	sdelay $0x3  }
0x33: {  	p0 =	seq.s32 s10, $0x1;
	s10 =	sld [smem:$0x3FB8];
	_ =	sdelay $0x3  }
0x34: {  	[smem:$0x3FB8] =	sst s10  }
0x35: {  	s10 =	sld [smem:$0x3FB7];
	_ =	sdelay $0x3  }
0x36: {  	p1 =	seq.s32 s10, $0x1;
	s10 =	sld [smem:$0x3FB8];
	_ =	sdelay $0x3  }
0x37: {  	[smem:$0x3FB8] =	sst s10  }
0x38: {  	s10 =	sld [smem:$0x3FB9]  }
0x39: {  	_ = 	snop;
	(pc) =	sbr.ind lr, $3  }
0x3a: {  	_ = 	snop  }
0x3b: {  	_ = 	snop  }
0x3c: {  	p2 =	seq.s32 s10, $0x1;
	s10 =	sld [smem:$0x3FB8]  }
0x3d: {  	_ =	shalt  }
0x3e: {  	_ =	shalt  }
0x3f: {  	_ =	shalt  }
0x40: {  	_ =	shalt  }
0x41: {  	_ =	shalt  }
0x42: {  	_ =	shalt  }
0x43: {  	_ =	shalt  }
0x44: {  	_ =	shalt  }
0x45: {  	_ =	shalt  }
0x46: {  	_ =	shalt  }
0x47: {  	_ =	shalt  }
0x48: {  	_ =	shalt  }
0x49: {  	_ =	shalt  }
0x4a: {  	_ =	shalt  }
0x4b: {  	_ =	shalt  }
0x4c: {  	_ =	shalt  }
0x4d: {  	_ =	shalt  }
0x4e: {  	_ =	shalt  }
0x4f: {  	_ =	shalt  }
0x50: {  	_ =	shalt  }
0x51: {  	_ =	shalt  }
0x52: {  	_ =	shalt  }
0x53: {  	_ =	shalt  }
0x54: {  	_ =	shalt  }
0x55: {  	_ =	shalt  }
0x56: {  	_ =	shalt  }
0x57: {  	_ =	shalt  }
0x58: {  	_ =	shalt  }
0x59: {  	_ =	shalt  }
0x5a: {  	_ =	shalt  }
0x5b: {  	_ =	shalt  }
0x5c: {  	_ =	shalt  }
0x5d: {  	_ =	shalt  }
0x5e: {  	_ =	shalt  }
0x5f: {  	_ =	shalt  }
0x60: {  	_ =	shalt  }
0x61: {  	_ =	shalt  }
0x62: {  	_ =	shalt  }
0x63: {  	_ =	shalt  }
0x64: {  	_ =	shalt  }
0x65: {  	_ =	shalt  }
0x66: {  	_ =	shalt  }
0x67: {  	_ =	shalt  }
0x68: {  	_ =	shalt  }
0x69: {  	_ =	shalt  }
0x6a: {  	_ =	shalt  }
0x6b: {  	_ =	shalt  }
0x6c: {  	_ =	shalt  }
0x6d: {  	_ =	shalt  }
0x6e: {  	_ =	shalt  }
0x6f: {  	_ =	shalt  }
0x70: {  	_ =	shalt  }
0x71: {  	_ =	shalt  }
0x72: {  	_ =	shalt  }
0x73: {  	_ =	shalt  }
0x74: {  	_ =	shalt  }
0x75: {  	_ =	shalt  }
0x76: {  	_ =	shalt  }
0x77: {  	_ =	shalt  }
0x78: {  	_ =	shalt  }
0x79: {  	_ =	shalt  }
0x7a: {  	_ =	shalt  }
0x7b: {  	_ =	shalt  }
0x7c: {  	_ =	shalt  }
0x7d: {  	_ =	shalt  }
0x7e: {  	_ =	shalt  }
0x7f: {  	_ =	shalt  }
0x80: {  	_ =	shalt  }
0x81: {  	_ =	shalt  }
0x82: {  	_ =	shalt  }
0x83: {  	_ =	shalt  }
0x84: {  	_ =	shalt  }
0x85: {  	_ =	shalt  }
0x86: {  	_ =	shalt  }
0x87: {  	_ =	shalt  }
.Lfunc_end0:
.L_simem_size_0:
called_computation_lowered:
.L_overlay_start_0:
0x88: {  	s2 =	sld [smem:$0x3FD9]  }
0x89: {  	s3 =	sld [smem:$0x3FFE];
	_ =	sdelay $0x1  }
0x8a: {  	s1 =	srdreg.scid  }
0x8b: {  	s0 =	sand.u32 $0x1, s1  }
0x8c: {  	s17 =	sshll.u32 s0, $0xA;
	s2 =	sadd.s32 s3, s2  }
0x8d: {  	s2 =	sadd.s32 s2, s17  }
0x8e: {  	[smem:$0x3FC4] =	sst s2  }
0x8f: {  	_ = 	snop  }
0x90: {  	s2 =	sld [smem:$0x3FC8]  }
0x91: {  	s18 =	sld [smem:$0x3FC7]  }
0x92: {  	s4 =	sld [smem:$0x3FC6]  }
0x93: {  	s5 =	sld [smem:$0x3FD0];
	(tm) =	ssettm $0x1  }
0x94: {  	s6 =	sld [smem:$0x3FFB];
	_ =	sdelay $0x3  }
0x95: {  	_ =	strace s6  }
0x96: {  	s6 =	sld [smem:$0x3FFC];
	_ =	sdelay $0x3  }
0x97: {  	_ =	strace s6  }
0x98: {  	s6 =	sld [smem:$0x3FFD];
	_ =	sdelay $0x3  }
0x99: {  	_ =	strace s6  }
0x9a: {  	_ =	strace $0x8FFFFFFF  }
0x9b: {  	s19 =	sld [smem:$0x3FDB];
	_ =	sdelay $0x1  }
0x9c: {  	s7 =	simm.s32 $_scs_section_size  }
0x9d: {  	s8 =	simm.s32 $_size__tile_overlayer_lowered;
	s9 =	simm.s32 $_tile_overlayer_lowered  }
0x9e: {  	s22 =	simm.s32 $0x1BFF;
	s21 =	sshll.u32 s9, $0x1;
	s6 =	sadd.s32 s7, s19  }
0x9f: {  	s10 =	simm.s32 $0x0;
	s20 =	sshll.u32 s8, $0x1;
	s8 =	sadd.s32 s21, s6  }
0xa0: {  	[timem:s10], [sflag:s22] =	dma.local [hbm:s8], s20  }
0xa1: {  	_ =	swait.ge [sflag:s22], s20  }
0xa2: {  	s7 =	ssub.s32 $0x0, s20;
	[sflag:s22] =	ssyncset.done $0x0  }
0xa3: {  	[sflag:s22] =	ssyncadd.s32 s7;
	_ =	sdelay $0x1  }
0xa4: {  	s23 =	simm.s32 $0x1B8B  }
0xa5: {  	_ =	swait.ge [sflag:s23], $0x1  }
0xa6: {  	[sflag:s23] =	ssyncset.done $0x0  }
0xa7: {  	s25 =	simm.s32 $0x1B8E;
	s24 =	sld [smem:$0x3FFE];
	[sflag:s23] =	ssyncadd.s32 $0xFFFFFFFF  }
0xa8: {  	s26 =	simm.s32 $execute0_lowered;
	[smem:$0x3FD2] =	sst s25  }
0xa9: {  	s8 =	sshll.u32 s26, $0x1;
	_ =	strace $0x80000046;
	[dreg:$0x1] =	wrdreg $0xFFFFFFFF  }
0xaa: {  	s28 =	simm.s32 $_size_execute0_lowered;
	s6 =	sadd.s32 s6, s8;
	[dreg:$0x0] =	wrdreg $0x0  }
0xab: {  	s8 =	sshll.u32 s28, $0x1;
	[dreg:$0x2] =	wrdreg s6  }
0xac: {  	[dreg:$0x3] =	wrdreg s8  }
0xad: {  	[dreg:$0x4] =	wrdreg $0xC0  }
0xae: {  	_ =	task [dreg:s10], $0x5FFFF  }
0xaf: {  	[dreg:$0x1] =	wrdreg $0xFFFFFFFF  }
0xb0: {  	[dreg:$0x0] =	wrdreg $0x60  }
0xb1: {  	[dreg:$0x2] =	wrdreg s24  }
0xb2: {  	[dreg:$0x3] =	wrdreg s2  }
0xb3: {  	[dreg:$0x4] =	wrdreg s18  }
0xb4: {  	[dreg:$0x5] =	wrdreg s4  }
0xb5: {  	[dreg:$0x6] =	wrdreg s5  }
0xb6: {  	[dreg:$0x7] =	wrdreg $0x9  }
0xb7: {  	_ =	task.clear_ibuf [dreg:s10], $0x8FFFF;
	_ =	strace $0x90000046  }
0xb8: {  	s29 =	simm.s32 $0x9;
	_ =	strace $0x80000048  }
0xb9: {  	_ =	swait.ge [sflag:s29], $0x1  }
0xba: {  	[sflag:s29] =	ssyncadd.s32 $0xFFFFFFFF  }
0xbb: {  	_ =	strace $0x90000048  }
0xbc: {  	_ =	sfence  }
0xbd: {  	s30 =	sld [smem:$0x0];
	_ =	sdelay $0x2  }
0xbe: {  	s31 =	sshll.u32 s1, $0xD;
	s1 =	sshrl.u32 s1, $0x2  }
0xbf: {  	s3 =	sand.u32 $0x4000, s31;
	s1 =	sadd.s32 s1, s30  }
0xc0: {  	s0 =	sor.u32 s3, s0;
	s1 =	sshll.u32 s1, $0x11  }
0xc1: {  	s0 =	sor.u32 s1, s0  }
0xc2: {  	s0 =	sadd.s32 $0x8F2B, s0  }
0xc3: {  	[sflag:s0] =	ssyncadd.remote.s32 $0x1  }
0xc4: {  	_ =	sfence.sel $0xFFFF  }
0xc5: {  	[dreg:$0x0] =	wrdreg $0xFFFFFFFF;
	(pc) =	sbr.abs _section_cstart, $3  }
0xc6: {  	[dreg:$0x1] =	wrdreg $0xFFFFFFFF  }
0xc7: {  	_ =	task.clear_ibuf [dreg:s10], $0x2FFFF;
	_ =	strace $0x9FFFFFFF  }
0xc8: {  	(tm) =	ssettm $0x7FFFFFFF  }
0xc9: {  	_ =	shalt  }
tec
execute0_lowered:
.L_overlay_start_1:
0x0: {  	(tag) =	ssettag $0x1  }
0x1: {  	s0 =	rddreg [dreg:$0x0]  }
0x2: {  	s4 =	rddreg [dreg:$0x1]  }
0x3: {  	s5 =	rddreg [dreg:$0x2]  }
0x4: {  	s6 =	rddreg [dreg:$0x3];
	s3 =	simm.s32 $0x0  }
0x5: {  	[smem:$0x7FF] =	sst s3;
	s19 =	sadd.s32 $0x100, s4  }
0x6: {  	s20 =	sadd.s32 $0x200, s4;
	_ =	strace $0x80000047;
	[dreg:$0x1d] =	wrdreg s19  }
0x7: {  	s7 =	sadd.s32 $0x4400, s0;
	[dreg:$0x1e] =	wrdreg s20  }
0x8: {  	s21 =	sadd.s32 $0x10, s5;
	[dreg:$0x1a] =	wrdreg s7  }
0x9: {  	s22 =	sadd.s32 $0x20, s5;
	[smem:$0x7F4] =	sst s21  }
0xa: {  	v0 =	vimm.s32 $0xEFCDAB89;
	v1 =	vimm.s32 $0x67452301;
	s23 =	sadd.s32 $0x30, s5;
	[smem:$0x7F5] =	sst s22  }
0xb: {  	v3 =	vimm.s32 $0xDCFE98BA;
	v4 =	vimm.s32 $0x54761032;
	s24 =	sadd.s32 $0x40, s5;
	[smem:$0x7F6] =	sst s23  }
0xc: {  	v2 =	vlaneseq.u32;
	v5 =	vimm.s32 $0xBA98FEDC;
	v6 =	vimm.s32 $0x32107654;
	s25 =	sadd.s32 $0x50, s5;
	[smem:$0x7F7] =	sst s24  }
0xd: {  	s1 =	srdreg.scid;
	v0 =	vunpack.c.l.s4.s8 v0;
	v1 =	vunpack.c.l.s4.s8 v1;
	s26 =	sadd.s32 $0x10, s6;
	v3 =	vunpack.c.l.s4.s8 v3;
	[smem:$0x7F8] =	sst s25  }
0xe: {  	s2 =	stileid.u32;
	s28 =	sadd.s32 $0x20, s6;
	v4 =	vunpack.c.l.s4.s8 v4;
	v5 =	vunpack.c.l.s4.s8 v5;
	v58 =	vunpack.c.l.s4.s8 v6;
	[smem:$0x7F9] =	sst s26  }
0xf: {  	s1 =	sand.u32 $0x1, s1;
	s29 =	sadd.s32 $0x30, s6;
	v6 =	vimm.s32 $0x76543210;
	v59 =	vand.u32 $0x7, v2;
	v60 =	vshrl.u32 v2, $0x3;
	[smem:$0x7FA] =	sst s28  }
0x10: {  	s2 =	sshll.u32 s2, $0x1;
	s30 =	sadd.s32 $0x50, s6;
	[smem:$0x7FB] =	sst s29;
	v0 =	vunpack.c.0.s8.s32 v0;
	v1 =	vunpack.c.0.s8.s32 v1;
	v57 =	vunpack.c.0.s8.s32 v3  }
0x11: {  	s31 =	sadd.s32 $0x40, s6;
	s2 =	sor.u32 s1, s2;
	[smem:$0x7FC] =	sst s30;
	v3 =	vunpack.c.0.s8.s32 v4;
	v4 =	vunpack.c.0.s8.s32 v5;
	v5 =	vimm.s32 $0xFEDCBA98  }
0x12: {  	s1 =	ssub.s32 $0x2, s1;
	[smem:$0x7FD] =	sst s31;
	s14 =	sshll.u32 s2, $0x9;
	v5 =	vunpack.c.l.s4.s8 v5;
	v7 =	vcombine.low v1, v0;
	v1 =	vunpack.c.0.s8.s32 v58  }
0x13: {  	v62 =	vor.u32 $0x8, v2;
	s16 =	sshll.u32 s2, $0x5;
	s17 =	smul.u32 $0x6000, s2;
	s3 =	sadd.s32 s14, s0;
	v8 =	vcombine.low v3, v57;
	v3 =	vunpack.c.l.s4.s8 v6  }
0x14: {  	[tilespmem:$0x1FFC0] =	vst v59;
	v61 =	vmul.u32 $0x8, v60;
	s15 =	sshrl.u32 s1, $0x1;
	[dreg:$0x1b] =	wrdreg s16;
	s18 =	sadd.s32 $0x400, s3;
	v6 =	vcombine.low v1, v4;
	v4 =	vunpack.c.0.s8.s32 v5  }
0x15: {  	[tilespmem:$0x1FFE0] =	vst v62;
	s0 =	ssub.s32 s1, s15;
	s1 =	sadd.s32 s7, s17;
	[dreg:$0x1c] =	wrdreg s18;
	v9 =	vunpack.c.0.s8.s32 v3  }
0x16: {  	vm0 =	vmmov $0xffff;
	[tilespmem:$0x1FFD0] =	vst v61;
	s0 =	smax.u32 s0, $0x1;
	[dreg:$0x1f] =	wrdreg s1;
	v63 =	vand.u32 $0xF, v7;
	v7 =	vand.u32 $0xF, v4  }
0x17: {  	s2 =	simm.s32 $0x0;
	[smem:$0x7F3] =	sst s0;
	[tilespmem:$0x1FFF0] =	vst v63;
	v4 =	vand.u32 $0xF, v8;
	v5 =	vand.u32 $0xF, v6;
	v6 =	vcombine.low v7, v9  }
.LBB2_1:
0x18: {  	[smem:$0x7F2] =	sst s2  }
0x19: {  	s1 =	simm.s32 $0x0;
	s0 =	rddreg [dreg:$0x1c];
	s19 =	simm.s32 $0xA  }
0x1a: {  	[tilespmem:s1], [sflag:$0xA] =	stream.linear.gather [hbm4b:s0+s1], $0x1000, $0x38;
	[tilespmem:$0x17E00] =	vst v63  }
0x1b: {  	_ =	swait.ge [sflag:s19], $0x1000  }
0x1c: {  	[sflag:s19] =	ssyncset.done $0x0  }
0x1d: {  	s21 =	sld [smem:$0x7F4];
	[sflag:s19] =	ssyncadd.s32 $0xFFFFF000  }
0x1e: {  	s3 =	simm.s32 $0x17800;
	s20 =	rddreg [dreg:$0x2]  }
0x1f: {  	[tilespmem:s3], [sflag:$0xA] =	stream.linear.gather [hbm4b:s20+s1], $0x80, $0x38;
	[tilespmem:$0x17E00] =	vst v63  }
0x20: {  	s22 =	simm.s32 $0x17900;
	s23 =	sld [smem:$0x7F5]  }
0x21: {  	[tilespmem:s22], [sflag:$0xA] =	stream.linear.gather [hbm4b:s21+s1], $0x80, $0x38;
	[tilespmem:$0x17E00] =	vst v63  }
0x22: {  	s24 =	simm.s32 $0x17A00;
	s25 =	sld [smem:$0x7F6]  }
0x23: {  	[tilespmem:s24], [sflag:$0xA] =	stream.linear.gather [hbm4b:s23+s1], $0x80, $0x38;
	[tilespmem:$0x17E00] =	vst v63  }
0x24: {  	s26 =	simm.s32 $0x17B00;
	s28 =	sld [smem:$0x7F7]  }
0x25: {  	[tilespmem:s26], [sflag:$0xA] =	stream.linear.gather [hbm4b:s25+s1], $0x80, $0x38;
	[tilespmem:$0x17E00] =	vst v63  }
0x26: {  	s29 =	simm.s32 $0x17C00;
	s30 =	sld [smem:$0x7F8]  }
0x27: {  	[tilespmem:s29], [sflag:$0xA] =	stream.linear.gather [hbm4b:s28+s1], $0x80, $0x38;
	[tilespmem:$0x17E00] =	vst v63  }
0x28: {  	s31 =	simm.s32 $0x17D00  }
0x29: {  	[tilespmem:s31], [sflag:$0xA] =	stream.linear.gather [hbm4b:s30+s1], $0x80, $0x38;
	[tilespmem:$0x17E00] =	vst v63  }
0x2a: {  	_ =	swait.ge [sflag:s19], $0x300  }
0x2b: {  	[sflag:s19] =	ssyncset.done $0x0  }
0x2c: {  	s5 =	sld [smem:$0x7F9];
	[sflag:s19] =	ssyncadd.s32 $0xFFFFFD00  }
0x2d: {  	s4 =	simm.s32 $0x17880;
	s3 =	rddreg [dreg:$0x3]  }
0x2e: {  	[tilespmem:s4], [sflag:$0xA] =	stream.linear.gather [hbm4b:s3+s1], $0x80, $0x38;
	[tilespmem:$0x17E00] =	vst v63  }
0x2f: {  	s6 =	simm.s32 $0x17980;
	s7 =	sld [smem:$0x7FA]  }
0x30: {  	[tilespmem:s6], [sflag:$0xA] =	stream.linear.gather [hbm4b:s5+s1], $0x80, $0x38;
	[tilespmem:$0x17E00] =	vst v63  }
0x31: {  	s8 =	simm.s32 $0x17A80;
	s9 =	sld [smem:$0x7FB]  }
0x32: {  	[tilespmem:s8], [sflag:$0xA] =	stream.linear.gather [hbm4b:s7+s1], $0x80, $0x38;
	[tilespmem:$0x17E00] =	vst v63  }
0x33: {  	s10 =	simm.s32 $0x17B80;
	s11 =	sld [smem:$0x7FD]  }
0x34: {  	[tilespmem:s10], [sflag:$0xA] =	stream.linear.gather [hbm4b:s9+s1], $0x80, $0x38;
	[tilespmem:$0x17E00] =	vst v63  }
0x35: {  	s12 =	simm.s32 $0x17C80;
	s13 =	sld [smem:$0x7FC]  }
0x36: {  	[tilespmem:s12], [sflag:$0xA] =	stream.linear.gather [hbm4b:s11+s1], $0x80, $0x38;
	[tilespmem:$0x17E00] =	vst v63  }
0x37: {  	s14 =	simm.s32 $0x17D80  }
0x38: {  	[tilespmem:s14], [sflag:$0xA] =	stream.linear.gather [hbm4b:s13+s1], $0x80, $0x38;
	[tilespmem:$0x17E00] =	vst v63  }
0x39: {  	_ =	swait.ge [sflag:s19], $0x300  }
0x3a: {  	[sflag:s19] =	ssyncset.done $0x0  }
0x3b: {  	[sflag:s19] =	ssyncadd.s32 $0xFFFFFD00  }
0x3c: {  	v7 =	vld [tilespmem:$0x0];
	_ =	sdelay $0x3  }
0x3d: {  	v0 =	vld [tilespmem:$0x1FFC0]  }
0x3e: {  	v8 =	vshrl.u32 v7, $0x3  }
0x3f: {  	v1 =	vld [tilespmem:$0x1FFD0];
	v8 =	vmul.u32 $0x30, v8  }
0x40: {  	v7 =	vand.u32 $0x7, v7  }
0x41: {  	v7 =	vor.u32 v7, v8  }
0x42: {  	v8 =	vperm.xlane v7, v0  }
0x43: {  	v2 =	vld [tilespmem:$0x1FFE0]  }
0x44: {  	v8 =	vadd.s32 v1, v8;
	_ =	sdelay $0x3  }
0x45: {  	s16 =	simm.s32 $0x5800;
	s15 =	rddreg [dreg:$0x1];
	v7 =	vperm.xlane v7, v2  }
0x46: {  	[tilespmem:s16], [sflag:$0x1] =	stream.indirect_vreg.gather [hbm4b:s15+s1], $0x80, v8, vm0, $0xb8;
	[tilespmem:$0x17E00] =	vst v63  }
0x47: {  	s18 =	simm.s32 $0x6000;
	s17 =	rddreg [dreg:$0x1d];
	v7 =	vadd.s32 v1, v7  }
0x48: {  	[tilespmem:s18], [sflag:$0x1] =	stream.indirect_vreg.gather [hbm4b:s17+s1], $0x80, v8, vm0, $0xb8;
	[tilespmem:$0x17E00] =	vst v63  }
0x49: {  	s4 =	simm.s32 $0x6800;
	s19 =	rddreg [dreg:$0x1e]  }
0x4a: {  	[tilespmem:s4], [sflag:$0x1] =	stream.indirect_vreg.gather [hbm4b:s19+s1], $0x80, v8, vm0, $0xb8;
	[tilespmem:$0x17E00] =	vst v63  }
0x4b: {  	s20 =	simm.s32 $0x7000  }
0x4c: {  	[tilespmem:s20], [sflag:$0x1] =	stream.indirect_vreg.gather [hbm4b:s15+s1], $0x80, v7, vm0, $0xb8;
	[tilespmem:$0x17E00] =	vst v63  }
0x4d: {  	s21 =	simm.s32 $0x7800  }
0x4e: {  	[tilespmem:s21], [sflag:$0x1] =	stream.indirect_vreg.gather [hbm4b:s17+s1], $0x80, v7, vm0, $0xb8;
	[tilespmem:$0x17E00] =	vst v63  }
0x4f: {  	s22 =	simm.s32 $0x8000  }
0x50: {  	[tilespmem:s22], [sflag:$0x1] =	stream.indirect_vreg.gather [hbm4b:s19+s1], $0x80, v7, vm0, $0xb8;
	[tilespmem:$0x17E00] =	vst v63  }
0x51: {  	v7 =	vld [tilespmem:$0x10];
	_ =	sdelay $0x4  }
0x52: {  	v8 =	vshrl.u32 v7, $0x3  }
0x53: {  	v8 =	vmul.u32 $0x30, v8  }
0x54: {  	v7 =	vand.u32 $0x7, v7  }
0x55: {  	v7 =	vor.u32 v7, v8  }
0x56: {  	v8 =	vperm.xlane v7, v0;
	_ =	sdelay $0x1  }
0x57: {  	v8 =	vadd.s32 v1, v8;
	_ =	sdelay $0x3  }
0x58: {  	s23 =	simm.s32 $0x8800;
	v7 =	vperm.xlane v7, v2  }
0x59: {  	[tilespmem:s23], [sflag:$0x1] =	stream.indirect_vreg.gather [hbm4b:s15+s1], $0x80, v8, vm0, $0xb8;
	[tilespmem:$0x17E00] =	vst v63  }
0x5a: {  	s24 =	simm.s32 $0x9000;
	v7 =	vadd.s32 v1, v7  }
0x5b: {  	[tilespmem:s24], [sflag:$0x1] =	stream.indirect_vreg.gather [hbm4b:s17+s1], $0x80, v8, vm0, $0xb8;
	[tilespmem:$0x17E00] =	vst v63  }
0x5c: {  	s25 =	simm.s32 $0x9800  }
0x5d: {  	[tilespmem:s25], [sflag:$0x1] =	stream.indirect_vreg.gather [hbm4b:s19+s1], $0x80, v8, vm0, $0xb8;
	[tilespmem:$0x17E00] =	vst v63  }
0x5e: {  	s26 =	simm.s32 $0xA000  }
0x5f: {  	[tilespmem:s26], [sflag:$0x1] =	stream.indirect_vreg.gather [hbm4b:s15+s1], $0x80, v7, vm0, $0xb8;
	[tilespmem:$0x17E00] =	vst v63  }
0x60: {  	s28 =	simm.s32 $0xA800  }
0x61: {  	[tilespmem:s28], [sflag:$0x1] =	stream.indirect_vreg.gather [hbm4b:s17+s1], $0x80, v7, vm0, $0xb8;
	[tilespmem:$0x17E00] =	vst v63  }
0x62: {  	s29 =	simm.s32 $0xB000  }
0x63: {  	[tilespmem:s29], [sflag:$0x1] =	stream.indirect_vreg.gather [hbm4b:s19+s1], $0x80, v7, vm0, $0xb8;
	[tilespmem:$0x17E00] =	vst v63  }
0x64: {  	s31 =	simm.s32 $0x1000;
	s11 =	simm.s32 $0x0;
	s30 =	rddreg [dreg:$0x1f]  }
0x65: {  	[tilespmem:s31], [sflag:$0x4] =	stream.linear.gather [hbm4b:s30+s1], $0x1800, $0x38;
	[tilespmem:$0x17E00] =	vst v63  }
.LBB2_2:
0x66: {  	p0 =	seq.s32 s11, $0x1F  }
.Ltmp0:
0x67: {  	_ = 	snop;
	(pc) =	sbr.rel @p0 .LBB2_4-.Ltmp0, $2  }
0x68: {  	_ =	sdelay $0x2  }
0x69: {  	s0 =	smul.u32 $0xAB, s11;
	s10 =	sadd.s32 $0x1, s11  }
0x6a: {  	_ = 	snop  }
0x6b: {  	s1 =	sadd.s32 $0xAB, s0  }
0x6c: {  	s1 =	sshrl.u32 s1, $0x9  }
0x6d: {  	s1 =	sand.u32 $0x7F, s1  }
0x6e: {  	s1 =	smul.u32 $0x3, s1;
	_ =	sdelay $0x1  }
0x6f: {  	s1 =	ssub.s32 s10, s1  }
0x70: {  	p0 =	slt.u32 s11, $0x2;
	s1 =	sand.u32 $0xFF, s1  }
0x71: {  	s2 =	sadd.s32 @!p0 $0x7, s1  }
0x72: {  	_ =	swait.ge @!p0 [sflag:s2], $0x1800  }
0x73: {  	[sflag:s2] =	ssyncset.done @!p0 $0x0  }
0x74: {  	[sflag:s2] =	ssyncadd.s32 @!p0 $0xFFFFE800  }
0x75: {  	_ =	swait.ge @!p0 [sflag:s2], $0x1800  }
0x76: {  	[sflag:s2] =	ssyncset.done @!p0 $0x0  }
0x77: {  	[sflag:s2] =	ssyncadd.s32 @!p0 $0xFFFFE800  }
0x78: {  	_ =	swait.ge @!p0 [sflag:s2], $0x1800  }
0x79: {  	[sflag:s2] =	ssyncset.done @!p0 $0x0  }
0x7a: {  	[sflag:s2] =	ssyncadd.s32 @!p0 $0xFFFFE800  }
0x7b: {  	_ =	swait.ge @!p0 [sflag:s2], $0x1800  }
0x7c: {  	s3 =	sshll.u32 s10, $0x7;
	[sflag:s2] =	ssyncset.done @!p0 $0x0  }
0x7d: {  	s15 =	sand.u32 $0x3FFFFF80, s3;
	[sflag:s2] =	ssyncadd.s32 @!p0 $0xFFFFE800  }
0x7e: {  	v7 =	vld [tilespmem:s15+$0x0];
	_ =	sdelay $0x3  }
0x7f: {  	v0 =	vld [tilespmem:$0x1FFC0]  }
0x80: {  	v8 =	vshrl.u32 v7, $0x3  }
0x81: {  	v1 =	vld [tilespmem:$0x1FFD0];
	v8 =	vmul.u32 $0x30, v8  }
0x82: {  	v7 =	vand.u32 $0x7, v7  }
0x83: {  	v7 =	vor.u32 v7, v8  }
0x84: {  	v8 =	vperm.xlane v7, v0  }
0x85: {  	v2 =	vld [tilespmem:$0x1FFE0]  }
0x86: {  	v8 =	vadd.s32 v1, v8  }
0x87: {  	s16 =	smul.u32 $0x18000, s1;
	_ =	sdelay $0x1  }
0x88: {  	s7 =	simm.s32 $0x0;
	s3 =	sshrl.u32 s16, $0x2  }
0x89: {  	s5 =	sadd.s32 $0x1, s1;
	s4 =	sadd.s32 $0x5800, s3;
	s6 =	rddreg [dreg:$0x1];
	v7 =	vperm.xlane v7, v2  }
0x8a: {  	[tilespmem:s4], [sflag:s5] =	stream.indirect_vreg.gather [hbm4b:s6+s7], $0x80, v8, vm0, $0xb8;
	[tilespmem:$0x17E00] =	vst v63  }
0x8b: {  	s17 =	sadd.s32 $0x6000, s3;
	s8 =	rddreg [dreg:$0x1d];
	v7 =	vadd.s32 v1, v7  }
0x8c: {  	[tilespmem:s17], [sflag:s5] =	stream.indirect_vreg.gather [hbm4b:s8+s7], $0x80, v8, vm0, $0xb8;
	[tilespmem:$0x17E00] =	vst v63  }
0x8d: {  	s18 =	sadd.s32 $0x6800, s3;
	s9 =	rddreg [dreg:$0x1e]  }
0x8e: {  	[tilespmem:s18], [sflag:s5] =	stream.indirect_vreg.gather [hbm4b:s9+s7], $0x80, v8, vm0, $0xb8;
	[tilespmem:$0x17E00] =	vst v63  }
0x8f: {  	s19 =	sadd.s32 $0x7000, s3  }
0x90: {  	[tilespmem:s19], [sflag:s5] =	stream.indirect_vreg.gather [hbm4b:s6+s7], $0x80, v7, vm0, $0xb8;
	[tilespmem:$0x17E00] =	vst v63  }
0x91: {  	s20 =	sadd.s32 $0x7800, s3  }
0x92: {  	[tilespmem:s20], [sflag:s5] =	stream.indirect_vreg.gather [hbm4b:s8+s7], $0x80, v7, vm0, $0xb8;
	[tilespmem:$0x17E00] =	vst v63  }
0x93: {  	s21 =	sadd.s32 $0x8000, s3  }
0x94: {  	[tilespmem:s21], [sflag:s5] =	stream.indirect_vreg.gather [hbm4b:s9+s7], $0x80, v7, vm0, $0xb8;
	[tilespmem:$0x17E00] =	vst v63  }
0x95: {  	v7 =	vld [tilespmem:s15+$0x10];
	_ =	sdelay $0x4  }
0x96: {  	v8 =	vshrl.u32 v7, $0x3  }
0x97: {  	v8 =	vmul.u32 $0x30, v8  }
0x98: {  	v7 =	vand.u32 $0x7, v7  }
0x99: {  	v7 =	vor.u32 v7, v8  }
0x9a: {  	v8 =	vperm.xlane v7, v0;
	_ =	sdelay $0x1  }
0x9b: {  	v8 =	vadd.s32 v1, v8;
	_ =	sdelay $0x3  }
0x9c: {  	s22 =	sadd.s32 $0x8800, s3;
	v7 =	vperm.xlane v7, v2  }
0x9d: {  	[tilespmem:s22], [sflag:s5] =	stream.indirect_vreg.gather [hbm4b:s6+s7], $0x80, v8, vm0, $0xb8;
	[tilespmem:$0x17E00] =	vst v63  }
0x9e: {  	s23 =	sadd.s32 $0x9000, s3;
	v7 =	vadd.s32 v1, v7  }
0x9f: {  	[tilespmem:s23], [sflag:s5] =	stream.indirect_vreg.gather [hbm4b:s8+s7], $0x80, v8, vm0, $0xb8;
	[tilespmem:$0x17E00] =	vst v63  }
0xa0: {  	s24 =	sadd.s32 $0x9800, s3  }
0xa1: {  	[tilespmem:s24], [sflag:s5] =	stream.indirect_vreg.gather [hbm4b:s9+s7], $0x80, v8, vm0, $0xb8;
	[tilespmem:$0x17E00] =	vst v63  }
0xa2: {  	s30 =	smul.u32 $0x6000, s1;
	s25 =	sadd.s32 $0xA000, s3;
	s29 =	rddreg [dreg:$0x1b]  }
0xa3: {  	[tilespmem:s25], [sflag:s5] =	stream.indirect_vreg.gather [hbm4b:s6+s7], $0x80, v7, vm0, $0xb8;
	[tilespmem:$0x17E00] =	vst v63  }
0xa4: {  	s26 =	sadd.s32 $0xA800, s3;
	s28 =	sadd.s32 $0xB000, s3;
	s2 =	sadd.s32 s29, s10  }
0xa5: {  	[tilespmem:s26], [sflag:s5] =	stream.indirect_vreg.gather [hbm4b:s8+s7], $0x80, v7, vm0, $0xb8;
	[tilespmem:$0x17E00] =	vst v63  }
0xa6: {  	s3 =	sshrl.u32 s30, $0x2;
	s31 =	rddreg [dreg:$0x1a];
	s2 =	smul.u32 $0x300, s2  }
0xa7: {  	[tilespmem:s28], [sflag:s5] =	stream.indirect_vreg.gather [hbm4b:s9+s7], $0x80, v7, vm0, $0xb8;
	[tilespmem:$0x17E00] =	vst v63  }
0xa8: {  	s1 =	sadd.s32 $0x4, s1;
	s3 =	sadd.s32 $0x1000, s3;
	s2 =	sadd.s32 s31, s2  }
0xa9: {  	[tilespmem:s3], [sflag:s1] =	stream.linear.gather [hbm4b:s2+s7], $0x1800, $0x38;
	[tilespmem:$0x17E00] =	vst v63  }
.LBB2_4:
0xaa: {  	_ = 	snop  }
0xab: {  	s0 =	sshrl.u32 s0, $0x9  }
0xac: {  	s0 =	sand.u32 $0x7F, s0  }
0xad: {  	s0 =	smul.u32 $0x3, s0;
	_ =	sdelay $0x1  }
0xae: {  	s0 =	ssub.s32 s11, s0  }
0xaf: {  	[smem:$0x7EB] =	sst s10;
	s2 =	sand.u32 $0xFF, s0  }
0xb0: {  	[smem:$0x7EC] =	sst s11;
	s0 =	sadd.s32 $0x1, s2  }
0xb1: {  	_ =	swait.ge [sflag:s0], $0x6000  }
0xb2: {  	s1 =	smul.u32 $0x6000, s2;
	[sflag:s0] =	ssyncset.done $0x0  }
0xb3: {  	s26 =	sadd.s32 $0x4, s2;
	[smem:$0x7ED] =	sst s2;
	[sflag:s0] =	ssyncadd.s32 $0xFFFFA000  }
0xb4: {  	s29 =	sadd.s32 $0x7000, s1;
	_ =	swait.ge [sflag:s26], $0x1800  }
0xb5: {  	s3 =	sadd.s32 $0x5800, s1;
	s30 =	sadd.s32 $0x8800, s1;
	[smem:$0x7EE] =	sst s29  }
0xb6: {  	s28 =	sshrl.u32 s1, $0x2;
	s31 =	sadd.s32 $0xA000, s1;
	v8 =	vmov s3;
	[smem:$0x7EF] =	sst s30  }
0xb7: {  	s2 =	sadd.s32 $0x1000, s28;
	[sflag:s26] =	ssyncset.done $0x0;
	[smem:$0x7F0] =	sst s31  }
0xb8: {  	s1 =	simm.s32 $0x0;
	v7 =	vmov s2;
	[smem:$0x7F1] =	sst s3;
	[sflag:s26] =	ssyncadd.s32 $0xFFFFE800  }
.LBB2_5:
0xb9: {  	s17 =	sld [smem:$0x7EE]  }
0xba: {  	s0 =	sshll.u32 s1, $0x9;
	s16 =	simm.s32 $0x0;
	s20 =	sld [smem:$0x7EF]  }
0xbb: {  	s10 =	sshll.u32 s1, $0x7;
	s21 =	sld [smem:$0x7F0];
	s3 =	sand.u32 $0x1C00, s16  }
0xbc: {  	s7 =	sshrl.u32 s0, $0x2;
	s4 =	sand.u32 $0x70, s16;
	s18 =	sadd.s32 s10, s3  }
0xbd: {  	s2 =	sadd.s32 s7, s17;
	s5 =	sor.u32 s4, s18  }
0xbe: {  	[smem:$0x7E9] =	sst s1;
	s1 =	sadd.s32 s7, s20;
	s19 =	sadd.s32 s3, s2;
	v9 =	vld.idx.msk [tilespmem:v8+s5+$0x0 ss:$0x1], $0xffff  }
0xbf: {  	s0 =	sadd.s32 s7, s21;
	s22 =	sadd.s32 s3, s1;
	v11 =	vld.idx.msk [tilespmem:v7+s5+$0x0 ss:$0x1], $0xffff;
	s6 =	sadd.s32 s4, s19  }
0xc0: {  	s3 =	sadd.s32 s3, s0;
	s23 =	sadd.s32 s4, s22;
	v10 =	vld [tilespmem:s6+$0x0]  }
0xc1: {  	s3 =	sadd.s32 s4, s3;
	v12 =	vld [tilespmem:s23+$0x0]  }
0xc2: {  	s24 =	simm.s32 $0x80;
	v13 =	vld [tilespmem:s3+$0x0]  }
0xc3: {  	s25 =	simm.s32 $0x10;
	s3 =	sand.u32 $0x1C00, s24  }
0xc4: {  	s4 =	sand.u32 $0x70, s25;
	s26 =	sadd.s32 s10, s3  }
0xc5: {  	v22 =	vimm.f32 $0.0e+00;
	v18 =	vimm.f32 $0.0e+00;
	s28 =	sadd.s32 s3, s2;
	s5 =	sor.u32 s4, s26;
	v9 =	vmul.f32 $2.771281240e+01, v9  }
0xc6: {  	v20 =	vimm.f32 $0.0e+00;
	s29 =	sadd.s32 s3, s1;
	s3 =	sadd.s32 s3, s0;
	s6 =	sadd.s32 s4, s28;
	v23 =	vld.idx.msk [tilespmem:v8+s5+$0x0 ss:$0x1], $0xffff;
	v10 =	vmul.f32 $2.771281240e+01, v10;
	v12 =	vmul.f32 $2.771281240e+01, v12  }
0xc7: {  	v15 =	vimm.f32 $0.0e+00;
	s31 =	sadd.s32 s4, s3;
	v21 =	vld [tilespmem:s6+$0x0];
	v9 =	vadd.f32 v9, v11;
	v13 =	vmul.f32 $2.771281240e+01, v13  }
0xc8: {  	v16 =	vimm.f32 $0.0e+00;
	v14 =	vld [tilespmem:s31+$0x0];
	v19 =	vadd.f32 v10, v11;
	v17 =	vadd.f32 v12, v11  }
0xc9: {  	[smem:$0x7EA] =	sst s7;
	s30 =	sadd.s32 s4, s29;
	s4 =	simm.s32 $0x100;
	v26 =	vmul.f32 v9, v9;
	v10 =	vld.idx.msk [tilespmem:v7+s5+$0x0 ss:$0x1], $0xffff;
	v24 =	vadd.f32 v9, v22;
	v13 =	vadd.f32 v13, v11  }
0xca: {  	s6 =	simm.s32 $0x20;
	s3 =	sand.u32 $0x1C00, s4;
	v9 =	vld [tilespmem:s30+$0x0];
	s5 =	simm.s32 $0x30;
	v11 =	vimm.f32 $0.0e+00;
	v12 =	vimm.f32 $0.0e+00;
	v25 =	vmul.f32 v19, v19  }
.LBB2_6:
0xcb: {  	p0 =	sne.s32 s5, $0x2F0  }
0xcc: {  	s6 =	sand.u32 $0x70, s6;
	s7 =	sadd.s32 s10, s3;
	v22 =	vadd.f32 v26, v22;
	v18 =	vadd.f32 v25, v18;
	v25 =	vmul.f32 v17, v17;
	s8 =	sadd.s32 s3, s2  }
0xcd: {  	s9 =	sadd.s32 s3, s1;
	v26 =	vmul.f32 $2.771281240e+01, v23;
	v20 =	vadd.f32 v19, v20;
	s3 =	sadd.s32 s3, s0;
	s7 =	sor.u32 s6, s7;
	v27 =	vmul.f32 $2.771281240e+01, v21  }
.Ltmp1:
0xce: {  	v15 =	vadd.f32 v17, v15;
	s8 =	sadd.s32 s6, s8;
	s9 =	sadd.s32 s6, s9;
	v17 =	vmul.f32 v13, v13;
	v23 =	vld.idx.msk [tilespmem:v8+s7+$0x0 ss:$0x1], $0xffff;
	v16 =	vadd.f32 v25, v16;
	(pc) =	sbr.rel @p0 .LBB2_6-.Ltmp1, $4  }
0xcf: {  	v28 =	vadd.f32 v26, v10;
	v29 =	vmovc v10;
	v21 =	vld [tilespmem:s8+$0x0];
	s8 =	sadd.s32 s6, s3;
	v19 =	vadd.f32 v27, v10;
	v27 =	vmul.f32 $2.771281240e+01, v9;
	s6 =	smov.u32 s5  }
0xd0: {  	v11 =	vadd.f32 v13, v11;
	v12 =	vadd.f32 v17, v12;
	v10 =	vld.idx.msk [tilespmem:v7+s7+$0x0 ss:$0x1], $0xffff;
	v30 =	vmul.f32 $2.771281240e+01, v14  }
0xd1: {  	s4 =	sadd.s32 $0x80, s4;
	v26 =	vmul.f32 v28, v28;
	v9 =	vld [tilespmem:s9+$0x0];
	v25 =	vmul.f32 v19, v19;
	v17 =	vadd.f32 v27, v29  }
0xd2: {  	s3 =	sand.u32 $0x1C00, s4;
	s5 =	sadd.s32 $0x10, s5;
	v24 =	vadd.f32 v28, v24;
	v14 =	vld [tilespmem:s8+$0x0];
	v13 =	vadd.f32 v30, v29  }
0xd3: {  	_ =	sdelay $0x1  }
0xd4: {  	s4 =	sand.u32 $0x70, s6;
	s5 =	sadd.s32 s10, s3  }
0xd5: {  	s5 =	sor.u32 s4, s5  }
0xd6: {  	v27 =	vld.idx.msk [tilespmem:v8+s5+$0x0 ss:$0x1], $0xffff;
	_ =	sdelay $0x1  }
0xd7: {  	v28 =	vld.idx.msk [tilespmem:v7+s5+$0x0 ss:$0x1], $0xffff  }
0xd8: {  	v23 =	vmul.f32 $2.771281240e+01, v23;
	_ =	sdelay $0x1  }
0xd9: {  	v23 =	vadd.f32 v23, v10;
	v27 =	vmul.f32 $2.771281240e+01, v27  }
0xda: {  	v22 =	vadd.f32 v26, v22;
	v0 =	vld [tilespmem:$0x1FFF0]  }
0xdb: {  	v26 =	vmul.f32 v23, v23;
	v23 =	vadd.f32 v23, v24;
	v24 =	vadd.f32 v27, v28;
	_ =	sdelay $0x1  }
0xdc: {  	s2 =	sadd.s32 s3, s2;
	v22 =	vadd.f32 v26, v22;
	v26 =	vmul.f32 v24, v24;
	v23 =	vadd.f32 v24, v23  }
0xdd: {  	s2 =	sadd.s32 s4, s2  }
0xde: {  	v24 =	vld [tilespmem:s2+$0x0];
	v22 =	vadd.f32 v26, v22;
	v26 =	vperm.xlane v23, v0;
	_ =	sdelay $0x1  }
0xdf: {  	v23 =	vadd.f32 v26, v23;
	v26 =	vperm.xlane v22, v0  }
0xe0: {  	v21 =	vmul.f32 $2.771281240e+01, v21  }
0xe1: {  	v22 =	vadd.f32 v26, v22;
	v26 =	vperm.xlane v23, v4  }
0xe2: {  	v19 =	vadd.f32 v19, v20;
	v20 =	vadd.f32 v21, v10;
	v21 =	vmul.f32 $2.771281240e+01, v24  }
0xe3: {  	v18 =	vadd.f32 v25, v18;
	v23 =	vadd.f32 v26, v23;
	v24 =	vperm.xlane v22, v4  }
0xe4: {  	v25 =	vmul.f32 v20, v20;
	v19 =	vadd.f32 v20, v19;
	v20 =	vadd.f32 v21, v28  }
0xe5: {  	v21 =	vadd.f32 v24, v22;
	v22 =	vperm.xlane v23, v5  }
0xe6: {  	s1 =	sadd.s32 s3, s1;
	v18 =	vadd.f32 v25, v18;
	v19 =	vadd.f32 v20, v19;
	v24 =	vmul.f32 v20, v20  }
0xe7: {  	v15 =	vadd.f32 v17, v15;
	s1 =	sadd.s32 s4, s1;
	v20 =	vadd.f32 v22, v23;
	v22 =	vperm.xlane v21, v5  }
0xe8: {  	v18 =	vadd.f32 v24, v18;
	v23 =	vperm.xlane v19, v0;
	v24 =	vmul.f32 v17, v17;
	v17 =	vld [tilespmem:s1+$0x0]  }
0xe9: {  	v21 =	vadd.f32 v22, v21;
	v22 =	vperm.xlane v20, v6  }
0xea: {  	v14 =	vmul.f32 $2.771281240e+01, v14;
	v19 =	vadd.f32 v23, v19;
	v23 =	vperm.xlane v18, v0  }
0xeb: {  	v16 =	vadd.f32 v24, v16;
	v20 =	vadd.f32 v22, v20;
	v22 =	vperm.xlane v21, v6  }
0xec: {  	v24 =	vmul.f32 $2.771281240e+01, v9;
	v18 =	vadd.f32 v23, v18;
	v23 =	vperm.xlane v19, v4  }
0xed: {  	v17 =	vmul.f32 $2.771281240e+01, v17;
	v21 =	vadd.f32 v22, v21;
	v9 =	vmul.f32 $1.302083370e-03, v20  }
0xee: {  	v20 =	vmul.f32 v13, v13;
	v19 =	vadd.f32 v23, v19;
	v23 =	vadd.f32 v24, v10  }
0xef: {  	v22 =	vperm.xlane v18, v4;
	v13 =	vadd.f32 v13, v11;
	v10 =	vadd.f32 v14, v10  }
0xf0: {  	v17 =	vadd.f32 v17, v28;
	v21 =	vmul.f32 $1.302083370e-03, v21;
	v24 =	vmul.f32 v9, v9  }
0xf1: {  	v18 =	vadd.f32 v22, v18;
	v22 =	vperm.xlane v19, v5;
	v25 =	vmul.f32 v23, v23  }
0xf2: {  	v15 =	vadd.f32 v23, v15;
	v23 =	vmul.f32 v17, v17;
	v21 =	vsub.f32 v21, v24  }
0xf3: {  	v19 =	vadd.f32 v22, v19;
	v22 =	vperm.xlane v18, v5;
	v16 =	vadd.f32 v25, v16  }
0xf4: {  	v15 =	vadd.f32 v17, v15;
	v21 =	vadd.f32 $9.999999740e-06, v21  }
0xf5: {  	v18 =	vadd.f32 v22, v18;
	v22 =	vperm.xlane v19, v6;
	v16 =	vadd.f32 v23, v16  }
0xf6: {  	v25 =	vperm.xlane v15, v0;
	v17 =	vshrl.u32 v21, $0x1;
	v21 =	vmul.f32 $5.000000000e-01, v21  }
0xf7: {  	s0 =	sadd.s32 s3, s0;
	v19 =	vadd.f32 v22, v19;
	v22 =	vperm.xlane v18, v6;
	v17 =	vsub.s32 $0x5F3759DF, v17  }
0xf8: {  	[dreg:$0xc] =	wrdreg s10;
	s0 =	sadd.s32 s4, s0;
	v14 =	vperm.xlane v16, v0;
	v15 =	vadd.f32 v25, v15;
	v23 =	vmul.f32 v17, v21  }
0xf9: {  	s7 =	sld [smem:$0x7F0];
	v24 =	vld [tilespmem:s0+$0x0];
	v18 =	vadd.f32 v22, v18;
	v11 =	vmul.f32 $1.302083370e-03, v19;
	v22 =	vmul.f32 v10, v10  }
0xfa: {  	s4 =	sld [smem:$0x7EE];
	v10 =	vadd.f32 v10, v13;
	v13 =	vperm.xlane v15, v4;
	v19 =	vmul.f32 v17, v23  }
0xfb: {  	s6 =	simm.s32 $0x0;
	s5 =	sld [smem:$0x7EF];
	v12 =	vadd.f32 v20, v12;
	v18 =	vmul.f32 $1.302083370e-03, v18;
	v20 =	vmul.f32 v11, v11  }
0xfc: {  	s21 =	sand.u32 $0x40, s6;
	s8 =	rddreg [dreg:$0xc];
	v14 =	vadd.f32 v14, v16;
	v13 =	vadd.f32 v13, v15  }
0xfd: {  	s16 =	sand.u32 $0x7FFFFC00, s6;
	s9 =	rddreg [dreg:$0xc];
	s0 =	sadd.s32 s10, s4;
	v19 =	vsub.f32 $1.500000000e+00, v19;
	v16 =	vsub.f32 v18, v20  }
0xfe: {  	s23 =	sor.u32 $0x20, s21;
	[dreg:$0x6] =	wrdreg s0;
	s0 =	sadd.s32 s10, s5;
	v23 =	vmul.f32 $2.771281240e+01, v24;
	v12 =	vadd.f32 v22, v12;
	v18 =	vperm.xlane v14, v4  }
0xff: {  	s10 =	sor.u32 s9, s16;
	[dreg:$0x7] =	wrdreg s0;
	s0 =	sadd.s32 s8, s7;
	v20 =	vperm.xlane v13, v5;
	v17 =	vmul.f32 v17, v19;
	v16 =	vadd.f32 $9.999999740e-06, v16  }
0x100: {  	s2 =	sor.u32 s23, s10;
	[dreg:$0x8] =	wrdreg s0;
	v19 =	vadd.f32 v23, v28;
	v14 =	vadd.f32 v18, v14  }
0x101: {  	v25 =	vld.idx.msk [tilespmem:v8+s2+$0x0 ss:$0x1], $0xffff;
	v13 =	vadd.f32 v20, v13;
	v15 =	vmul.f32 v17, v21;
	v18 =	vshrl.u32 v16, $0x1  }
0x102: {  	v16 =	vmul.f32 $5.000000000e-01, v16;
	v10 =	vadd.f32 v19, v10;
	v22 =	vperm.xlane v14, v5  }
0x103: {  	v19 =	vmul.f32 v19, v19;
	v18 =	vsub.s32 $0x5F3759DF, v18;
	v15 =	vmul.f32 v15, v17  }
0x104: {  	v23 =	vmul.f32 v18, v16;
	v20 =	vperm.xlane v10, v0  }
0x105: {  	v19 =	vadd.f32 v19, v12;
	v12 =	vperm.xlane v13, v6;
	v15 =	vsub.f32 $1.500000000e+00, v15  }
0x106: {  	s7 =	sor.u32 $0x30, s21;
	v25 =	vmul.f32 $2.771281240e+01, v25;
	v14 =	vadd.f32 v22, v14;
	v22 =	vmul.f32 v18, v23  }
0x107: {  	s1 =	sor.u32 s7, s10;
	v10 =	vadd.f32 v20, v10;
	v12 =	vadd.f32 v12, v13;
	v15 =	vmul.f32 v15, v17  }
0x108: {  	v23 =	vperm.xlane v19, v0;
	v17 =	vperm.xlane v14, v6;
	v20 =	vsub.f32 $1.500000000e+00, v22;
	v22 =	vld.idx.msk [tilespmem:v8+s1+$0x0 ss:$0x1], $0xffff  }
0x109: {  	v12 =	vmul.f32 $1.302083370e-03, v12;
	v13 =	vmul.f32 v15, v21  }
0x10a: {  	v37 =	vld.idx.msk [tilespmem:v7+s1+$0x0 ss:$0x1], $0xffff;
	v21 =	vperm.xlane v10, v4;
	v14 =	vadd.f32 v17, v14;
	v17 =	vmul.f32 v18, v20  }
0x10b: {  	v18 =	vadd.f32 v23, v19;
	v20 =	vmul.f32 v12, v12;
	v13 =	vmul.f32 v13, v15  }
0x10c: {  	s11 =	sshrl.u32 s16, $0x2;
	v19 =	vmul.f32 v17, v16;
	v14 =	vmul.f32 $1.302083370e-03, v14  }
0x10d: {  	s12 =	sadd.s32 $0x17800, s11;
	v10 =	vadd.f32 v21, v10;
	v21 =	vmul.f32 $2.771281240e+01, v22;
	v22 =	vperm.xlane v18, v4  }
0x10e: {  	s13 =	sor.u32 s7, s12;
	v13 =	vsub.f32 $1.500000000e+00, v13;
	v19 =	vmul.f32 v19, v17;
	v14 =	vsub.f32 v14, v20  }
0x10f: {  	v50 =	vld [tilespmem:s13+$0x0];
	v20 =	vadd.f32 v21, v37;
	v18 =	vadd.f32 v22, v18;
	v22 =	vperm.xlane v10, v5  }
0x110: {  	s22 =	sor.u32 $0x10, s21;
	s14 =	sor.u32 s21, s10;
	v49 =	vld [tilespmem:s13+$0x80];
	v19 =	vsub.f32 $1.500000000e+00, v19;
	v21 =	vmul.f32 v13, v15;
	v13 =	vadd.f32 $9.999999740e-06, v14  }
0x111: {  	s15 =	sor.u32 s22, s10;
	v14 =	vld.idx.msk [tilespmem:v8+s14+$0x0 ss:$0x1], $0xffff;
	v15 =	vsub.f32 v20, v9;
	v10 =	vadd.f32 v22, v10;
	v20 =	vperm.xlane v18, v5  }
0x112: {  	v23 =	vmul.f32 v19, v17;
	v17 =	vshrl.u32 v13, $0x1;
	v24 =	vmul.f32 $5.000000000e-01, v13;
	v19 =	vld.idx.msk [tilespmem:v8+s15+$0x0 ss:$0x1], $0xffff  }
0x113: {  	v13 =	vmul.f32 v15, v21;
	v15 =	vadd.f32 v20, v18;
	v22 =	vsub.s32 $0x5F3759DF, v17;
	v17 =	vld.idx.msk [tilespmem:v7+s14+$0x0 ss:$0x1], $0xffff  }
0x114: {  	v26 =	vperm.xlane v10, v6;
	v20 =	vmul.f32 v22, v24  }
0x115: {  	v18 =	vld.idx.msk [tilespmem:v7+s15+$0x0 ss:$0x1], $0xffff;
	v13 =	vmul.f32 v13, v50;
	v27 =	vperm.xlane v15, v6  }
0x116: {  	v10 =	vadd.f32 v26, v10;
	v14 =	vmul.f32 $2.771281240e+01, v14;
	v28 =	vmul.f32 v22, v20;
	v20 =	vld.idx.msk [tilespmem:v7+s2+$0x0 ss:$0x1], $0xffff  }
0x117: {  	s17 =	rddreg [dreg:$0x6];
	v16 =	vmul.f32 v23, v16;
	v29 =	vadd.f32 v13, v49;
	v15 =	vadd.f32 v27, v15  }
0x118: {  	s9 =	sor.u32 s21, s12;
	s18 =	sadd.s32 s16, s17;
	v27 =	vmul.f32 $2.771281240e+01, v19;
	v10 =	vmul.f32 $1.302083370e-03, v10;
	v14 =	vadd.f32 v14, v17  }
0x119: {  	s8 =	sadd.s32 s7, s18;
	v16 =	vmul.f32 v16, v23;
	v13 =	vld [tilespmem:s9+$0x0];
	v26 =	vsub.f32 $1.500000000e+00, v28;
	[tilespmem:v8+s1+$0x0 ss:$0x1] =	vst.idx.msk $0xffff, v29;
	v30 =	vmul.f32 $1.302083370e-03, v15  }
0x11a: {  	s19 =	sor.u32 s22, s12;
	v27 =	vadd.f32 v27, v18;
	v31 =	vmul.f32 v10, v10;
	v28 =	vld [tilespmem:s8+$0x0];
	v32 =	vsub.f32 v14, v9  }
0x11b: {  	v19 =	vld [tilespmem:s19+$0x0];
	v16 =	vsub.f32 $1.500000000e+00, v16;
	v26 =	vmul.f32 v22, v26;
	v25 =	vadd.f32 v25, v20  }
0x11c: {  	s3 =	sor.u32 s23, s12;
	v15 =	vld [tilespmem:s9+$0x80];
	v27 =	vsub.f32 v27, v9;
	v30 =	vsub.f32 v30, v31;
	v31 =	vmul.f32 v32, v21  }
0x11d: {  	v22 =	vld [tilespmem:s3+$0x0];
	v29 =	vmul.f32 v16, v23;
	v23 =	vmul.f32 v26, v24  }
0x11e: {  	v14 =	vld [tilespmem:s19+$0x80];
	v25 =	vsub.f32 v25, v9;
	v27 =	vmul.f32 v27, v21;
	v31 =	vmul.f32 v31, v13  }
0x11f: {  	v16 =	vld [tilespmem:s3+$0x80];
	v30 =	vadd.f32 $9.999999740e-06, v30;
	v23 =	vmul.f32 v23, v26;
	v28 =	vmul.f32 $2.771281240e+01, v28  }
0x120: {  	s20 =	simm.s32 $0x200;
	s25 =	simm.s32 $0x40;
	v25 =	vmul.f32 v25, v21;
	v27 =	vmul.f32 v27, v19  }
0x121: {  	s24 =	sand.u32 $0x40, s25;
	s5 =	sand.u32 $0x7FFFFC00, s20;
	s26 =	rddreg [dreg:$0xc];
	v57 =	vshrl.u32 v30, $0x1;
	v35 =	vmul.f32 $5.000000000e-01, v30;
	v28 =	vadd.f32 v28, v37  }
0x122: {  	s1 =	sor.u32 $0x30, s24;
	s30 =	sor.u32 s26, s5;
	v31 =	vadd.f32 v31, v15;
	v23 =	vsub.f32 $1.500000000e+00, v23;
	v25 =	vmul.f32 v25, v22  }
0x123: {  	s13 =	sor.u32 s1, s30;
	v32 =	vsub.s32 $0x5F3759DF, v57;
	v27 =	vadd.f32 v27, v14;
	v28 =	vsub.f32 v28, v11  }
0x124: {  	s0 =	sadd.s32 s21, s18;
	v30 =	vld.idx.msk [tilespmem:v8+s13+$0x0 ss:$0x1], $0xffff;
	[tilespmem:v8+s14+$0x0 ss:$0x1] =	vst.idx.msk $0xffff, v31;
	v31 =	vmul.f32 v32, v35;
	v25 =	vadd.f32 v25, v16  }
0x125: {  	v23 =	vmul.f32 v23, v26;
	[tilespmem:v8+s15+$0x0 ss:$0x1] =	vst.idx.msk $0xffff, v27;
	v26 =	vld [tilespmem:s0+$0x0];
	v27 =	vmul.f32 v28, v29  }
0x126: {  	s4 =	sadd.s32 s22, s18;
	v51 =	vld.idx.msk [tilespmem:v7+s13+$0x0 ss:$0x1], $0xffff;
	[tilespmem:v8+s2+$0x0 ss:$0x1] =	vst.idx.msk $0xffff, v25;
	v25 =	vmul.f32 v32, v31  }
0x127: {  	s19 =	sshrl.u32 s5, $0x2;
	v24 =	vmul.f32 v23, v24;
	v28 =	vld [tilespmem:s4+$0x0];
	s2 =	sadd.s32 s23, s18;
	v27 =	vmul.f32 v27, v50  }
0x128: {  	s20 =	sor.u32 s24, s30;
	s14 =	sadd.s32 $0x17800, s19;
	v31 =	vld [tilespmem:s2+$0x0];
	v25 =	vsub.f32 $1.500000000e+00, v25  }
0x129: {  	v34 =	vld.idx.msk [tilespmem:v8+s20+$0x0 ss:$0x1], $0xffff;
	s15 =	sor.u32 s1, s14;
	v30 =	vmul.f32 $2.771281240e+01, v30;
	s31 =	rddreg [dreg:$0x7];
	v24 =	vmul.f32 v24, v23;
	v27 =	vadd.f32 v27, v49  }
0x12a: {  	v36 =	vld [tilespmem:s15+$0x0];
	s25 =	sadd.s32 s16, s31;
	v38 =	vmul.f32 v32, v25;
	v25 =	vmul.f32 $2.771281240e+01, v26  }
0x12b: {  	v30 =	vadd.f32 v30, v51;
	s11 =	sadd.s32 s7, s25;
	v32 =	vld [tilespmem:s15+$0x80];
	[tilespmem:s8+$0x0] =	vst v27;
	s8 =	sor.u32 $0x10, s24  }
0x12c: {  	s10 =	sor.u32 $0x20, s24;
	v24 =	vsub.f32 $1.500000000e+00, v24;
	v26 =	vmul.f32 $2.771281240e+01, v28;
	v25 =	vadd.f32 v25, v17;
	v28 =	vld [tilespmem:s11+$0x0];
	s12 =	sor.u32 s8, s30  }
0x12d: {  	s9 =	sor.u32 s10, s30;
	v27 =	vsub.f32 v30, v9;
	v31 =	vmul.f32 $2.771281240e+01, v31;
	v39 =	vld.idx.msk [tilespmem:v8+s12+$0x0 ss:$0x1], $0xffff  }
0x12e: {  	v33 =	vmul.f32 v24, v23;
	v26 =	vadd.f32 v26, v18;
	v23 =	vsub.f32 v25, v11;
	v25 =	vld.idx.msk [tilespmem:v8+s9+$0x0 ss:$0x1], $0xffff  }
0x12f: {  	v30 =	vmul.f32 v38, v35;
	v40 =	vmul.f32 v27, v21;
	v24 =	vadd.f32 v31, v20;
	v27 =	vld.idx.msk [tilespmem:v7+s20+$0x0 ss:$0x1], $0xffff  }
0x130: {  	v34 =	vmul.f32 $2.771281240e+01, v34;
	v31 =	vld.idx.msk [tilespmem:v7+s12+$0x0 ss:$0x1], $0xffff;
	v26 =	vsub.f32 v26, v11  }
0x131: {  	v41 =	vmul.f32 v30, v38;
	v30 =	vld.idx.msk [tilespmem:v7+s9+$0x0 ss:$0x1], $0xffff;
	v40 =	vmul.f32 v40, v36;
	v24 =	vsub.f32 v24, v11  }
0x132: {  	v23 =	vmul.f32 v23, v29;
	v26 =	vmul.f32 v26, v29  }
0x133: {  	s26 =	rddreg [dreg:$0x6];
	v28 =	vmul.f32 $2.771281240e+01, v28;
	v40 =	vadd.f32 v40, v32;
	v42 =	vmul.f32 v24, v29  }
0x134: {  	s17 =	sor.u32 s24, s14;
	s15 =	sadd.s32 s5, s26;
	v39 =	vmul.f32 $2.771281240e+01, v39;
	v25 =	vmul.f32 $2.771281240e+01, v25;
	v34 =	vadd.f32 v34, v27  }
0x135: {  	s30 =	sadd.s32 s1, s15;
	v24 =	vld [tilespmem:s17+$0x0];
	v26 =	vmul.f32 v26, v19;
	v28 =	vadd.f32 v28, v37;
	[tilespmem:v8+s13+$0x0 ss:$0x1] =	vst.idx.msk $0xffff, v40  }
0x136: {  	v43 =	vld [tilespmem:s30+$0x0];
	v39 =	vadd.f32 v39, v31;
	v45 =	vadd.f32 v25, v30  }
0x137: {  	s18 =	sor.u32 s8, s14;
	v23 =	vmul.f32 v23, v13;
	v34 =	vsub.f32 v34, v9;
	v46 =	vadd.f32 v26, v14;
	v26 =	vld [tilespmem:s17+$0x80]  }
0x138: {  	s14 =	sor.u32 s10, s14;
	v58 =	vsub.f32 v28, v12;
	v28 =	vld [tilespmem:s18+$0x0];
	v39 =	vsub.f32 v39, v9  }
0x139: {  	v44 =	vadd.f32 v23, v15;
	v23 =	vld [tilespmem:s14+$0x0];
	v42 =	vmul.f32 v42, v22;
	v47 =	vmul.f32 v34, v21  }
0x13a: {  	v25 =	vld [tilespmem:s18+$0x80];
	v45 =	vsub.f32 v45, v9;
	v40 =	vmul.f32 v58, v33;
	v39 =	vmul.f32 v39, v21  }
0x13b: {  	v41 =	vsub.f32 $1.500000000e+00, v41;
	v34 =	vld [tilespmem:s14+$0x80];
	v60 =	vmul.f32 v47, v24;
	v43 =	vmul.f32 $2.771281240e+01, v43  }
0x13c: {  	[tilespmem:s0+$0x0] =	vst v44;
	v42 =	vadd.f32 v42, v16;
	v59 =	vmul.f32 v45, v21;
	v40 =	vmul.f32 v40, v50  }
0x13d: {  	s0 =	sadd.s32 s21, s25;
	[tilespmem:s4+$0x0] =	vst v46;
	v39 =	vmul.f32 v39, v28;
	v0 =	vadd.f32 v60, v26;
	v61 =	vadd.f32 v43, v51  }
0x13e: {  	s19 =	simm.s32 $0x80;
	s3 =	sadd.s32 s22, s25;
	v38 =	vmul.f32 v41, v38;
	v62 =	vld [tilespmem:s0+$0x0];
	[tilespmem:s2+$0x0] =	vst v42;
	v63 =	vmul.f32 v59, v23;
	v40 =	vadd.f32 v40, v49  }
0x13f: {  	s31 =	sadd.s32 s23, s25;
	s6 =	sadd.s32 s8, s15;
	s18 =	simm.s32 $0x400;
	v1 =	vld [tilespmem:s3+$0x0];
	v39 =	vadd.f32 v39, v25;
	[tilespmem:v8+s20+$0x0 ss:$0x1] =	vst.idx.msk $0xffff, v0;
	v2 =	vsub.f32 v61, v11  }
0x140: {  	v35 =	vmul.f32 v38, v35;
	s18 =	sand.u32 $0x7FFFFC00, s18;
	s17 =	rddreg [dreg:$0x8];
	v48 =	vld [tilespmem:s31+$0x0];
	v43 =	vadd.f32 v63, v34;
	[tilespmem:s11+$0x0] =	vst v40;
	s11 =	sadd.s32 s24, s15  }
0x141: {  	s2 =	sadd.s32 s16, s17;
	s17 =	sand.u32 $0x40, s19;
	s16 =	rddreg [dreg:$0xc];
	v44 =	vld [tilespmem:s11+$0x0];
	[tilespmem:v8+s12+$0x0 ss:$0x1] =	vst.idx.msk $0xffff, v39;
	v52 =	vmul.f32 v2, v29  }
0x142: {  	v35 =	vmul.f32 v35, v38;
	s4 =	sadd.s32 s10, s15;
	s29 =	sor.u32 $0x30, s17;
	[tilespmem:v8+s9+$0x0 ss:$0x1] =	vst.idx.msk $0xffff, v43;
	v53 =	vld [tilespmem:s6+$0x0];
	s9 =	sor.u32 s16, s18  }
0x143: {  	v41 =	vmul.f32 $2.771281240e+01, v62;
	v55 =	vld [tilespmem:s4+$0x0];
	s25 =	sor.u32 s29, s9;
	v39 =	vmul.f32 v52, v36  }
0x144: {  	v35 =	vsub.f32 $1.500000000e+00, v35;
	v45 =	vmul.f32 $2.771281240e+01, v1;
	s12 =	sadd.s32 s7, s2;
	v56 =	vld.idx.msk [tilespmem:v8+s25+$0x0 ss:$0x1], $0xffff  }
0x145: {  	v41 =	vadd.f32 v41, v17;
	v58 =	vmul.f32 $2.771281240e+01, v48;
	v54 =	vld [tilespmem:s12+$0x0];
	s20 =	rddreg [dreg:$0x7];
	v39 =	vadd.f32 v39, v32  }
0x146: {  	v35 =	vmul.f32 v35, v38;
	v57 =	vadd.f32 v45, v18;
	s7 =	sadd.s32 s5, s20;
	v42 =	vld.idx.msk [tilespmem:v7+s25+$0x0 ss:$0x1], $0xffff;
	v44 =	vmul.f32 $2.771281240e+01, v44  }
0x147: {  	v41 =	vsub.f32 v41, v12;
	v45 =	vadd.f32 v58, v20;
	s14 =	sadd.s32 s1, s7;
	v40 =	vmul.f32 $2.771281240e+01, v53;
	[tilespmem:s30+$0x0] =	vst v39  }
0x148: {  	v38 =	vsub.f32 v57, v12;
	s13 =	sor.u32 s17, s9;
	v46 =	vmul.f32 $2.771281240e+01, v55;
	v44 =	vadd.f32 v44, v27;
	v48 =	vld [tilespmem:s14+$0x0]  }
0x149: {  	s26 =	sshrl.u32 s18, $0x2;
	s20 =	sor.u32 $0x10, s17;
	v52 =	vmul.f32 v41, v33;
	v41 =	vld.idx.msk [tilespmem:v7+s13+$0x0 ss:$0x1], $0xffff;
	v40 =	vadd.f32 v40, v31;
	v47 =	vmul.f32 $2.771281240e+01, v56  }
0x14a: {  	s26 =	sadd.s32 $0x17800, s26;
	s15 =	sor.u32 s20, s9;
	v59 =	vmul.f32 $2.771281240e+01, v54;
	v53 =	vld.idx.msk [tilespmem:v8+s13+$0x0 ss:$0x1], $0xffff;
	v61 =	vadd.f32 v46, v30;
	v60 =	vsub.f32 v44, v11  }
0x14b: {  	s19 =	sor.u32 $0x20, s17;
	v54 =	vmul.f32 v38, v33;
	v55 =	vld.idx.msk [tilespmem:v8+s15+$0x0 ss:$0x1], $0xffff;
	s30 =	sor.u32 s29, s26;
	v40 =	vsub.f32 v40, v11;
	v63 =	vadd.f32 v47, v42  }
0x14c: {  	s9 =	sor.u32 s19, s9;
	v43 =	vld [tilespmem:s30+$0x0];
	v37 =	vadd.f32 v59, v37;
	v46 =	vsub.f32 v61, v11;
	v62 =	vmul.f32 v60, v29  }
0x14d: {  	v56 =	vld.idx.msk [tilespmem:v8+s9+$0x0 ss:$0x1], $0xffff;
	v40 =	vmul.f32 v40, v29;
	v39 =	vsub.f32 v63, v9;
	v0 =	vmul.f32 $2.771281240e+01, v48  }
0x14e: {  	s28 =	sor.u32 s17, s26;
	v44 =	vld [tilespmem:s30+$0x80];
	v1 =	vsub.f32 v37, v10;
	v57 =	vmul.f32 v46, v29;
	v38 =	vmul.f32 v62, v24  }
0x14f: {  	v37 =	vld [tilespmem:s28+$0x0];
	v58 =	vmul.f32 v40, v28;
	v59 =	vmul.f32 v39, v21;
	v47 =	vadd.f32 v0, v51  }
0x150: {  	v53 =	vmul.f32 $2.771281240e+01, v53;
	v40 =	vld.idx.msk [tilespmem:v7+s15+$0x0 ss:$0x1], $0xffff;
	v57 =	vmul.f32 v57, v23;
	v38 =	vadd.f32 v38, v26  }
0x151: {  	v39 =	vld.idx.msk [tilespmem:v7+s9+$0x0 ss:$0x1], $0xffff;
	v58 =	vadd.f32 v58, v25;
	v59 =	vmul.f32 v59, v43;
	v60 =	vsub.f32 v47, v12  }
0x152: {  	v46 =	vld [tilespmem:s28+$0x80];
	s28 =	sor.u32 s20, s26;
	v53 =	vadd.f32 v53, v41;
	v2 =	vadd.f32 v57, v34;
	[tilespmem:s11+$0x0] =	vst v38  }
0x153: {  	v55 =	vmul.f32 $2.771281240e+01, v55;
	v38 =	vld [tilespmem:s28+$0x0];
	[tilespmem:s6+$0x0] =	vst v58;
	v63 =	vadd.f32 v59, v44;
	v62 =	vmul.f32 v60, v33  }
0x154: {  	v45 =	vsub.f32 v45, v12;
	v56 =	vmul.f32 $2.771281240e+01, v56;
	v53 =	vsub.f32 v53, v9;
	v47 =	vld [tilespmem:s28+$0x80];
	s11 =	sor.u32 s19, s26;
	[tilespmem:s4+$0x0] =	vst v2  }
0x155: {  	s30 =	sadd.s32 s24, s7;
	s28 =	smov.u32 s18;
	s26 =	rddreg [dreg:$0x6];
	v48 =	vld [tilespmem:s11+$0x0];
	v55 =	vadd.f32 v55, v40;
	[tilespmem:v8+s25+$0x0 ss:$0x1] =	vst.idx.msk $0xffff, v63;
	v57 =	vmul.f32 v62, v36  }
0x156: {  	v52 =	vmul.f32 v52, v13;
	v61 =	vmul.f32 v45, v33;
	v45 =	vld [tilespmem:s11+$0x80];
	v56 =	vadd.f32 v56, v39;
	s25 =	sadd.s32 s28, s26;
	s26 =	sadd.s32 s8, s7;
	[dreg:$0xe] =	wrdreg s30  }
0x157: {  	s18 =	smov.u32 s29;
	v53 =	vmul.f32 v53, v21;
	v55 =	vsub.f32 v55, v9;
	v58 =	vld [tilespmem:s30+$0x0];
	[dreg:$0x10] =	wrdreg s26;
	v57 =	vadd.f32 v57, v32  }
0x158: {  	v54 =	vmul.f32 v54, v19;
	v0 =	vmul.f32 v1, v35;
	s6 =	sadd.s32 s18, s25;
	v59 =	vld [tilespmem:s26+$0x0]  }
0x159: {  	s4 =	rddreg [dreg:$0x8];
	v53 =	vmul.f32 v53, v37;
	v56 =	vsub.f32 v56, v9;
	s30 =	sadd.s32 s10, s7;
	v55 =	vmul.f32 v55, v21;
	v60 =	vld [tilespmem:s6+$0x0];
	[tilespmem:s14+$0x0] =	vst v57  }
0x15a: {  	v52 =	vadd.f32 v52, v15;
	v54 =	vadd.f32 v54, v14;
	v50 =	vmul.f32 v0, v50;
	s4 =	sadd.s32 s5, s4;
	[dreg:$0x12] =	wrdreg s30  }
0x15b: {  	v2 =	vadd.f32 v53, v46;
	s7 =	sadd.s32 s1, s4;
	v1 =	vmul.f32 v56, v21;
	v55 =	vmul.f32 v55, v38;
	v57 =	vld [tilespmem:s30+$0x0]  }
0x15c: {  	s29 =	smov.u32 s17;
	v0 =	vmul.f32 v61, v22;
	v49 =	vadd.f32 v50, v49;
	s14 =	sadd.s32 s21, s2;
	[tilespmem:s0+$0x0] =	vst v52;
	v53 =	vld [tilespmem:s7+$0x0];
	v58 =	vmul.f32 $2.771281240e+01, v58  }
0x15d: {  	v50 =	vmul.f32 v1, v48;
	v55 =	vadd.f32 v55, v47;
	[tilespmem:v8+s13+$0x0 ss:$0x1] =	vst.idx.msk $0xffff, v2;
	s0 =	sadd.s32 s29, s25;
	v61 =	vld [tilespmem:s14+$0x0];
	v1 =	vmul.f32 $2.771281240e+01, v59  }
0x15e: {  	v56 =	vadd.f32 v0, v16;
	v59 =	vld [tilespmem:s0+$0x0];
	v2 =	vmul.f32 $2.771281240e+01, v60;
	v58 =	vadd.f32 v58, v27  }
0x15f: {  	s11 =	sadd.s32 s20, s25;
	v50 =	vadd.f32 v50, v45;
	[tilespmem:v8+s15+$0x0 ss:$0x1] =	vst.idx.msk $0xffff, v55;
	v52 =	vadd.f32 v1, v31  }
0x160: {  	v0 =	vld [tilespmem:s11+$0x0];
	v1 =	vadd.f32 v2, v42;
	v58 =	vsub.f32 v58, v12  }
0x161: {  	[tilespmem:s31+$0x0] =	vst v56;
	v57 =	vmul.f32 $2.771281240e+01, v57;
	v53 =	vmul.f32 $2.771281240e+01, v53;
	v52 =	vsub.f32 v52, v12  }
0x162: {  	s22 =	sadd.s32 s22, s2;
	s13 =	sadd.s32 s23, s2;
	[tilespmem:v8+s9+$0x0 ss:$0x1] =	vst.idx.msk $0xffff, v50;
	v2 =	vsub.f32 v1, v11;
	v50 =	vmul.f32 $2.771281240e+01, v61;
	v58 =	vmul.f32 v58, v33  }
0x163: {  	s17 =	smov.u32 s20;
	s20 =	sadd.s32 s24, s4;
	s24 =	sadd.s32 s10, s4;
	[tilespmem:s3+$0x0] =	vst v54;
	v56 =	vld [tilespmem:s13+$0x0];
	v59 =	vmul.f32 $2.771281240e+01, v59;
	v62 =	vadd.f32 v57, v30;
	v51 =	vadd.f32 v53, v51  }
0x164: {  	s1 =	simm.s32 $0x8;
	s10 =	simm.s32 $0xC0;
	s3 =	sadd.s32 s19, s25;
	v55 =	vld [tilespmem:s22+$0x0];
	v57 =	vmul.f32 v52, v33;
	v60 =	vmul.f32 v2, v29  }
0x165: {  	s23 =	sadd.s32 s8, s4;
	[tilespmem:s12+$0x0] =	vst v49;
	s8 =	simm.s32 $0x600;
	s21 =	rddreg [dreg:$0x7];
	v53 =	vld [tilespmem:s3+$0x0];
	v54 =	vmul.f32 $2.771281240e+01, v0;
	v52 =	vsub.f32 v62, v12;
	v51 =	vsub.f32 v51, v10  }
.LBB2_8:
0x166: {  	[dreg:$0x15] =	wrdreg s13;
	s31 =	sand.u32 $0x40, s10;
	s13 =	sand.u32 $0x7FFFFC00, s8;
	v50 =	vadd.f32 v50, v17  }
0x167: {  	v49 =	vmovc v48;
	v59 =	vadd.f32 v59, v41;
	v62 =	vmul.f32 v52, v33;
	v52 =	vmovc v14;
	v14 =	vmov v25;
	s12 =	sor.u32 s16, s13;
	s9 =	sor.u32 $0x30, s31  }
0x168: {  	v25 =	vmovc v47;
	v1 =	vadd.f32 v54, v40;
	v2 =	vmul.f32 v60, v43;
	v60 =	vmul.f32 v51, v35;
	s15 =	sor.u32 s9, s12  }
0x169: {  	[dreg:$0x16] =	wrdreg s14;
	v54 =	vmovc v16;
	v58 =	vmul.f32 v58, v24;
	v16 =	vmov v34;
	v57 =	vmul.f32 v57, v28;
	s14 =	sor.u32 s31, s12;
	v34 =	vld.idx.msk [tilespmem:v8+s15+$0x0 ss:$0x1], $0xffff  }
0x16a: {  	[dreg:$0x18] =	wrdreg s22;
	v63 =	vsub.f32 v59, v11;
	v47 =	vadd.f32 v2, v44;
	v0 =	vmul.f32 v60, v36;
	v48 =	vld.idx.msk [tilespmem:v8+s14+$0x0 ss:$0x1], $0xffff  }
0x16b: {  	s22 =	smov.u32 s18;
	s18 =	smov.u32 s28;
	s28 =	sadd.s32 s28, s21;
	v51 =	vld.idx.msk [tilespmem:v7+s15+$0x0 ss:$0x1], $0xffff;
	v61 =	vmul.f32 $2.771281240e+01, v53;
	v53 =	vmovc v15;
	v15 =	vmovc v26;
	v26 =	vmov v46;
	v46 =	vsub.f32 v1, v11  }
0x16c: {  	s2 =	sor.u32 $0x10, s31;
	s21 =	sadd.s32 s22, s28;
	v2 =	vmul.f32 v62, v23;
	v62 =	vld.idx.msk [tilespmem:v7+s14+$0x0 ss:$0x1], $0xffff;
	v36 =	vmul.f32 v63, v29;
	[tilespmem:s6+$0x0] =	vst v47  }
0x16d: {  	s4 =	sor.u32 $0x20, s31;
	s25 =	sor.u32 s2, s12;
	v0 =	vadd.f32 v0, v32;
	v59 =	vadd.f32 v61, v39;
	v46 =	vmul.f32 v46, v29;
	v60 =	vld [tilespmem:s21+$0x0]  }
0x16e: {  	s16 =	sadd.s32 s29, s28;
	s12 =	sor.u32 s4, s12;
	v47 =	vmul.f32 $2.771281240e+01, v55;
	v58 =	vadd.f32 v58, v15;
	v61 =	vld.idx.msk [tilespmem:v8+s25+$0x0 ss:$0x1], $0xffff;
	v55 =	vmul.f32 v36, v37  }
0x16f: {  	s26 =	sadd.s32 s17, s28;
	s6 =	sadd.s32 s19, s28;
	v32 =	vmov v44;
	v44 =	vld.idx.msk [tilespmem:v8+s12+$0x0 ss:$0x1], $0xffff;
	s28 =	rddreg [dreg:$0xe];
	v59 =	vsub.f32 v59, v11;
	v1 =	vmul.f32 v46, v38  }
0x170: {  	s5 =	sshrl.u32 s13, $0x2;
	v57 =	vadd.f32 v57, v14;
	[tilespmem:s28+$0x0] =	vst v58;
	v58 =	vld.idx.msk [tilespmem:v7+s25+$0x0 ss:$0x1], $0xffff;
	v63 =	vmul.f32 $2.771281240e+01, v34;
	v55 =	vadd.f32 v55, v26  }
0x171: {  	v56 =	vmul.f32 $2.771281240e+01, v56;
	[tilespmem:s7+$0x0] =	vst v0;
	s7 =	sadd.s32 $0x17800, s5;
	v36 =	vmovc v43;
	v59 =	vmul.f32 v59, v29;
	v43 =	vadd.f32 v1, v25  }
0x172: {  	v46 =	vadd.f32 v2, v16;
	s28 =	sor.u32 s9, s7;
	v2 =	vadd.f32 v63, v51;
	[tilespmem:s0+$0x0] =	vst v55;
	v60 =	vmul.f32 $2.771281240e+01, v60  }
0x173: {  	v20 =	vadd.f32 v56, v20;
	s0 =	sor.u32 s31, s7;
	v56 =	vmul.f32 $2.771281240e+01, v61;
	v59 =	vmul.f32 v59, v49;
	[tilespmem:s11+$0x0] =	vst v43;
	v43 =	vld [tilespmem:s28+$0x0]  }
0x174: {  	v17 =	vmovc v27;
	v27 =	vmov v41;
	v55 =	vld [tilespmem:s0+$0x0];
	v0 =	vsub.f32 v2, v9;
	s11 =	rddreg [dreg:$0x10];
	v41 =	vadd.f32 v60, v42  }
0x175: {  	[tilespmem:s11+$0x0] =	vst v57;
	v57 =	vmul.f32 $2.771281240e+01, v44;
	v44 =	vld [tilespmem:s28+$0x80];
	v56 =	vadd.f32 v56, v58;
	v1 =	vadd.f32 v59, v45  }
0x176: {  	s30 =	smov.u32 s16;
	v47 =	vadd.f32 v47, v18;
	v48 =	vmul.f32 $2.771281240e+01, v48;
	v34 =	vmov v45;
	s16 =	sor.u32 s2, s7;
	v59 =	vld.idx.msk [tilespmem:v7+s12+$0x0 ss:$0x1], $0xffff  }
0x177: {  	s5 =	smov.u32 s26;
	s26 =	rddreg [dreg:$0x12];
	v60 =	vld [tilespmem:s16+$0x0];
	v2 =	vmul.f32 v0, v21;
	v45 =	vsub.f32 v41, v12;
	v56 =	vsub.f32 v56, v9;
	[tilespmem:s3+$0x0] =	vst v1  }
0x178: {  	s7 =	sor.u32 s4, s7;
	[tilespmem:s26+$0x0] =	vst v46;
	v46 =	vsub.f32 v50, v10;
	v50 =	vsub.f32 v47, v10;
	v47 =	vld [tilespmem:s16+$0x80]  }
0x179: {  	v18 =	vmovc v31;
	v31 =	vmovc v40;
	v40 =	vmov v58;
	v1 =	vadd.f32 v48, v62;
	v58 =	vmul.f32 v2, v43;
	v48 =	vld [tilespmem:s7+$0x0]  }
0x17a: {  	v63 =	vsub.f32 v20, v10;
	v20 =	vmovc v30;
	s26 =	smov.u32 s6;
	v61 =	vmul.f32 v45, v33;
	v56 =	vmul.f32 v56, v21;
	v45 =	vld [tilespmem:s7+$0x80]  }
0x17b: {  	v41 =	vmovc v62;
	v0 =	vsub.f32 v1, v9;
	v1 =	vld [tilespmem:s26+$0x0];
	v62 =	vmul.f32 v46, v35;
	v57 =	vadd.f32 v57, v59  }
0x17c: {  	v30 =	vmovc v39;
	s11 =	rddreg [dreg:$0x6];
	v46 =	vld [tilespmem:s0+$0x80];
	v50 =	vmul.f32 v50, v35;
	v58 =	vadd.f32 v58, v44;
	v61 =	vmul.f32 v61, v36  }
0x17d: {  	s16 =	sadd.s32 s13, s11;
	v39 =	vmovc v59;
	v59 =	vld [tilespmem:s30+$0x0];
	v56 =	vmul.f32 v56, v60;
	v0 =	vmul.f32 v0, v21;
	v57 =	vsub.f32 v57, v9  }
0x17e: {  	s7 =	rddreg [dreg:$0x8];
	s6 =	sadd.s32 s9, s16;
	[tilespmem:v8+s15+$0x0 ss:$0x1] =	vst.idx.msk $0xffff, v58;
	v58 =	vld [tilespmem:s5+$0x0];
	v61 =	vadd.f32 v61, v32;
	v62 =	vmul.f32 v62, v13  }
0x17f: {  	s18 =	sadd.s32 s18, s7;
	v13 =	vmov v24;
	v19 =	vmul.f32 v50, v19;
	v0 =	vmul.f32 v0, v55;
	v2 =	vld [tilespmem:s6+$0x0]  }
0x180: {  	v3 =	vld [tilespmem:s20+$0x0];
	s7 =	sadd.s32 s22, s18;
	v56 =	vadd.f32 v56, v47;
	v57 =	vmul.f32 v57, v21;
	[tilespmem:s21+$0x0] =	vst v61;
	v61 =	vmul.f32 v63, v35  }
0x181: {  	s1 =	sadd.s32 $0x4, s1;
	s8 =	sadd.s32 $0x200, s8;
	[dreg:$0xe] =	wrdreg s30;
	v24 =	vmovc v37;
	v37 =	vmovc v55;
	v50 =	vadd.f32 v62, v53;
	v1 =	vmul.f32 $2.771281240e+01, v1;
	v0 =	vadd.f32 v0, v46;
	v63 =	vld [tilespmem:s7+$0x0]  }
0x182: {  	s10 =	sadd.s32 $0x40, s10;
	[dreg:$0x10] =	wrdreg s5;
	s11 =	sadd.s32 s2, s16;
	v55 =	vld [tilespmem:s23+$0x0];
	v52 =	vadd.f32 v19, v52;
	v59 =	vmul.f32 $2.771281240e+01, v59;
	[tilespmem:v8+s25+$0x0 ss:$0x1] =	vst.idx.msk $0xffff, v56;
	v57 =	vmul.f32 v57, v48  }
0x183: {  	p0 =	slt.u32 s1, $0x2C;
	[dreg:$0x12] =	wrdreg s26;
	s0 =	sadd.s32 s31, s16;
	v22 =	vmul.f32 v61, v22;
	v62 =	vld [tilespmem:s11+$0x0];
	v1 =	vadd.f32 v1, v30;
	[tilespmem:v8+s14+$0x0 ss:$0x1] =	vst.idx.msk $0xffff, v0;
	v0 =	vmul.f32 $2.771281240e+01, v58  }
0x184: {  	s28 =	smov.u32 s13;
	s13 =	smov.u32 s24;
	s26 =	rddreg [dreg:$0x16];
	v56 =	vadd.f32 v59, v27;
	v57 =	vadd.f32 v57, v45;
	v61 =	vld [tilespmem:s0+$0x0];
	v2 =	vmul.f32 $2.771281240e+01, v2  }
0x185: {  	s3 =	sadd.s32 s4, s16;
	s16 =	rddreg [dreg:$0xc];
	s30 =	sadd.s32 s29, s18;
	v22 =	vadd.f32 v22, v54;
	v0 =	vadd.f32 v0, v31  }
.Ltmp2:
0x186: {  	s29 =	smov.u32 s31;
	s22 =	smov.u32 s23;
	v19 =	vmovc v28;
	[tilespmem:s26+$0x0] =	vst v50;
	v54 =	vsub.f32 v56, v12;
	v2 =	vadd.f32 v2, v51;
	v63 =	vmul.f32 $2.771281240e+01, v63;
	(pc) =	sbr.rel @p0 .LBB2_8-.Ltmp2, $4  }
0x187: {  	v28 =	vmovc v38;
	v38 =	vmov v60;
	s14 =	smov.u32 s20;
	s20 =	smov.u32 s30;
	s30 =	rddreg [dreg:$0x18];
	v50 =	vmul.f32 $2.771281240e+01, v3;
	[tilespmem:v8+s12+$0x0 ss:$0x1] =	vst.idx.msk $0xffff, v57;
	v0 =	vsub.f32 v0, v12  }
0x188: {  	s31 =	rddreg [dreg:$0x15];
	s5 =	sadd.s32 s17, s18;
	s15 =	sadd.s32 s19, s18;
	[tilespmem:s30+$0x0] =	vst v52;
	v53 =	vld [tilespmem:s3+$0x0];
	v58 =	vmul.f32 v54, v33;
	v2 =	vsub.f32 v2, v11;
	v3 =	vadd.f32 v63, v42  }
0x189: {  	s18 =	smov.u32 s9;
	s17 =	smov.u32 s2;
	s19 =	smov.u32 s4;
	v52 =	vsub.f32 v1, v12;
	v56 =	vld [tilespmem:s24+$0x0];
	[tilespmem:s31+$0x0] =	vst v22;
	v54 =	vmul.f32 $2.771281240e+01, v62;
	v42 =	vmovc v51;
	v22 =	vmovc v23;
	v59 =	vmul.f32 $2.771281240e+01, v61  }
0x18a: {  	s23 =	smov.u32 s5;
	s21 =	rddreg [dreg:$0x7];
	s24 =	smov.u32 s15;
	v23 =	vmovc v49;
	v57 =	vmul.f32 v0, v33;
	v60 =	vmul.f32 v2, v29;
	v51 =	vsub.f32 v3, v10  }
0x18b: {  	v3 =	vadd.f32 v54, v40  }
0x18c: {  	v0 =	vmul.f32 v60, v43  }
0x18d: {  	v1 =	vmul.f32 $2.771281240e+01, v53;
	v3 =	vsub.f32 v3, v11  }
0x18e: {  	v61 =	vadd.f32 v59, v41;
	v0 =	vadd.f32 v0, v44  }
0x18f: {  	s1 =	sadd.s32 s28, s21;
	v1 =	vadd.f32 v1, v39;
	v3 =	vmul.f32 v3, v29  }
0x190: {  	s4 =	sadd.s32 s18, s1;
	[tilespmem:s6+$0x0] =	vst v0;
	v0 =	vsub.f32 v61, v11  }
0x191: {  	v2 =	vld [tilespmem:s4+$0x0];
	v1 =	vsub.f32 v1, v11;
	v3 =	vmul.f32 v3, v38  }
0x192: {  	v0 =	vmul.f32 v0, v29  }
0x193: {  	v1 =	vmul.f32 v1, v29;
	v3 =	vadd.f32 v3, v47  }
0x194: {  	v0 =	vmul.f32 v0, v37  }
0x195: {  	s10 =	sadd.s32 s17, s1;
	v1 =	vmul.f32 v1, v48;
	[tilespmem:s11+$0x0] =	vst v3  }
0x196: {  	v2 =	vmul.f32 $2.771281240e+01, v2;
	v0 =	vadd.f32 v0, v46;
	v49 =	vld [tilespmem:s10+$0x0]  }
0x197: {  	v62 =	vadd.f32 v1, v45  }
0x198: {  	s2 =	sadd.s32 s29, s1;
	v2 =	vadd.f32 v2, v42;
	[tilespmem:s0+$0x0] =	vst v0  }
0x199: {  	s11 =	sadd.s32 s19, s1;
	v29 =	vld [tilespmem:s2+$0x0];
	[tilespmem:s3+$0x0] =	vst v62  }
0x19a: {  	v2 =	vsub.f32 v2, v12;
	v3 =	vld [tilespmem:s11+$0x0]  }
0x19b: {  	v21 =	vmul.f32 v58, v24;
	v0 =	vmul.f32 $2.771281240e+01, v49  }
0x19c: {  	v55 =	vmul.f32 $2.771281240e+01, v55;
	v63 =	vmul.f32 v2, v33  }
0x19d: {  	v9 =	vmul.f32 v51, v35;
	v53 =	vmul.f32 v57, v28;
	v0 =	vadd.f32 v0, v40  }
0x19e: {  	v17 =	vadd.f32 v50, v17;
	v11 =	vmul.f32 v52, v33;
	v1 =	vmul.f32 v63, v43  }
0x19f: {  	v2 =	vmul.f32 $2.771281240e+01, v29;
	v3 =	vmul.f32 $2.771281240e+01, v3;
	v0 =	vsub.f32 v0, v12  }
0x1a0: {  	v54 =	vadd.f32 v21, v26;
	v11 =	vmul.f32 v11, v23;
	s12 =	rddreg [dreg:$0x8];
	v1 =	vadd.f32 v1, v44  }
0x1a1: {  	s15 =	sadd.s32 s28, s12;
	v2 =	vadd.f32 v2, v41;
	v3 =	vadd.f32 v3, v39;
	v0 =	vmul.f32 v0, v33  }
0x1a2: {  	v57 =	vsub.f32 v17, v10;
	v9 =	vmul.f32 v9, v36;
	v11 =	vadd.f32 v11, v34;
	s1 =	sadd.s32 s18, s15;
	[tilespmem:s4+$0x0] =	vst v1  }
0x1a3: {  	v2 =	vsub.f32 v2, v12;
	v21 =	vld [tilespmem:s1+$0x0];
	v3 =	vsub.f32 v3, v12;
	s4 =	rddreg [dreg:$0xe];
	v0 =	vmul.f32 v0, v38  }
0x1a4: {  	v49 =	vmul.f32 $2.771281240e+01, v56;
	v29 =	vadd.f32 v53, v25;
	v12 =	vadd.f32 v55, v18;
	[tilespmem:s4+$0x0] =	vst v54  }
0x1a5: {  	v2 =	vmul.f32 v2, v33;
	v3 =	vmul.f32 v3, v33;
	s4 =	rddreg [dreg:$0x10];
	v0 =	vadd.f32 v0, v47  }
0x1a6: {  	v20 =	vadd.f32 v49, v20;
	v1 =	vmul.f32 v57, v35;
	v12 =	vsub.f32 v12, v10;
	v17 =	vld [tilespmem:s20+$0x0];
	[tilespmem:s4+$0x0] =	vst v29  }
0x1a7: {  	v2 =	vmul.f32 v2, v37;
	v3 =	vmul.f32 v3, v48;
	s4 =	rddreg [dreg:$0x12];
	[tilespmem:s10+$0x0] =	vst v0  }
0x1a8: {  	s25 =	sadd.s32 s17, s15;
	v12 =	vmul.f32 v12, v35;
	v18 =	vmul.f32 $2.771281240e+01, v21;
	[tilespmem:s4+$0x0] =	vst v11;
	v11 =	vsub.f32 v20, v10;
	v20 =	vld [tilespmem:s23+$0x0]  }
0x1a9: {  	v1 =	vmul.f32 v1, v13;
	v2 =	vadd.f32 v2, v46;
	v60 =	vld [tilespmem:s25+$0x0];
	v58 =	vadd.f32 v3, v45  }
0x1aa: {  	v21 =	vld [tilespmem:s24+$0x0];
	v18 =	vadd.f32 v18, v42;
	v3 =	vmul.f32 v11, v35;
	v11 =	vmul.f32 v12, v19  }
0x1ab: {  	v9 =	vadd.f32 v9, v32;
	s21 =	sadd.s32 s29, s15;
	v1 =	vadd.f32 v1, v15;
	[tilespmem:s2+$0x0] =	vst v2;
	v13 =	vmul.f32 $2.771281240e+01, v17  }
0x1ac: {  	s3 =	sadd.s32 s19, s15;
	v59 =	vld [tilespmem:s21+$0x0];
	[tilespmem:s11+$0x0] =	vst v58;
	v18 =	vsub.f32 v18, v10;
	v3 =	vmul.f32 v3, v22;
	v11 =	vadd.f32 v11, v14  }
0x1ad: {  	v15 =	vld [tilespmem:s3+$0x0];
	v13 =	vadd.f32 v13, v27;
	s0 =	sld [smem:$0x7F1];
	v22 =	vimm.f32 $0.0e+00;
	v14 =	vmul.f32 $2.771281240e+01, v20  }
0x1ae: {  	s5 =	simm.s32 $0x0;
	s8 =	sld [smem:$0x7EA];
	v2 =	vmul.f32 $2.771281240e+01, v60;
	v20 =	vimm.f32 $0.0e+00;
	v12 =	vmul.f32 v18, v35  }
0x1af: {  	s26 =	sand.u32 $0x1C00, s5;
	s19 =	sor.u32 $0x80, s16;
	v3 =	vadd.f32 v3, v16;
	v16 =	vmul.f32 $2.771281240e+01, v21;
	v14 =	vadd.f32 v14, v31  }
0x1b0: {  	s5 =	sand.u32 $0x70, s5;
	s28 =	sadd.s32 s19, s26;
	v13 =	vsub.f32 v13, v10;
	v2 =	vadd.f32 v2, v40;
	v12 =	vmul.f32 v12, v43  }
0x1b1: {  	s0 =	sadd.s32 s8, s0;
	s8 =	sor.u32 s5, s28;
	v0 =	vmul.f32 $2.771281240e+01, v59;
	v16 =	vadd.f32 v16, v30;
	v14 =	vsub.f32 v14, v10  }
0x1b2: {  	v17 =	vld.idx.msk [tilespmem:v8+s8+$0x0 ss:$0x1], $0xffff;
	v15 =	vmul.f32 $2.771281240e+01, v15;
	v2 =	vsub.f32 v2, v10;
	v12 =	vadd.f32 v12, v44  }
0x1b3: {  	[tilespmem:s7+$0x0] =	vst v9;
	s6 =	sadd.s32 s26, s0;
	v13 =	vmul.f32 v13, v35;
	v0 =	vadd.f32 v0, v41;
	v16 =	vsub.f32 v16, v10  }
0x1b4: {  	v18 =	vld.idx.msk [tilespmem:v7+s8+$0x0 ss:$0x1], $0xffff;
	s5 =	sadd.s32 s5, s6;
	v9 =	vmul.f32 v14, v35;
	v14 =	vadd.f32 v15, v39;
	v2 =	vmul.f32 v2, v35  }
0x1b5: {  	v13 =	vmul.f32 v13, v24;
	v15 =	vld [tilespmem:s5+$0x1880];
	v0 =	vsub.f32 v0, v10;
	v16 =	vmul.f32 v16, v35  }
0x1b6: {  	[tilespmem:s22+$0x0] =	vst v11;
	v61 =	vmul.f32 v9, v28;
	v9 =	vsub.f32 v14, v10;
	v10 =	vld [tilespmem:s5+$0x3080];
	v2 =	vmul.f32 v2, v38  }
0x1b7: {  	s29 =	simm.s32 $0x80;
	v11 =	vadd.f32 v13, v26;
	[tilespmem:s1+$0x0] =	vst v12;
	v14 =	vld [tilespmem:s5+$0x4880];
	v12 =	vmul.f32 $2.771281240e+01, v17;
	v0 =	vmul.f32 v0, v35  }
0x1b8: {  	s30 =	simm.s32 $0x10;
	[tilespmem:s14+$0x0] =	vst v1;
	s5 =	sand.u32 $0x1C00, s29;
	v13 =	vmul.f32 v16, v23;
	v16 =	vimm.f32 $0.0e+00;
	v1 =	vadd.f32 v61, v25  }
0x1b9: {  	[tilespmem:s13+$0x0] =	vst v3;
	s1 =	sand.u32 $0x70, s30;
	s31 =	sadd.s32 s19, s5;
	v3 =	vmul.f32 v9, v35;
	v62 =	vadd.f32 v2, v47;
	v0 =	vmul.f32 v0, v37  }
0x1ba: {  	[tilespmem:s20+$0x0] =	vst v11;
	s5 =	sadd.s32 s5, s0;
	s6 =	sor.u32 s1, s31;
	v63 =	vadd.f32 v12, v18;
	v9 =	vadd.f32 v13, v34;
	v11 =	vmul.f32 $2.771281240e+01, v15  }
0x1bb: {  	s5 =	sadd.s32 s1, s5;
	v12 =	vimm.f32 $0.0e+00;
	v23 =	vld.idx.msk [tilespmem:v8+s6+$0x0 ss:$0x1], $0xffff;
	v3 =	vmul.f32 v3, v48;
	[tilespmem:s23+$0x0] =	vst v1;
	v0 =	vadd.f32 v0, v46  }
0x1bc: {  	v21 =	vld [tilespmem:s5+$0x1880];
	v10 =	vmul.f32 $2.771281240e+01, v10;
	[tilespmem:s24+$0x0] =	vst v9;
	v19 =	vadd.f32 v11, v18;
	v9 =	vmul.f32 $2.771281240e+01, v14  }
0x1bd: {  	v15 =	vimm.f32 $0.0e+00;
	v26 =	vmul.f32 v63, v63;
	[tilespmem:s25+$0x0] =	vst v62;
	v11 =	vld.idx.msk [tilespmem:v7+s6+$0x0 ss:$0x1], $0xffff;
	v3 =	vadd.f32 v3, v45  }
0x1be: {  	s1 =	simm.s32 $0x100;
	[tilespmem:s21+$0x0] =	vst v0;
	v17 =	vadd.f32 v10, v18;
	v25 =	vmul.f32 v19, v19;
	v10 =	vadd.f32 v9, v18;
	v9 =	vld [tilespmem:s5+$0x3080]  }
0x1bf: {  	s2 =	simm.s32 $0x30;
	s4 =	sand.u32 $0x1C00, s1;
	v13 =	vimm.f32 $0.0e+00;
	v24 =	vadd.f32 v63, v22;
	v14 =	vld [tilespmem:s5+$0x4880];
	v18 =	vimm.f32 $0.0e+00;
	[tilespmem:s3+$0x0] =	vst v3;
	s3 =	simm.s32 $0x20  }
.LBB2_10:
0x1c0: {  	p0 =	sne.s32 s2, $0x2F0;
	s5 =	sand.u32 $0x70, s3;
	s3 =	sadd.s32 s19, s4;
	v22 =	vadd.f32 v26, v22;
	v18 =	vadd.f32 v25, v18;
	v0 =	vmul.f32 v17, v17  }
0x1c1: {  	s4 =	sadd.s32 s4, s0;
	v1 =	vmul.f32 $2.771281240e+01, v23;
	v20 =	vadd.f32 v19, v20;
	s6 =	sor.u32 s5, s3;
	v2 =	vmul.f32 $2.771281240e+01, v21;
	s3 =	smov.u32 s2  }
.Ltmp3:
0x1c2: {  	v15 =	vadd.f32 v17, v15;
	s5 =	sadd.s32 s5, s4;
	v23 =	vld.idx.msk [tilespmem:v8+s6+$0x0 ss:$0x1], $0xffff;
	v16 =	vadd.f32 v0, v16;
	v0 =	vmul.f32 v10, v10;
	(pc) =	sbr.rel @p0 .LBB2_10-.Ltmp3, $4  }
0x1c3: {  	v1 =	vadd.f32 v1, v11;
	v3 =	vmovc v11;
	v21 =	vld [tilespmem:s5+$0x1880];
	v19 =	vadd.f32 v2, v11;
	v2 =	vmul.f32 $2.771281240e+01, v9  }
0x1c4: {  	v13 =	vadd.f32 v10, v13;
	v11 =	vld.idx.msk [tilespmem:v7+s6+$0x0 ss:$0x1], $0xffff;
	v27 =	vmul.f32 $2.771281240e+01, v14;
	v12 =	vadd.f32 v0, v12  }
0x1c5: {  	s1 =	sadd.s32 $0x80, s1;
	v26 =	vmul.f32 v1, v1;
	v9 =	vld [tilespmem:s5+$0x3080];
	v25 =	vmul.f32 v19, v19;
	v17 =	vadd.f32 v2, v3  }
0x1c6: {  	s4 =	sand.u32 $0x1C00, s1;
	s2 =	sadd.s32 $0x10, s2;
	v24 =	vadd.f32 v1, v24;
	v14 =	vld [tilespmem:s5+$0x4880];
	v10 =	vadd.f32 v27, v3  }
0x1c7: {  	_ =	sdelay $0x1  }
0x1c8: {  	s1 =	sand.u32 $0x70, s3;
	s2 =	sadd.s32 s19, s4  }
0x1c9: {  	s2 =	sor.u32 s1, s2  }
0x1ca: {  	v0 =	vld.idx.msk [tilespmem:v8+s2+$0x0 ss:$0x1], $0xffff;
	_ =	sdelay $0x1  }
0x1cb: {  	v1 =	vld.idx.msk [tilespmem:v7+s2+$0x0 ss:$0x1], $0xffff  }
0x1cc: {  	v2 =	vmul.f32 $2.771281240e+01, v23;
	_ =	sdelay $0x1  }
0x1cd: {  	v2 =	vadd.f32 v2, v11;
	v0 =	vmul.f32 $2.771281240e+01, v0  }
0x1ce: {  	v3 =	vadd.f32 v26, v22;
	v23 =	vld [tilespmem:$0x1FFF0]  }
0x1cf: {  	v22 =	vmul.f32 v2, v2;
	v2 =	vadd.f32 v2, v24;
	v0 =	vadd.f32 v0, v1;
	_ =	sdelay $0x1  }
0x1d0: {  	s0 =	sadd.s32 s4, s0;
	v3 =	vadd.f32 v22, v3;
	v22 =	vmul.f32 v0, v0;
	v0 =	vadd.f32 v0, v2  }
0x1d1: {  	s0 =	sadd.s32 s1, s0  }
0x1d2: {  	v52 =	vld [tilespmem:s0+$0x1880];
	v3 =	vadd.f32 v22, v3;
	v22 =	vperm.xlane v0, v23;
	_ =	sdelay $0x1  }
0x1d3: {  	v0 =	vadd.f32 v22, v0;
	v22 =	vperm.xlane v3, v23  }
0x1d4: {  	v21 =	vmul.f32 $2.771281240e+01, v21  }
0x1d5: {  	v3 =	vadd.f32 v22, v3;
	v22 =	vperm.xlane v0, v4  }
0x1d6: {  	v19 =	vadd.f32 v19, v20;
	v20 =	vadd.f32 v21, v11;
	v2 =	vmul.f32 $2.771281240e+01, v52  }
0x1d7: {  	v18 =	vadd.f32 v25, v18;
	v0 =	vadd.f32 v22, v0;
	v21 =	vperm.xlane v3, v4  }
0x1d8: {  	v19 =	vadd.f32 v20, v19;
	v2 =	vadd.f32 v2, v1;
	v22 =	vmul.f32 v20, v20  }
0x1d9: {  	v3 =	vadd.f32 v21, v3;
	v20 =	vperm.xlane v0, v5  }
0x1da: {  	v18 =	vadd.f32 v22, v18;
	v21 =	vmul.f32 v2, v2;
	v2 =	vadd.f32 v2, v19  }
0x1db: {  	v0 =	vadd.f32 v20, v0;
	v19 =	vperm.xlane v3, v5  }
0x1dc: {  	v15 =	vadd.f32 v17, v15;
	v18 =	vadd.f32 v21, v18;
	v20 =	vperm.xlane v2, v23  }
0x1dd: {  	v21 =	vmul.f32 v17, v17;
	v17 =	vld [tilespmem:s0+$0x3080];
	v3 =	vadd.f32 v19, v3;
	v19 =	vperm.xlane v0, v6  }
0x1de: {  	v2 =	vadd.f32 v20, v2;
	v20 =	vperm.xlane v18, v23  }
0x1df: {  	v53 =	vmul.f32 v10, v10;
	v0 =	vadd.f32 v19, v0;
	v19 =	vperm.xlane v3, v6  }
0x1e0: {  	v16 =	vadd.f32 v21, v16;
	v18 =	vadd.f32 v20, v18;
	v20 =	vperm.xlane v2, v4  }
0x1e1: {  	v21 =	vmul.f32 $2.771281240e+01, v9;
	v3 =	vadd.f32 v19, v3;
	v9 =	vmul.f32 $1.302083370e-03, v0  }
0x1e2: {  	v17 =	vmul.f32 $2.771281240e+01, v17;
	v2 =	vadd.f32 v20, v2;
	v19 =	vperm.xlane v18, v4  }
0x1e3: {  	v20 =	vadd.f32 v21, v11;
	v3 =	vmul.f32 $1.302083370e-03, v3;
	v21 =	vmul.f32 v9, v9  }
0x1e4: {  	v13 =	vadd.f32 v10, v13;
	v18 =	vadd.f32 v19, v18;
	v19 =	vperm.xlane v2, v5  }
0x1e5: {  	v14 =	vmul.f32 $2.771281240e+01, v14;
	v17 =	vadd.f32 v17, v1;
	v3 =	vsub.f32 v3, v21  }
0x1e6: {  	v22 =	vmul.f32 v20, v20;
	v2 =	vadd.f32 v19, v2;
	v19 =	vperm.xlane v18, v5  }
0x1e7: {  	v15 =	vadd.f32 v20, v15;
	v20 =	vmul.f32 v17, v17;
	v3 =	vadd.f32 $9.999999740e-06, v3  }
0x1e8: {  	v16 =	vadd.f32 v22, v16;
	v18 =	vadd.f32 v19, v18;
	v19 =	vperm.xlane v2, v6  }
0x1e9: {  	v15 =	vadd.f32 v17, v15;
	v17 =	vshrl.u32 v3, $0x1;
	v3 =	vmul.f32 $5.000000000e-01, v3  }
0x1ea: {  	v2 =	vadd.f32 v19, v2;
	v19 =	vperm.xlane v18, v6;
	v17 =	vsub.s32 $0x5F3759DF, v17  }
0x1eb: {  	v54 =	vadd.f32 v14, v11;
	v16 =	vadd.f32 v20, v16;
	v20 =	vmul.f32 v17, v3  }
0x1ec: {  	v21 =	vld [tilespmem:s0+$0x4880];
	v22 =	vperm.xlane v15, v23;
	v18 =	vadd.f32 v19, v18;
	v10 =	vmul.f32 $1.302083370e-03, v2  }
0x1ed: {  	v0 =	vadd.f32 v53, v12;
	v11 =	vperm.xlane v16, v23;
	v14 =	vmul.f32 v17, v20  }
0x1ee: {  	v15 =	vadd.f32 v22, v15;
	v12 =	vmul.f32 $1.302083370e-03, v18;
	v18 =	vmul.f32 v10, v10  }
0x1ef: {  	v19 =	vmul.f32 v54, v54;
	v11 =	vadd.f32 v11, v16;
	v14 =	vsub.f32 $1.500000000e+00, v14  }
0x1f0: {  	v2 =	vadd.f32 v54, v13;
	v13 =	vperm.xlane v15, v4;
	v12 =	vsub.f32 v12, v18  }
0x1f1: {  	v20 =	vmul.f32 $2.771281240e+01, v21;
	v14 =	vmul.f32 v17, v14  }
0x1f2: {  	v0 =	vadd.f32 v19, v0;
	v16 =	vperm.xlane v11, v4;
	v12 =	vadd.f32 $9.999999740e-06, v12  }
0x1f3: {  	s2 =	sld [smem:$0x7EE];
	v13 =	vadd.f32 v13, v15;
	v1 =	vadd.f32 v20, v1;
	v15 =	vmul.f32 v14, v3  }
0x1f4: {  	s3 =	sld [smem:$0x7EF];
	v11 =	vadd.f32 v16, v11;
	v16 =	vshrl.u32 v12, $0x1;
	v17 =	vmul.f32 $5.000000000e-01, v12  }
0x1f5: {  	s4 =	simm.s32 $0x0;
	s5 =	sld [smem:$0x7F0];
	v12 =	vperm.xlane v13, v5;
	v16 =	vsub.s32 $0x5F3759DF, v16;
	v15 =	vmul.f32 v15, v14  }
0x1f6: {  	s20 =	sand.u32 $0x40, s4;
	s14 =	sand.u32 $0x7FFFFC00, s4;
	s0 =	sadd.s32 s19, s2;
	v2 =	vadd.f32 v1, v2;
	v18 =	vperm.xlane v11, v5;
	v19 =	vmul.f32 v16, v17  }
0x1f7: {  	s6 =	sadd.s32 s19, s14;
	[dreg:$0x9] =	wrdreg s0;
	s0 =	sadd.s32 s19, s3;
	v1 =	vmul.f32 v1, v1;
	v12 =	vadd.f32 v12, v13;
	v13 =	vsub.f32 $1.500000000e+00, v15  }
0x1f8: {  	s7 =	sor.u32 $0x30, s20;
	[dreg:$0xa] =	wrdreg s0;
	s0 =	sadd.s32 s19, s5;
	v11 =	vadd.f32 v18, v11;
	v15 =	vperm.xlane v2, v23;
	v18 =	vmul.f32 v16, v19  }
0x1f9: {  	s8 =	sor.u32 s7, s6;
	[dreg:$0xb] =	wrdreg s0;
	v0 =	vadd.f32 v1, v0;
	v55 =	vperm.xlane v12, v6;
	v13 =	vmul.f32 v13, v14  }
0x1fa: {  	v2 =	vadd.f32 v15, v2;
	v14 =	vperm.xlane v11, v6;
	v15 =	vsub.f32 $1.500000000e+00, v18;
	v18 =	vld.idx.msk [tilespmem:v8+s8+$0x0 ss:$0x1], $0xffff  }
0x1fb: {  	v19 =	vperm.xlane v0, v23;
	v1 =	vadd.f32 v55, v12;
	v3 =	vmul.f32 v13, v3  }
0x1fc: {  	v37 =	vld.idx.msk [tilespmem:v7+s8+$0x0 ss:$0x1], $0xffff;
	v20 =	vperm.xlane v2, v4;
	v11 =	vadd.f32 v14, v11;
	v14 =	vmul.f32 v16, v15  }
0x1fd: {  	v12 =	vmul.f32 $1.302083370e-03, v1;
	v3 =	vmul.f32 v3, v13  }
0x1fe: {  	v0 =	vadd.f32 v19, v0;
	v56 =	vmul.f32 v14, v17;
	v11 =	vmul.f32 $1.302083370e-03, v11  }
0x1ff: {  	s9 =	sshrl.u32 s14, $0x2;
	v2 =	vadd.f32 v20, v2;
	v15 =	vmul.f32 v12, v12;
	v16 =	vmul.f32 $2.771281240e+01, v18  }
0x200: {  	s10 =	sadd.s32 $0x17800, s9;
	v18 =	vperm.xlane v0, v4;
	v3 =	vsub.f32 $1.500000000e+00, v3;
	v1 =	vmul.f32 v56, v14  }
0x201: {  	s5 =	sor.u32 s7, s10;
	v11 =	vsub.f32 v11, v15;
	v15 =	vadd.f32 v16, v37  }
0x202: {  	s22 =	sor.u32 $0x20, s20;
	v50 =	vld [tilespmem:s5+$0x0];
	v0 =	vadd.f32 v18, v0;
	v16 =	vperm.xlane v2, v5;
	v1 =	vsub.f32 $1.500000000e+00, v1  }
0x203: {  	s2 =	sor.u32 s22, s6;
	v49 =	vld [tilespmem:s5+$0x80];
	v21 =	vmul.f32 v3, v13;
	v3 =	vadd.f32 $9.999999740e-06, v11;
	v13 =	vsub.f32 v15, v9  }
0x204: {  	s21 =	sor.u32 $0x10, s20;
	s11 =	sor.u32 s20, s6;
	v19 =	vld.idx.msk [tilespmem:v8+s2+$0x0 ss:$0x1], $0xffff;
	v2 =	vadd.f32 v16, v2;
	v15 =	vperm.xlane v0, v5;
	v1 =	vmul.f32 v1, v14  }
0x205: {  	s12 =	sor.u32 s21, s6;
	v11 =	vld.idx.msk [tilespmem:v8+s11+$0x0 ss:$0x1], $0xffff;
	v14 =	vshrl.u32 v3, $0x1;
	v3 =	vmul.f32 $5.000000000e-01, v3;
	v13 =	vmul.f32 v13, v21  }
0x206: {  	v16 =	vld.idx.msk [tilespmem:v8+s12+$0x0 ss:$0x1], $0xffff;
	v0 =	vadd.f32 v15, v0;
	v14 =	vsub.s32 $0x5F3759DF, v14;
	v15 =	vmul.f32 v1, v17  }
0x207: {  	v20 =	vmul.f32 v14, v3;
	v17 =	vld.idx.msk [tilespmem:v7+s11+$0x0 ss:$0x1], $0xffff;
	v13 =	vmul.f32 v13, v50  }
0x208: {  	v18 =	vld.idx.msk [tilespmem:v7+s12+$0x0 ss:$0x1], $0xffff;
	v22 =	vperm.xlane v2, v6  }
0x209: {  	s13 =	rddreg [dreg:$0x9];
	v23 =	vperm.xlane v0, v6;
	v24 =	vmul.f32 v14, v20;
	v25 =	vadd.f32 v13, v49  }
0x20a: {  	s6 =	sadd.s32 s14, s13;
	v2 =	vadd.f32 v22, v2;
	v22 =	vmul.f32 $2.771281240e+01, v11;
	v15 =	vmul.f32 v15, v1;
	v20 =	vld.idx.msk [tilespmem:v7+s2+$0x0 ss:$0x1], $0xffff  }
0x20b: {  	v16 =	vmul.f32 $2.771281240e+01, v16;
	v0 =	vadd.f32 v23, v0;
	v23 =	vsub.f32 $1.500000000e+00, v24;
	[tilespmem:v8+s8+$0x0 ss:$0x1] =	vst.idx.msk $0xffff, v25;
	s8 =	sadd.s32 s7, s6  }
0x20c: {  	s9 =	sor.u32 s20, s10;
	v57 =	vmul.f32 $2.771281240e+01, v19;
	v11 =	vmul.f32 $1.302083370e-03, v2;
	v24 =	vadd.f32 v22, v17;
	v25 =	vld [tilespmem:s8+$0x0]  }
0x20d: {  	s15 =	sor.u32 s21, s10;
	v13 =	vld [tilespmem:s9+$0x0];
	v15 =	vsub.f32 $1.500000000e+00, v15;
	v23 =	vmul.f32 v14, v23;
	v14 =	vadd.f32 v16, v18  }
0x20e: {  	v19 =	vld [tilespmem:s15+$0x0];
	v0 =	vmul.f32 $1.302083370e-03, v0;
	v16 =	vmul.f32 v11, v11;
	v24 =	vsub.f32 v24, v9  }
0x20f: {  	s16 =	simm.s32 $0x200;
	s17 =	simm.s32 $0x40;
	s3 =	sor.u32 s22, s10;
	v26 =	vmul.f32 v15, v1;
	v15 =	vld [tilespmem:s9+$0x80];
	v2 =	vadd.f32 v57, v20;
	v27 =	vsub.f32 v14, v9  }
0x210: {  	s23 =	sand.u32 $0x40, s17;
	s5 =	sand.u32 $0x7FFFFC00, s16;
	v22 =	vld [tilespmem:s3+$0x0];
	v58 =	vmul.f32 v23, v3;
	v0 =	vsub.f32 v0, v16;
	v24 =	vmul.f32 v24, v21  }
0x211: {  	s1 =	sor.u32 $0x30, s23;
	s18 =	sadd.s32 s19, s5;
	v14 =	vld [tilespmem:s15+$0x80];
	v2 =	vsub.f32 v2, v9;
	v27 =	vmul.f32 v27, v21;
	v25 =	vmul.f32 $2.771281240e+01, v25  }
0x212: {  	s13 =	sor.u32 s1, s18;
	v16 =	vld [tilespmem:s3+$0x80];
	v0 =	vadd.f32 $9.999999740e-06, v0;
	v1 =	vmul.f32 v58, v23;
	v24 =	vmul.f32 v24, v13  }
0x213: {  	v29 =	vld.idx.msk [tilespmem:v8+s13+$0x0 ss:$0x1], $0xffff;
	v2 =	vmul.f32 v2, v21;
	v27 =	vmul.f32 v27, v19;
	v25 =	vadd.f32 v25, v37  }
0x214: {  	v28 =	vshrl.u32 v0, $0x1;
	v1 =	vsub.f32 $1.500000000e+00, v1;
	v24 =	vadd.f32 v24, v15  }
0x215: {  	v51 =	vld.idx.msk [tilespmem:v7+s13+$0x0 ss:$0x1], $0xffff;
	v0 =	vmul.f32 $5.000000000e-01, v0;
	v2 =	vmul.f32 v2, v22;
	v25 =	vsub.f32 v25, v10  }
0x216: {  	s26 =	sadd.s32 s20, s6;
	v28 =	vsub.s32 $0x5F3759DF, v28;
	v27 =	vadd.f32 v27, v14;
	v1 =	vmul.f32 v1, v23;
	[tilespmem:v8+s11+$0x0 ss:$0x1] =	vst.idx.msk $0xffff, v24  }
0x217: {  	v2 =	vadd.f32 v2, v16;
	v24 =	vmul.f32 v28, v0;
	v23 =	vld [tilespmem:s26+$0x0];
	v25 =	vmul.f32 v25, v26  }
0x218: {  	s30 =	sadd.s32 s21, s6;
	s24 =	sshrl.u32 s5, $0x2;
	[tilespmem:v8+s12+$0x0 ss:$0x1] =	vst.idx.msk $0xffff, v27;
	v3 =	vmul.f32 v1, v3;
	v27 =	vmul.f32 $2.771281240e+01, v29  }
0x219: {  	s15 =	sadd.s32 $0x17800, s24;
	[tilespmem:v8+s2+$0x0 ss:$0x1] =	vst.idx.msk $0xffff, v2;
	v59 =	vmul.f32 v28, v24;
	v24 =	vld [tilespmem:s30+$0x0];
	s2 =	sadd.s32 s22, s6;
	v25 =	vmul.f32 v25, v50  }
0x21a: {  	s16 =	sor.u32 s1, s15;
	v29 =	vld [tilespmem:s2+$0x0];
	v27 =	vadd.f32 v27, v51  }
0x21b: {  	s25 =	sor.u32 s23, s18;
	v36 =	vld [tilespmem:s16+$0x0];
	s10 =	rddreg [dreg:$0xa];
	v3 =	vmul.f32 v3, v1;
	v2 =	vsub.f32 $1.500000000e+00, v59;
	v25 =	vadd.f32 v25, v49  }
0x21c: {  	v30 =	vld.idx.msk [tilespmem:v8+s25+$0x0 ss:$0x1], $0xffff;
	s31 =	sadd.s32 s14, s10;
	v27 =	vsub.f32 v27, v9;
	v23 =	vmul.f32 $2.771281240e+01, v23  }
0x21d: {  	v32 =	vld [tilespmem:s16+$0x80];
	s10 =	sor.u32 $0x20, s23;
	s11 =	sadd.s32 s7, s31;
	v3 =	vsub.f32 $1.500000000e+00, v3;
	v2 =	vmul.f32 v28, v2;
	[tilespmem:s8+$0x0] =	vst v25  }
0x21e: {  	s9 =	sor.u32 s10, s18;
	v24 =	vmul.f32 $2.771281240e+01, v24;
	v27 =	vmul.f32 v27, v21;
	s8 =	sor.u32 $0x10, s23;
	v23 =	vadd.f32 v23, v17;
	v25 =	vld [tilespmem:s11+$0x0]  }
0x21f: {  	v34 =	vld.idx.msk [tilespmem:v8+s9+$0x0 ss:$0x1], $0xffff;
	v33 =	vmul.f32 v3, v1;
	v29 =	vmul.f32 $2.771281240e+01, v29;
	s12 =	sor.u32 s8, s18  }
0x220: {  	v28 =	vmul.f32 v2, v0;
	v27 =	vmul.f32 v27, v36;
	v31 =	vld.idx.msk [tilespmem:v8+s12+$0x0 ss:$0x1], $0xffff;
	v3 =	vsub.f32 v23, v10  }
0x221: {  	v24 =	vadd.f32 v24, v18;
	v29 =	vadd.f32 v29, v20;
	v23 =	vld.idx.msk [tilespmem:v7+s25+$0x0 ss:$0x1], $0xffff  }
0x222: {  	s18 =	rddreg [dreg:$0x9];
	v60 =	vmul.f32 v28, v2;
	v28 =	vld.idx.msk [tilespmem:v7+s12+$0x0 ss:$0x1], $0xffff;
	v27 =	vadd.f32 v27, v32;
	v3 =	vmul.f32 v3, v26  }
0x223: {  	s16 =	sadd.s32 s5, s18;
	v24 =	vsub.f32 v24, v10;
	v35 =	vsub.f32 v29, v10;
	v29 =	vld.idx.msk [tilespmem:v7+s9+$0x0 ss:$0x1], $0xffff;
	v25 =	vmul.f32 $2.771281240e+01, v25  }
0x224: {  	v30 =	vmul.f32 $2.771281240e+01, v30;
	s24 =	sadd.s32 s1, s16;
	v1 =	vsub.f32 $1.500000000e+00, v60;
	[tilespmem:v8+s13+$0x0 ss:$0x1] =	vst.idx.msk $0xffff, v27;
	v3 =	vmul.f32 v3, v13  }
0x225: {  	s18 =	sor.u32 s8, s15;
	v24 =	vmul.f32 v24, v26;
	v62 =	vld [tilespmem:s24+$0x0];
	v39 =	vmul.f32 $2.771281240e+01, v31;
	v38 =	vadd.f32 v25, v37  }
0x226: {  	s17 =	sor.u32 s23, s15;
	v27 =	vmul.f32 $2.771281240e+01, v34;
	v30 =	vadd.f32 v30, v23;
	v31 =	vld [tilespmem:s18+$0x0];
	v3 =	vadd.f32 v3, v15  }
0x227: {  	s15 =	sor.u32 s10, s15;
	v35 =	vmul.f32 v35, v26;
	v25 =	vld [tilespmem:s17+$0x0];
	v39 =	vadd.f32 v39, v28;
	v61 =	vsub.f32 v38, v12  }
0x228: {  	v40 =	vmul.f32 v24, v19;
	v24 =	vld [tilespmem:s15+$0x0];
	v41 =	vadd.f32 v27, v29;
	v42 =	vsub.f32 v30, v9  }
0x229: {  	v35 =	vmul.f32 v35, v22;
	v30 =	vld [tilespmem:s17+$0x80];
	v39 =	vsub.f32 v39, v9;
	v34 =	vmul.f32 v61, v33  }
0x22a: {  	v27 =	vld [tilespmem:s18+$0x80];
	v41 =	vsub.f32 v41, v9;
	v42 =	vmul.f32 v42, v21;
	v38 =	vmul.f32 $2.771281240e+01, v62  }
0x22b: {  	[tilespmem:s26+$0x0] =	vst v3;
	v3 =	vadd.f32 v35, v16;
	v63 =	vmul.f32 v39, v21;
	v43 =	vmul.f32 v34, v50  }
0x22c: {  	v40 =	vadd.f32 v40, v14;
	v44 =	vmul.f32 v41, v21;
	v45 =	vmul.f32 v42, v25;
	v34 =	vld [tilespmem:s15+$0x80]  }
0x22d: {  	s0 =	sadd.s32 s20, s31;
	[tilespmem:s2+$0x0] =	vst v3;
	v38 =	vadd.f32 v38, v51;
	v35 =	vmul.f32 v63, v31;
	v3 =	vadd.f32 v43, v49  }
0x22e: {  	s3 =	sadd.s32 s21, s31;
	v1 =	vmul.f32 v1, v2;
	[tilespmem:s30+$0x0] =	vst v40;
	v46 =	vld [tilespmem:s0+$0x0];
	v40 =	vadd.f32 v45, v30  }
0x22f: {  	s30 =	sadd.s32 s22, s31;
	v47 =	vld [tilespmem:s3+$0x0];
	s26 =	rddreg [dreg:$0xb];
	v39 =	vmul.f32 v44, v24;
	v48 =	vsub.f32 v38, v10;
	[tilespmem:s11+$0x0] =	vst v3;
	v3 =	vadd.f32 v35, v27  }
0x230: {  	s6 =	sadd.s32 s8, s16;
	s4 =	sadd.s32 s10, s16;
	v0 =	vmul.f32 v1, v0;
	v52 =	vld [tilespmem:s30+$0x0];
	[tilespmem:v8+s25+$0x0 ss:$0x1] =	vst.idx.msk $0xffff, v40;
	s11 =	sadd.s32 s23, s16  }
0x231: {  	s31 =	simm.s32 $0x400;
	s2 =	sadd.s32 s14, s26;
	s16 =	simm.s32 $0x80;
	v39 =	vadd.f32 v39, v34;
	v40 =	vld [tilespmem:s11+$0x0];
	[tilespmem:v8+s12+$0x0 ss:$0x1] =	vst.idx.msk $0xffff, v3;
	v3 =	vmul.f32 v48, v26  }
0x232: {  	v0 =	vmul.f32 v0, v1;
	s14 =	sand.u32 $0x40, s16;
	s16 =	sand.u32 $0x7FFFFC00, s31;
	s12 =	sadd.s32 s7, s2;
	v53 =	vld [tilespmem:s6+$0x0]  }
0x233: {  	v2 =	vmul.f32 $2.771281240e+01, v46;
	s31 =	sor.u32 $0x30, s14;
	[tilespmem:v8+s9+$0x0 ss:$0x1] =	vst.idx.msk $0xffff, v39;
	v54 =	vld [tilespmem:s12+$0x0];
	s9 =	sadd.s32 s19, s16;
	v3 =	vmul.f32 v3, v36  }
0x234: {  	v0 =	vsub.f32 $1.500000000e+00, v0;
	v55 =	vld [tilespmem:s4+$0x0];
	s25 =	sor.u32 s31, s9  }
0x235: {  	v41 =	vmul.f32 $2.771281240e+01, v47;
	v2 =	vadd.f32 v2, v17;
	s17 =	rddreg [dreg:$0xa];
	v45 =	vld.idx.msk [tilespmem:v8+s25+$0x0 ss:$0x1], $0xffff;
	v3 =	vadd.f32 v3, v32  }
0x236: {  	v35 =	vmul.f32 v0, v1;
	v38 =	vmul.f32 $2.771281240e+01, v52;
	s7 =	sadd.s32 s5, s17  }
0x237: {  	v56 =	vadd.f32 v41, v18;
	v2 =	vsub.f32 v2, v12;
	v57 =	vmul.f32 $2.771281240e+01, v40;
	v40 =	vld.idx.msk [tilespmem:v7+s25+$0x0 ss:$0x1], $0xffff;
	s15 =	sadd.s32 s1, s7;
	[tilespmem:s24+$0x0] =	vst v3  }
0x238: {  	s18 =	sshrl.u32 s16, $0x2;
	v38 =	vadd.f32 v38, v20;
	s13 =	sor.u32 s14, s9;
	v58 =	vmul.f32 $2.771281240e+01, v53;
	v3 =	vmul.f32 $2.771281240e+01, v54;
	v59 =	vld [tilespmem:s15+$0x0]  }
0x239: {  	s26 =	sadd.s32 $0x17800, s18;
	v0 =	vsub.f32 v56, v12;
	v62 =	vld.idx.msk [tilespmem:v8+s13+$0x0 ss:$0x1], $0xffff;
	v1 =	vadd.f32 v57, v23;
	v60 =	vmul.f32 $2.771281240e+01, v55  }
0x23a: {  	s24 =	sor.u32 s31, s26;
	v41 =	vadd.f32 v58, v28;
	v3 =	vadd.f32 v3, v37;
	v61 =	vmul.f32 $2.771281240e+01, v45  }
0x23b: {  	s18 =	sor.u32 $0x10, s14;
	v43 =	vld [tilespmem:s24+$0x0];
	v1 =	vsub.f32 v1, v10;
	v42 =	vadd.f32 v60, v29  }
0x23c: {  	v2 =	vmul.f32 v2, v33;
	v44 =	vld [tilespmem:s24+$0x80];
	s24 =	sor.u32 s18, s9;
	v41 =	vsub.f32 v41, v10;
	v37 =	vadd.f32 v61, v40  }
0x23d: {  	s17 =	sor.u32 $0x20, s14;
	v47 =	vld.idx.msk [tilespmem:v8+s24+$0x0 ss:$0x1], $0xffff;
	v1 =	vmul.f32 v1, v26;
	v46 =	vsub.f32 v42, v10;
	v52 =	vmul.f32 $2.771281240e+01, v59  }
0x23e: {  	s9 =	sor.u32 s17, s9;
	v45 =	vmul.f32 $2.771281240e+01, v62;
	v42 =	vld.idx.msk [tilespmem:v7+s13+$0x0 ss:$0x1], $0xffff;
	v41 =	vmul.f32 v41, v26;
	v53 =	vsub.f32 v37, v9  }
0x23f: {  	v48 =	vld.idx.msk [tilespmem:v8+s9+$0x0 ss:$0x1], $0xffff;
	v1 =	vmul.f32 v1, v25;
	v54 =	vmul.f32 v46, v26;
	v52 =	vadd.f32 v52, v51  }
0x240: {  	v38 =	vsub.f32 v38, v12;
	s28 =	sor.u32 s14, s26;
	v39 =	vld.idx.msk [tilespmem:v7+s24+$0x0 ss:$0x1], $0xffff;
	v41 =	vmul.f32 v41, v31;
	v53 =	vmul.f32 v53, v21  }
0x241: {  	v37 =	vld [tilespmem:s28+$0x0];
	v1 =	vadd.f32 v1, v30;
	v54 =	vmul.f32 v54, v24;
	v52 =	vsub.f32 v52, v12  }
0x242: {  	v56 =	vmul.f32 $2.771281240e+01, v47;
	v55 =	vadd.f32 v41, v27;
	v41 =	vld.idx.msk [tilespmem:v7+s9+$0x0 ss:$0x1], $0xffff;
	v53 =	vmul.f32 v53, v43  }
0x243: {  	v46 =	vld [tilespmem:s28+$0x80];
	s28 =	sor.u32 s18, s26;
	[tilespmem:s11+$0x0] =	vst v1;
	v45 =	vadd.f32 v45, v42;
	v54 =	vadd.f32 v54, v34;
	v52 =	vmul.f32 v52, v33  }
0x244: {  	v60 =	vmul.f32 $2.771281240e+01, v48;
	v1 =	vmul.f32 v38, v33;
	v38 =	vld [tilespmem:s28+$0x0];
	[tilespmem:s6+$0x0] =	vst v55;
	s6 =	sor.u32 s17, s26;
	v53 =	vadd.f32 v53, v44  }
0x245: {  	v63 =	vadd.f32 v56, v39;
	s11 =	rddreg [dreg:$0x9];
	v61 =	vsub.f32 v45, v9;
	[tilespmem:s4+$0x0] =	vst v54;
	v48 =	vld [tilespmem:s6+$0x0];
	v52 =	vmul.f32 v52, v36  }
0x246: {  	v0 =	vmul.f32 v0, v33;
	v3 =	vsub.f32 v3, v11;
	s26 =	smov.u32 s16;
	v45 =	vld [tilespmem:s6+$0x80];
	s6 =	sadd.s32 s23, s7;
	[tilespmem:v8+s25+$0x0 ss:$0x1] =	vst.idx.msk $0xffff, v53;
	s4 =	rddreg [dreg:$0xb]  }
0x247: {  	v47 =	vld [tilespmem:s28+$0x80];
	v55 =	vsub.f32 v63, v9;
	v62 =	vmul.f32 v61, v21;
	s25 =	sadd.s32 s16, s11;
	s16 =	sadd.s32 s8, s7;
	[dreg:$0xf] =	wrdreg s6;
	v52 =	vadd.f32 v52, v32  }
0x248: {  	v2 =	vmul.f32 v2, v13;
	v3 =	vmul.f32 v3, v35;
	v53 =	vadd.f32 v60, v41;
	v63 =	vld [tilespmem:s6+$0x0];
	[dreg:$0x11] =	wrdreg s16  }
0x249: {  	v60 =	vmul.f32 v55, v21;
	s6 =	sadd.s32 s31, s25;
	v54 =	vmul.f32 v62, v37;
	v61 =	vld [tilespmem:s16+$0x0];
	s16 =	smov.u32 s31;
	s31 =	sadd.s32 s10, s7;
	[tilespmem:s15+$0x0] =	vst v52  }
0x24a: {  	v2 =	vadd.f32 v2, v15;
	v3 =	vmul.f32 v3, v50;
	s4 =	sadd.s32 s5, s4;
	v53 =	vsub.f32 v53, v9;
	v57 =	vld [tilespmem:s6+$0x0];
	[dreg:$0x13] =	wrdreg s31  }
0x24b: {  	v50 =	vmul.f32 v60, v38;
	s7 =	sadd.s32 s1, s4;
	v62 =	vadd.f32 v54, v46;
	v52 =	vld [tilespmem:s31+$0x0]  }
0x24c: {  	s29 =	sadd.s32 s20, s2;
	v0 =	vmul.f32 v0, v19;
	[tilespmem:s0+$0x0] =	vst v2;
	v2 =	vadd.f32 v3, v49;
	v3 =	vmul.f32 v53, v21;
	v53 =	vld [tilespmem:s7+$0x0]  }
0x24d: {  	v50 =	vadd.f32 v50, v47;
	[tilespmem:v8+s13+$0x0 ss:$0x1] =	vst.idx.msk $0xffff, v62;
	s0 =	sadd.s32 s14, s25;
	v63 =	vmul.f32 $2.771281240e+01, v63;
	v56 =	vld [tilespmem:s29+$0x0]  }
0x24e: {  	v0 =	vadd.f32 v0, v14;
	v59 =	vld [tilespmem:s0+$0x0];
	v3 =	vmul.f32 v3, v48;
	v49 =	vmul.f32 $2.771281240e+01, v61  }
0x24f: {  	v1 =	vmul.f32 v1, v22;
	s11 =	sadd.s32 s18, s25;
	[tilespmem:v8+s24+$0x0 ss:$0x1] =	vst.idx.msk $0xffff, v50;
	v58 =	vmul.f32 $2.771281240e+01, v57;
	v54 =	vadd.f32 v63, v23  }
0x250: {  	v60 =	vld [tilespmem:s11+$0x0];
	v3 =	vadd.f32 v3, v45;
	v49 =	vadd.f32 v49, v28  }
0x251: {  	v1 =	vadd.f32 v1, v16;
	v62 =	vadd.f32 v58, v40;
	v52 =	vmul.f32 $2.771281240e+01, v52  }
0x252: {  	v54 =	vsub.f32 v54, v12;
	v53 =	vmul.f32 $2.771281240e+01, v53;
	[tilespmem:v8+s9+$0x0 ss:$0x1] =	vst.idx.msk $0xffff, v3;
	v3 =	vsub.f32 v49, v12  }
0x253: {  	s5 =	sadd.s32 s22, s2;
	s28 =	sadd.s32 s23, s4;
	[tilespmem:s3+$0x0] =	vst v0;
	s13 =	sadd.s32 s21, s2;
	v50 =	vmul.f32 $2.771281240e+01, v56;
	v0 =	vsub.f32 v62, v10;
	v59 =	vmul.f32 $2.771281240e+01, v59  }
0x254: {  	s23 =	sadd.s32 s8, s4;
	s22 =	sadd.s32 s10, s4;
	s3 =	sadd.s32 s17, s25;
	[tilespmem:s30+$0x0] =	vst v1;
	v55 =	vld [tilespmem:s13+$0x0];
	v63 =	vadd.f32 v52, v29;
	v58 =	vmul.f32 v54, v33;
	v51 =	vadd.f32 v53, v51  }
0x255: {  	s8 =	simm.s32 $0x600;
	s1 =	simm.s32 $0x8;
	[tilespmem:s12+$0x0] =	vst v2;
	v53 =	vld [tilespmem:s3+$0x0];
	s20 =	rddreg [dreg:$0xa];
	v54 =	vmul.f32 $2.771281240e+01, v60;
	v57 =	vmul.f32 v3, v33  }
0x256: {  	s10 =	simm.s32 $0xC0;
	s24 =	smov.u32 s14;
	v56 =	vld [tilespmem:s5+$0x0];
	[dreg:$0xd] =	wrdreg s19;
	v60 =	vmul.f32 v0, v26;
	v52 =	vsub.f32 v63, v12;
	v51 =	vsub.f32 v51, v11  }
.LBB2_12:
0x257: {  	[dreg:$0x19] =	wrdreg s13;
	s30 =	sand.u32 $0x40, s10;
	s13 =	sand.u32 $0x7FFFFC00, s8;
	v49 =	vmov v48;
	v48 =	vmul.f32 v58, v25;
	v0 =	vadd.f32 v59, v42  }
0x258: {  	v2 =	vmul.f32 v52, v33;
	s12 =	sadd.s32 s19, s13;
	s9 =	sor.u32 $0x30, s30;
	v3 =	vadd.f32 v54, v39;
	v59 =	vmul.f32 v60, v43  }
0x259: {  	v52 =	vmovc v14;
	v14 =	vmov v27;
	v60 =	vmul.f32 v51, v35;
	v57 =	vmul.f32 v57, v31;
	s15 =	sor.u32 s9, s12  }
0x25a: {  	v27 =	vmovc v47;
	s31 =	sor.u32 s30, s12;
	v0 =	vsub.f32 v0, v10;
	v61 =	vld.idx.msk [tilespmem:v8+s15+$0x0 ss:$0x1], $0xffff;
	v3 =	vsub.f32 v3, v10;
	v1 =	vmul.f32 $2.771281240e+01, v53  }
0x25b: {  	v54 =	vmovc v16;
	v63 =	vld.idx.msk [tilespmem:v8+s31+$0x0 ss:$0x1], $0xffff;
	v53 =	vmovc v15;
	v15 =	vmov v30;
	v30 =	vmov v46;
	v46 =	vadd.f32 v59, v44  }
0x25c: {  	[dreg:$0x14] =	wrdreg s5;
	s5 =	sadd.s32 s26, s20;
	v62 =	vmul.f32 v60, v36;
	v51 =	vld.idx.msk [tilespmem:v7+s15+$0x0 ss:$0x1], $0xffff;
	v2 =	vmul.f32 v2, v24;
	v1 =	vadd.f32 v1, v41  }
0x25d: {  	s2 =	sor.u32 $0x10, s30;
	s20 =	sadd.s32 s16, s5;
	v57 =	vadd.f32 v57, v14;
	v0 =	vmul.f32 v0, v26;
	v3 =	vmul.f32 v3, v26;
	[tilespmem:s6+$0x0] =	vst v46  }
0x25e: {  	s21 =	smov.u32 s18;
	s4 =	sor.u32 $0x20, s30;
	v16 =	vmovc v34;
	s25 =	sor.u32 s2, s12;
	v36 =	vmovc v43;
	v60 =	vadd.f32 v62, v32;
	v46 =	vmul.f32 $2.771281240e+01, v55;
	v55 =	vld [tilespmem:s20+$0x0];
	v1 =	vsub.f32 v1, v10  }
0x25f: {  	s14 =	sadd.s32 s24, s5;
	s19 =	smov.u32 s24;
	s24 =	sadd.s32 s21, s5;
	v58 =	vld.idx.msk [tilespmem:v8+s25+$0x0 ss:$0x1], $0xffff;
	v48 =	vadd.f32 v48, v15;
	v0 =	vmul.f32 v0, v37;
	v3 =	vmul.f32 v3, v38  }
0x260: {  	s12 =	sor.u32 s4, s12;
	v59 =	vld.idx.msk [tilespmem:v7+s31+$0x0 ss:$0x1], $0xffff;
	v2 =	vadd.f32 v2, v16;
	s6 =	sadd.s32 s17, s5;
	s5 =	rddreg [dreg:$0xf];
	[tilespmem:s7+$0x0] =	vst v60;
	v43 =	vmul.f32 $2.771281240e+01, v61;
	v1 =	vmul.f32 v1, v26  }
0x261: {  	v32 =	vmovc v44;
	v44 =	vld.idx.msk [tilespmem:v8+s12+$0x0 ss:$0x1], $0xffff;
	s7 =	sshrl.u32 s13, $0x2;
	[tilespmem:s5+$0x0] =	vst v48;
	v47 =	vmul.f32 $2.771281240e+01, v63;
	v61 =	vmul.f32 $2.771281240e+01, v56;
	v3 =	vadd.f32 v3, v27  }
0x262: {  	v60 =	vld.idx.msk [tilespmem:v7+s25+$0x0 ss:$0x1], $0xffff;
	s7 =	sadd.s32 $0x17800, s7;
	v63 =	vadd.f32 v50, v17;
	v0 =	vadd.f32 v0, v30;
	v1 =	vmul.f32 v1, v49  }
0x263: {  	s18 =	smov.u32 s26;
	v56 =	vld.idx.msk [tilespmem:v7+s12+$0x0 ss:$0x1], $0xffff;
	s26 =	sor.u32 s9, s7;
	v62 =	vadd.f32 v43, v51;
	[tilespmem:s11+$0x0] =	vst v3;
	v3 =	vmul.f32 $2.771281240e+01, v55;
	v55 =	vadd.f32 v46, v18  }
0x264: {  	v34 =	vmov v45;
	v43 =	vld [tilespmem:s26+$0x0];
	[tilespmem:s0+$0x0] =	vst v0;
	s0 =	sor.u32 s30, s7;
	v0 =	vadd.f32 v1, v45;
	v1 =	vadd.f32 v61, v20  }
0x265: {  	[dreg:$0x17] =	wrdreg s29;
	v17 =	vmovc v23;
	v23 =	vmovc v42;
	v50 =	vld [tilespmem:s0+$0x0];
	v20 =	vmul.f32 $2.771281240e+01, v58;
	v58 =	vsub.f32 v62, v9;
	v3 =	vadd.f32 v3, v40  }
0x266: {  	v42 =	vmovc v59;
	v47 =	vadd.f32 v47, v59;
	s11 =	rddreg [dreg:$0x11];
	v45 =	vmul.f32 $2.771281240e+01, v44;
	v44 =	vld [tilespmem:s26+$0x80];
	[tilespmem:s3+$0x0] =	vst v0;
	v0 =	vsub.f32 v55, v11  }
0x267: {  	s29 =	smov.u32 s14;
	[tilespmem:s11+$0x0] =	vst v57;
	v46 =	vld [tilespmem:s0+$0x80];
	s26 =	rddreg [dreg:$0x13];
	v62 =	vmul.f32 v58, v21;
	v3 =	vsub.f32 v3, v12;
	v1 =	vsub.f32 v1, v11  }
0x268: {  	s14 =	sor.u32 s2, s7;
	v18 =	vmovc v28;
	v28 =	vmov v39;
	v59 =	vld [tilespmem:s29+$0x0];
	[tilespmem:s26+$0x0] =	vst v2;
	v2 =	vsub.f32 v63, v11;
	v63 =	vadd.f32 v20, v60  }
0x269: {  	s7 =	sor.u32 s4, s7;
	v39 =	vmovc v60;
	v61 =	vld [tilespmem:s14+$0x0];
	v60 =	vadd.f32 v45, v56;
	v55 =	vmul.f32 v62, v43;
	v3 =	vmul.f32 v3, v33  }
0x26a: {  	v48 =	vld [tilespmem:s7+$0x0];
	v62 =	vsub.f32 v47, v9;
	v0 =	vmul.f32 v0, v35;
	v57 =	vsub.f32 v63, v9  }
0x26b: {  	s11 =	rddreg [dreg:$0x9];
	v47 =	vld [tilespmem:s14+$0x80];
	v1 =	vmul.f32 v1, v35;
	v55 =	vadd.f32 v55, v44;
	v3 =	vmul.f32 v3, v36  }
0x26c: {  	s5 =	smov.u32 s24;
	s26 =	sadd.s32 s13, s11;
	v45 =	vld [tilespmem:s7+$0x80];
	v63 =	vmul.f32 v62, v21;
	v57 =	vmul.f32 v57, v21  }
0x26d: {  	s24 =	smov.u32 s6;
	v59 =	vmul.f32 $2.771281240e+01, v59;
	s14 =	rddreg [dreg:$0xb];
	s6 =	sadd.s32 s9, s26;
	v58 =	vsub.f32 v60, v9;
	[tilespmem:v8+s15+$0x0 ss:$0x1] =	vst.idx.msk $0xffff, v55;
	v55 =	vld [tilespmem:s5+$0x0];
	v3 =	vadd.f32 v3, v32  }
0x26e: {  	[dreg:$0x11] =	wrdreg s5;
	v20 =	vmovc v29;
	v29 =	vmovc v41;
	v41 =	vmov v56;
	v56 =	vmul.f32 v63, v50;
	s5 =	sadd.s32 s18, s14;
	v57 =	vmul.f32 v57, v61;
	v60 =	vld [tilespmem:s6+$0x0]  }
0x26f: {  	v2 =	vmul.f32 v2, v35;
	v59 =	vadd.f32 v59, v23;
	v62 =	vld [tilespmem:s24+$0x0];
	v58 =	vmul.f32 v58, v21;
	s7 =	sadd.s32 s16, s5;
	[tilespmem:s20+$0x0] =	vst v3  }
0x270: {  	s1 =	sadd.s32 $0x4, s1;
	s8 =	sadd.s32 $0x200, s8;
	v0 =	vmul.f32 v0, v19;
	v3 =	vadd.f32 v56, v46;
	v56 =	vadd.f32 v57, v47;
	v57 =	vld [tilespmem:s7+$0x0]  }
0x271: {  	s10 =	sadd.s32 $0x40, s10;
	p0 =	slt.u32 s1, $0x2C;
	[dreg:$0xf] =	wrdreg s29;
	v1 =	vmul.f32 v1, v22;
	v19 =	vmovc v31;
	v31 =	vmovc v38;
	v38 =	vmov v61;
	v63 =	vld [tilespmem:s28+$0x0];
	v58 =	vmul.f32 v58, v48  }
0x272: {  	s29 =	smov.u32 s28;
	[dreg:$0x13] =	wrdreg s24;
	s0 =	sadd.s32 s30, s26;
	v2 =	vmul.f32 v2, v13;
	v0 =	vadd.f32 v0, v52;
	[tilespmem:v8+s31+$0x0 ss:$0x1] =	vst.idx.msk $0xffff, v3;
	v3 =	vmul.f32 $2.771281240e+01, v55;
	v55 =	vld [tilespmem:s23+$0x0]  }
0x273: {  	s11 =	sadd.s32 s2, s26;
	s3 =	sadd.s32 s4, s26;
	s26 =	smov.u32 s13;
	v1 =	vadd.f32 v1, v54;
	v58 =	vadd.f32 v58, v45;
	v22 =	vld [tilespmem:s0+$0x0];
	[tilespmem:v8+s25+$0x0 ss:$0x1] =	vst.idx.msk $0xffff, v56;
	v56 =	vmul.f32 $2.771281240e+01, v60  }
0x274: {  	s13 =	smov.u32 s23;
	s24 =	smov.u32 s30;
	s30 =	rddreg [dreg:$0x19];
	v13 =	vmovc v25;
	v25 =	vmovc v37;
	v2 =	vadd.f32 v2, v53;
	v52 =	vmul.f32 $2.771281240e+01, v62;
	v60 =	vld [tilespmem:s11+$0x0];
	v3 =	vadd.f32 v3, v28  }
.Ltmp4:
0x275: {  	s18 =	smov.u32 s2;
	v62 =	vsub.f32 v59, v12;
	[tilespmem:v8+s12+$0x0 ss:$0x1] =	vst.idx.msk $0xffff, v58;
	s25 =	rddreg [dreg:$0x17];
	v54 =	vadd.f32 v56, v51;
	v57 =	vmul.f32 $2.771281240e+01, v57;
	(pc) =	sbr.rel @p0 .LBB2_12-.Ltmp4, $4  }
0x276: {  	v37 =	vmovc v50;
	s15 =	sadd.s32 s19, s5;
	s21 =	sadd.s32 s21, s5;
	s14 =	sadd.s32 s17, s5;
	v50 =	vmul.f32 $2.771281240e+01, v63;
	[tilespmem:s25+$0x0] =	vst v2;
	v2 =	vsub.f32 v3, v12;
	v3 =	vadd.f32 v52, v29  }
0x277: {  	s16 =	smov.u32 s9;
	s17 =	smov.u32 s4;
	s31 =	rddreg [dreg:$0x14];
	v58 =	vmul.f32 v62, v33;
	v53 =	vld [tilespmem:s3+$0x0];
	[tilespmem:s30+$0x0] =	vst v0;
	v0 =	vsub.f32 v54, v10;
	v62 =	vadd.f32 v57, v40  }
0x278: {  	s19 =	rddreg [dreg:$0xd];
	s5 =	smov.u32 s22;
	s28 =	smov.u32 s15;
	v56 =	vld [tilespmem:s22+$0x0];
	[tilespmem:s31+$0x0] =	vst v1;
	v59 =	vmul.f32 $2.771281240e+01, v22;
	v40 =	vmovc v51;
	v57 =	vmul.f32 v2, v33;
	v52 =	vsub.f32 v3, v12  }
0x279: {  	s20 =	rddreg [dreg:$0xa];
	s23 =	smov.u32 s21;
	s22 =	smov.u32 s14;
	v22 =	vmovc v24;
	v24 =	vmovc v49;
	v54 =	vmul.f32 $2.771281240e+01, v60;
	v60 =	vmul.f32 v0, v26;
	v51 =	vsub.f32 v62, v11  }
0x27a: {  	_ = 	snop  }
0x27b: {  	v0 =	vmul.f32 v60, v43  }
0x27c: {  	v3 =	vadd.f32 v54, v39  }
0x27d: {  	v21 =	vadd.f32 v59, v42;
	v0 =	vadd.f32 v0, v44  }
0x27e: {  	s1 =	sadd.s32 s26, s20;
	v1 =	vmul.f32 $2.771281240e+01, v53;
	v3 =	vsub.f32 v3, v10  }
0x27f: {  	s2 =	sadd.s32 s16, s1;
	[tilespmem:s6+$0x0] =	vst v0;
	v0 =	vsub.f32 v21, v10  }
0x280: {  	v1 =	vadd.f32 v1, v41;
	v3 =	vmul.f32 v3, v26;
	v2 =	vld [tilespmem:s2+$0x0]  }
0x281: {  	v0 =	vmul.f32 v0, v26  }
0x282: {  	v1 =	vsub.f32 v1, v10;
	v3 =	vmul.f32 v3, v38  }
0x283: {  	v0 =	vmul.f32 v0, v37  }
0x284: {  	v1 =	vmul.f32 v1, v26;
	v3 =	vadd.f32 v3, v47  }
0x285: {  	v2 =	vmul.f32 $2.771281240e+01, v2;
	v0 =	vadd.f32 v0, v46  }
0x286: {  	s4 =	sadd.s32 s18, s1;
	v1 =	vmul.f32 v1, v48;
	[tilespmem:s11+$0x0] =	vst v3  }
0x287: {  	s21 =	sadd.s32 s24, s1;
	v54 =	vld [tilespmem:s4+$0x0];
	v2 =	vadd.f32 v2, v40;
	[tilespmem:s0+$0x0] =	vst v0  }
0x288: {  	v26 =	vadd.f32 v1, v45;
	v53 =	vld [tilespmem:s21+$0x0]  }
0x289: {  	v2 =	vsub.f32 v2, v12  }
0x28a: {  	s1 =	sadd.s32 s17, s1;
	[tilespmem:s3+$0x0] =	vst v26  }
0x28b: {  	v3 =	vld [tilespmem:s1+$0x0];
	v49 =	vmul.f32 v2, v33  }
0x28c: {  	v61 =	vmul.f32 $2.771281240e+01, v55;
	v0 =	vmul.f32 $2.771281240e+01, v54  }
0x28d: {  	v17 =	vadd.f32 v50, v17;
	v1 =	vmul.f32 v49, v43;
	v2 =	vmul.f32 $2.771281240e+01, v53  }
0x28e: {  	v9 =	vmul.f32 v51, v35;
	v62 =	vadd.f32 v61, v18;
	v0 =	vadd.f32 v0, v39  }
0x28f: {  	v21 =	vmul.f32 v58, v25;
	v1 =	vadd.f32 v1, v44;
	v2 =	vadd.f32 v2, v42  }
0x290: {  	v58 =	vmul.f32 v57, v31;
	s0 =	rddreg [dreg:$0xb];
	v3 =	vmul.f32 $2.771281240e+01, v3;
	v0 =	vsub.f32 v0, v12  }
0x291: {  	v10 =	vmul.f32 v52, v33;
	v59 =	vadd.f32 v21, v30;
	s8 =	sadd.s32 s26, s0;
	[tilespmem:s2+$0x0] =	vst v1;
	v2 =	vsub.f32 v2, v12  }
0x292: {  	v9 =	vmul.f32 v9, v36;
	s0 =	sadd.s32 s16, s8;
	v3 =	vadd.f32 v3, v41;
	v0 =	vmul.f32 v0, v33;
	s2 =	rddreg [dreg:$0xf]  }
0x293: {  	v10 =	vmul.f32 v10, v24;
	v26 =	vadd.f32 v58, v27;
	v60 =	vld [tilespmem:s0+$0x0];
	v2 =	vmul.f32 v2, v33;
	[tilespmem:s2+$0x0] =	vst v59  }
0x294: {  	v49 =	vmul.f32 $2.771281240e+01, v56;
	v3 =	vsub.f32 v3, v12;
	v0 =	vmul.f32 v0, v38;
	s2 =	rddreg [dreg:$0x11]  }
0x295: {  	v36 =	vsub.f32 v17, v11;
	v10 =	vadd.f32 v10, v34;
	v2 =	vmul.f32 v2, v37;
	[tilespmem:s2+$0x0] =	vst v26  }
0x296: {  	v20 =	vadd.f32 v49, v20;
	v3 =	vmul.f32 v3, v33;
	v49 =	vld [tilespmem:s28+$0x0];
	v0 =	vadd.f32 v0, v47;
	s2 =	rddreg [dreg:$0x13]  }
0x297: {  	v1 =	vmul.f32 v36, v35;
	v12 =	vsub.f32 v62, v11;
	v50 =	vld [tilespmem:s23+$0x0];
	v2 =	vadd.f32 v2, v46;
	[tilespmem:s2+$0x0] =	vst v10  }
0x298: {  	s26 =	sadd.s32 s18, s8;
	v3 =	vmul.f32 v3, v48;
	v63 =	vmul.f32 $2.771281240e+01, v60;
	v10 =	vsub.f32 v20, v11;
	[tilespmem:s4+$0x0] =	vst v0;
	v51 =	vld [tilespmem:s22+$0x0]  }
0x299: {  	v9 =	vadd.f32 v9, v32;
	s25 =	sadd.s32 s24, s8;
	v1 =	vmul.f32 v1, v13;
	v12 =	vmul.f32 v12, v35;
	v55 =	vld [tilespmem:s26+$0x0];
	[tilespmem:s21+$0x0] =	vst v2  }
0x29a: {  	v52 =	vadd.f32 v3, v45;
	v18 =	vadd.f32 v63, v40;
	v3 =	vmul.f32 v10, v35;
	v53 =	vld [tilespmem:s25+$0x0]  }
0x29b: {  	v1 =	vadd.f32 v1, v15;
	v10 =	vmul.f32 v12, v19;
	v56 =	vmul.f32 $2.771281240e+01, v49  }
0x29c: {  	v18 =	vsub.f32 v18, v11;
	v3 =	vmul.f32 v3, v22;
	v58 =	vmul.f32 $2.771281240e+01, v50  }
0x29d: {  	v10 =	vadd.f32 v10, v14;
	v13 =	vadd.f32 v56, v23;
	v59 =	vmul.f32 $2.771281240e+01, v51  }
0x29e: {  	v3 =	vadd.f32 v3, v16;
	v14 =	vadd.f32 v58, v28;
	v2 =	vmul.f32 $2.771281240e+01, v55  }
0x29f: {  	v13 =	vsub.f32 v13, v11;
	v0 =	vmul.f32 $2.771281240e+01, v53;
	v16 =	vadd.f32 v59, v29  }
0x2a0: {  	v54 =	vmul.f32 v18, v35;
	v14 =	vsub.f32 v14, v11;
	v2 =	vadd.f32 v2, v39  }
0x2a1: {  	[tilespmem:s7+$0x0] =	vst v9;
	v13 =	vmul.f32 v13, v35;
	v0 =	vadd.f32 v0, v42;
	v16 =	vsub.f32 v16, v11  }
0x2a2: {  	s30 =	sadd.s32 s17, s8;
	[tilespmem:s1+$0x0] =	vst v52;
	v12 =	vmul.f32 v54, v43;
	v9 =	vmul.f32 v14, v35;
	v2 =	vsub.f32 v2, v11  }
0x2a3: {  	[tilespmem:s29+$0x0] =	vst v1;
	v57 =	vld [tilespmem:s30+$0x0];
	v13 =	vmul.f32 v13, v25;
	v0 =	vsub.f32 v0, v11;
	v61 =	vmul.f32 v16, v35  }
0x2a4: {  	[tilespmem:s13+$0x0] =	vst v10;
	v12 =	vadd.f32 v12, v44;
	v9 =	vmul.f32 v9, v31;
	v2 =	vmul.f32 v2, v35  }
0x2a5: {  	[tilespmem:s5+$0x0] =	vst v3;
	v3 =	vadd.f32 v13, v30;
	v0 =	vmul.f32 v0, v35;
	v1 =	vmul.f32 v61, v24  }
0x2a6: {  	[tilespmem:s0+$0x0] =	vst v12;
	v9 =	vadd.f32 v9, v27;
	v2 =	vmul.f32 v2, v38  }
0x2a7: {  	[tilespmem:s28+$0x0] =	vst v3;
	v0 =	vmul.f32 v0, v37;
	v1 =	vadd.f32 v1, v34  }
0x2a8: {  	v15 =	vmul.f32 $2.771281240e+01, v57;
	[tilespmem:s23+$0x0] =	vst v9;
	v62 =	vadd.f32 v2, v47  }
0x2a9: {  	v0 =	vadd.f32 v0, v46;
	[tilespmem:s22+$0x0] =	vst v1  }
0x2aa: {  	v60 =	vadd.f32 v15, v41;
	[tilespmem:s26+$0x0] =	vst v62  }
0x2ab: {  	[tilespmem:s25+$0x0] =	vst v0  }
0x2ac: {  	v10 =	vsub.f32 v60, v11;
	s1 =	sld [smem:$0x7E9];
	_ =	sdelay $0x1  }
0x2ad: {  	v10 =	vmul.f32 v10, v35  }
0x2ae: {  	p0 =	slt.u32 s1, $0x6  }
.Ltmp5:
0x2af: {  	v3 =	vmul.f32 v10, v48;
	(pc) =	sbr.rel @p0 .LBB2_5-.Ltmp5, $4  }
0x2b0: {  	_ = 	snop  }
0x2b1: {  	v63 =	vadd.f32 v3, v45  }
0x2b2: {  	s31 =	sadd.s32 $0x2, s1  }
0x2b3: {  	[tilespmem:s30+$0x0] =	vst v63;
	s1 =	smov.u32 s31  }
0x2b4: {  	s1 =	sld [smem:$0x7EC];
	_ =	sdelay $0x1  }
0x2b5: {  	s0 =	rddreg [dreg:$0x1b]  }
0x2b6: {  	s25 =	sld [smem:$0x7ED];
	s0 =	sor.u32 s0, s1  }
0x2b7: {  	s2 =	rddreg [dreg:$0x4];
	s0 =	smul.u32 $0x1800, s0  }
0x2b8: {  	s26 =	sld [smem:$0x7F1]  }
0x2b9: {  	s3 =	simm.s32 $0x0;
	s11 =	sld [smem:$0x7EB];
	s0 =	sshrl.u32 s0, $0x3  }
0x2ba: {  	s4 =	sld [smem:$0x7EE];
	s1 =	sadd.s32 $0x7, s25;
	s0 =	sadd.s32 s2, s0  }
0x2bb: {  	[hbm4b:s0+s3] =	stream.linear.scatter [tilespmem:s26], [sflag:s1], $0x1800, $0x38;
	[tilespmem:$0x17E00] =	vst v63  }
0x2bc: {  	s30 =	sld [smem:$0x7EF];
	p0 =	sne.s32 s11, $0x20;
	s28 =	sadd.s32 $0xC0000, s0  }
0x2bd: {  	[hbm4b:s28+s3] =	stream.linear.scatter [tilespmem:s4], [sflag:s1], $0x1800, $0x38;
	[tilespmem:$0x17E00] =	vst v63  }
.Ltmp6:
0x2be: {  	_ = 	snop;
	(pc) =	sbr.rel @p0 .LBB2_2-.Ltmp6, $4  }
0x2bf: {  	s31 =	sld [smem:$0x7F0];
	s29 =	sadd.s32 $0x180000, s0  }
0x2c0: {  	[hbm4b:s29+s3] =	stream.linear.scatter [tilespmem:s30], [sflag:s1], $0x1800, $0x38;
	[tilespmem:$0x17E00] =	vst v63  }
0x2c1: {  	s0 =	sadd.s32 $0x240000, s0  }
0x2c2: {  	[hbm4b:s0+s3] =	stream.linear.scatter [tilespmem:s31], [sflag:s1], $0x1800, $0x38;
	[tilespmem:$0x17E00] =	vst v63  }
0x2c3: {  	s0 =	simm.s32 $0x7  }
0x2c4: {  	_ =	swait.ge [sflag:s0], $0x1800  }
0x2c5: {  	[sflag:s0] =	ssyncset.done $0x0  }
0x2c6: {  	[sflag:s0] =	ssyncadd.s32 $0xFFFFE800  }
0x2c7: {  	_ =	swait.ge [sflag:s0], $0x1800  }
0x2c8: {  	[sflag:s0] =	ssyncset.done $0x0  }
0x2c9: {  	[sflag:s0] =	ssyncadd.s32 $0xFFFFE800  }
0x2ca: {  	_ =	swait.ge [sflag:s0], $0x1800  }
0x2cb: {  	[sflag:s0] =	ssyncset.done $0x0  }
0x2cc: {  	[sflag:s0] =	ssyncadd.s32 $0xFFFFE800  }
0x2cd: {  	_ =	swait.ge [sflag:s0], $0x1800  }
0x2ce: {  	[sflag:s0] =	ssyncset.done $0x0  }
0x2cf: {  	s30 =	simm.s32 $0x8;
	[sflag:s0] =	ssyncadd.s32 $0xFFFFE800  }
0x2d0: {  	_ =	swait.ge [sflag:s30], $0x1800  }
0x2d1: {  	[sflag:s30] =	ssyncset.done $0x0  }
0x2d2: {  	[sflag:s30] =	ssyncadd.s32 $0xFFFFE800  }
0x2d3: {  	_ =	swait.ge [sflag:s30], $0x1800  }
0x2d4: {  	[sflag:s30] =	ssyncset.done $0x0  }
0x2d5: {  	[sflag:s30] =	ssyncadd.s32 $0xFFFFE800  }
0x2d6: {  	_ =	swait.ge [sflag:s30], $0x1800  }
0x2d7: {  	[sflag:s30] =	ssyncset.done $0x0  }
0x2d8: {  	[sflag:s30] =	ssyncadd.s32 $0xFFFFE800  }
0x2d9: {  	_ =	swait.ge [sflag:s30], $0x1800  }
0x2da: {  	[sflag:s30] =	ssyncset.done $0x0  }
0x2db: {  	s1 =	simm.s32 $0x9;
	[sflag:s30] =	ssyncadd.s32 $0xFFFFE800  }
0x2dc: {  	_ =	swait.ge [sflag:s1], $0x1800  }
0x2dd: {  	[sflag:s1] =	ssyncset.done $0x0  }
0x2de: {  	[sflag:s1] =	ssyncadd.s32 $0xFFFFE800  }
0x2df: {  	_ =	swait.ge [sflag:s1], $0x1800  }
0x2e0: {  	[sflag:s1] =	ssyncset.done $0x0  }
0x2e1: {  	[sflag:s1] =	ssyncadd.s32 $0xFFFFE800  }
0x2e2: {  	_ =	swait.ge [sflag:s1], $0x1800  }
0x2e3: {  	[sflag:s1] =	ssyncset.done $0x0  }
0x2e4: {  	[sflag:s1] =	ssyncadd.s32 $0xFFFFE800  }
0x2e5: {  	_ =	swait.ge [sflag:s1], $0x1800  }
0x2e6: {  	s2 =	sld [smem:$0x7F2]  }
0x2e7: {  	s31 =	sld [smem:$0x7F3];
	_ =	sdelay $0x1  }
0x2e8: {  	s2 =	sadd.s32 $0x1, s2  }
0x2e9: {  	p0 =	sne.s32 s2, s31  }
.Ltmp7:
0x2ea: {  	_ = 	snop;
	(pc) =	sbr.rel @p0 .LBB2_1-.Ltmp7, $3  }
0x2eb: {  	_ =	sdelay $0x1  }
0x2ec: {  	[sflag:s1] =	ssyncset.done $0x0  }
0x2ed: {  	[sflag:s1] =	ssyncadd.s32 $0xFFFFE800  }
0x2ee: {  	_ =	sfence.sel $0x180000  }
0x2ef: {  	[bflag:$0x0] =	sbarrier.arrive $0xFFFF  }
0x2f0: {  	_ =	strace $0x90000047  }
0x2f1: {  	s0 =	stileid.u32;
	[bflag:$0x2] =	sbarrier.arrive $0xFFFF  }
0x2f2: {  	p0 =	sne.s32 s0, $0x0;
	s0 =	rddreg [dreg:$0x5]  }
0x2f3: {  	s0 =	sadd.s32 @!p0 $0x100000, s0  }
0x2f4: {  	[sflag:s0] =	ssyncadd.tile.s32 @!p0 $0x1;
	_ =	shalt  }
.Lfunc_end2:
_tile_overlayer_lowered:
.L_overlay_start_2:
0x2f5: {  	(tag) =	ssettag $0x2  }
0x2f6: {  	s0 =	rddreg [dreg:$0x0];
	s2 =	stileid.u32  }
0x2f7: {  	s1 =	rddreg [dreg:$0x1];
	p0 =	sne.s32 s2, $0x0  }
0x2f8: {  	s3 =	rddreg [dreg:$0x2];
	[bflag:$0x3] =	sbarrier.arrive $0xFFFF;
	s2 =	simm.s32 @!p0 $0x1C0A  }
0x2f9: {  	[timem:s3], [sflag:s2] =	dma.local @!p0 [hbm:s0], s1  }
0x2fa: {  	s0 =	simm.s32 @!p0 $0xA  }
0x2fb: {  	_ =	swait.ge @!p0 [sflag:s0], s1  }
0x2fc: {  	s1 =	ssub.s32 @!p0 $0x0, s1;
	[sflag:s0] =	ssyncset.done @!p0 $0x0  }
0x2fd: {  	[sflag:s0] =	ssyncadd.s32 @!p0 s1  }
0x2fe: {  	[bflag:$0x3] =	sbarrier.arrive $0xFFFF  }
0x2ff: {  	_ =	shalt  }

</sc_bundles>
